<compile_context>
chip_gen: v7x
topology: tpu7x:2x2x1
jax: 0.10.2.dev20260603
libtpu: 0.0.44.dev20260713+nightly
codegen_flags: <defaults>
</compile_context>

<pallas_src>
import functools

import jax
import jax.numpy as jnp
from jax import lax
from jax.experimental import pallas as pl
from jax.experimental.pallas import tpu as pltpu
from jax.experimental.pallas import tpu_sc as plsc

N = 10000
E = 320000
D = 128
NC = 2
NS = 16
NW = NC * NS
K = 128
ETOT = E + N
CH = 2 * (-(-ETOT // (NW * K * 2)))
EPT = CH * K
EP = NW * EPT
PAD = EP - ETOT
NP = 10240
RPT = NP // NS
TCB = 512


def _lin2(xp, Wl, bl, Wr, br):
    def body(x_ref, wl_ref, bl_ref, wr_ref, br_ref, xl_ref, xr_ref):
        xv = x_ref[...]
        xl_ref[...] = jnp.dot(xv, wl_ref[...],
                              preferred_element_type=jnp.float32) + bl_ref[...]
        xr_ref[...] = jnp.dot(xv, wr_ref[...],
                              preferred_element_type=jnp.float32) + br_ref[...]

    return pl.pallas_call(
        body,
        grid=(NP // TCB,),
        in_specs=[
            pl.BlockSpec((TCB, D), lambda i: (i, 0)),
            pl.BlockSpec((D, D), lambda i: (0, 0)),
            pl.BlockSpec((1, D), lambda i: (0, 0)),
            pl.BlockSpec((D, D), lambda i: (0, 0)),
            pl.BlockSpec((1, D), lambda i: (0, 0)),
        ],
        out_specs=[
            pl.BlockSpec((TCB, D), lambda i: (i, 0)),
            pl.BlockSpec((TCB, D), lambda i: (i, 0)),
        ],
        out_shape=[jax.ShapeDtypeStruct((NP, D), jnp.float32)] * 2,
    )(xp, Wl, bl.reshape(1, D), Wr, br.reshape(1, D))


def _combine_lin2(num, den, bias, Wl, bl, Wr, br):
    def body(num_ref, den_ref, b_ref, wl_ref, bl_ref, wr_ref, br_ref,
             xl_ref, xr_ref):
        ns = num_ref[0] + num_ref[1]
        dsum = jnp.maximum(jnp.sum(den_ref[...], axis=0), 1e-30)
        h = ns / dsum[:, None] + b_ref[...]
        h = jnp.maximum(h, 0.0)
        xl_ref[...] = jnp.dot(h, wl_ref[...],
                              preferred_element_type=jnp.float32) + bl_ref[...]
        xr_ref[...] = jnp.dot(h, wr_ref[...],
                              preferred_element_type=jnp.float32) + br_ref[...]

    return pl.pallas_call(
        body,
        grid=(NP // TCB,),
        in_specs=[
            pl.BlockSpec((NC, TCB, D), lambda i: (0, i, 0)),
            pl.BlockSpec((NW, TCB), lambda i: (0, i)),
            pl.BlockSpec((1, D), lambda i: (0, 0)),
            pl.BlockSpec((D, D), lambda i: (0, 0)),
            pl.BlockSpec((1, D), lambda i: (0, 0)),
            pl.BlockSpec((D, D), lambda i: (0, 0)),
            pl.BlockSpec((1, D), lambda i: (0, 0)),
        ],
        out_specs=[
            pl.BlockSpec((TCB, D), lambda i: (i, 0)),
            pl.BlockSpec((TCB, D), lambda i: (i, 0)),
        ],
        out_shape=[jax.ShapeDtypeStruct((NP, D), jnp.float32)] * 2,
    )(num, den, bias.reshape(1, D), Wl, bl.reshape(1, D), Wr, br.reshape(1, D))


def _combine_final(num, den, bias):
    def body(num_ref, den_ref, b_ref, o_ref):
        ns = num_ref[0] + num_ref[1]
        dsum = jnp.maximum(jnp.sum(den_ref[...], axis=0), 1e-30)
        o_ref[...] = ns / dsum[:, None] + b_ref[...]

    return pl.pallas_call(
        body,
        grid=(NP // TCB,),
        in_specs=[
            pl.BlockSpec((NC, TCB, D), lambda i: (0, i, 0)),
            pl.BlockSpec((NW, TCB), lambda i: (0, i)),
            pl.BlockSpec((1, D), lambda i: (0, 0)),
        ],
        out_specs=pl.BlockSpec((TCB, D), lambda i: (i, 0)),
        out_shape=jax.ShapeDtypeStruct((NP, D), jnp.float32),
    )(num, den, bias.reshape(1, D))


def _tc_edge(XLg, XRg, att):
    EB = 2048

    def body(xl_ref, xr_ref, att_ref, s_ref, p_ref):
        xlv = xl_ref[...]
        z = xlv + xr_ref[...]
        lz = jnp.where(z >= 0, z, 0.2 * z)
        logit = jnp.dot(lz, att_ref[...],
                        preferred_element_type=jnp.float32)
        pv = jnp.exp(logit)
        s_ref[...] = xlv * pv
        p_ref[...] = pv[:, 0]

    S, p = pl.pallas_call(
        body,
        grid=(EP // EB,),
        in_specs=[
            pl.BlockSpec((EB, D), lambda i: (i, 0)),
            pl.BlockSpec((EB, D), lambda i: (i, 0)),
            pl.BlockSpec((D, 1), lambda i: (0, 0)),
        ],
        out_specs=[
            pl.BlockSpec((EB, D), lambda i: (i, 0)),
            pl.BlockSpec((EB,), lambda i: (i,)),
        ],
        out_shape=[
            jax.ShapeDtypeStruct((EP, D), jnp.float32),
            jax.ShapeDtypeStruct((EP,), jnp.float32),
        ],
    )(XLg, XRg, att.reshape(D, 1))
    return S, p


def _sc_gather(xl, xr, src, dst):
    mesh = plsc.VectorSubcoreMesh(core_axis_name="c", subcore_axis_name="s")

    @functools.partial(
        pl.kernel,
        out_type=[jax.ShapeDtypeStruct((EP, D), jnp.float32)] * 2,
        mesh=mesh,
        compiler_params=pltpu.CompilerParams(needs_layout_passes=False),
        scratch_types=[
            pltpu.VMEM((K,), jnp.int32),
            pltpu.VMEM((K,), jnp.int32),
            pltpu.VMEM((K,), jnp.int32),
            pltpu.VMEM((K,), jnp.int32),
            pltpu.VMEM((K, D), jnp.float32),
            pltpu.VMEM((K, D), jnp.float32),
            pltpu.VMEM((K, D), jnp.float32),
            pltpu.VMEM((K, D), jnp.float32),
            pltpu.SemaphoreType.DMA,
            pltpu.SemaphoreType.DMA,
            pltpu.SemaphoreType.DMA,
            pltpu.SemaphoreType.DMA,
            pltpu.SemaphoreType.DMA,
            pltpu.SemaphoreType.DMA,
        ],
    )
    def sck(xl_hbm, xr_hbm, src_hbm, dst_hbm, xlg_hbm, xrg_hbm,
            srcv0, srcv1, dstv0, dstv1, xlr0, xlr1, xrr0, xrr1,
            sem_idx0, sem_idx1, sem_rows0, sem_rows1, sem_out0, sem_out1):
        c = lax.axis_index("c")
        s = lax.axis_index("s")
        wid = c * NS + s
        srcv = (srcv0, srcv1)
        dstv = (dstv0, dstv1)
        xlr = (xlr0, xlr1)
        xrr = (xrr0, xrr1)
        sem_idx = (sem_idx0, sem_idx1)
        sem_rows = (sem_rows0, sem_rows1)
        sem_out = (sem_out0, sem_out1)

        def issue_idx(ch, b):
            base = wid * EPT + jnp.minimum(ch, CH - 1) * K
            pltpu.async_copy(src_hbm.at[pl.ds(base, K)], srcv[b], sem_idx[b])
            pltpu.async_copy(dst_hbm.at[pl.ds(base, K)], dstv[b], sem_idx[b])

        def wait_idx(b):
            pltpu.make_async_copy(src_hbm.at[pl.ds(0, K)], srcv[b],
                                  sem_idx[b]).wait()
            pltpu.make_async_copy(dst_hbm.at[pl.ds(0, K)], dstv[b],
                                  sem_idx[b]).wait()

        def issue_rows(b):
            pltpu.async_copy(xl_hbm.at[srcv[b]], xlr[b], sem_rows[b])
            pltpu.async_copy(xr_hbm.at[dstv[b]], xrr[b], sem_rows[b])

        def wait_rows(b):
            pltpu.make_async_copy(xl_hbm.at[srcv[b]], xlr[b],
                                  sem_rows[b]).wait()
            pltpu.make_async_copy(xr_hbm.at[dstv[b]], xrr[b],
                                  sem_rows[b]).wait()

        def issue_out(g, b):
            base = wid * EPT + g * K
            pltpu.async_copy(xlr[b], xlg_hbm.at[pl.ds(base, K), :],
                             sem_out[b])
            pltpu.async_copy(xrr[b], xrg_hbm.at[pl.ds(base, K), :],
                             sem_out[b])

        def wait_out(b):
            pltpu.make_async_copy(xlr[b], xlg_hbm.at[pl.ds(0, K), :],
                                  sem_out[b]).wait()
            pltpu.make_async_copy(xrr[b], xrg_hbm.at[pl.ds(0, K), :],
                                  sem_out[b]).wait()

        issue_idx(0, 0)
        issue_idx(1, 1)
        wait_idx(0)
        issue_rows(0)

        wait_rows(0)
        wait_idx(1)
        issue_rows(1)
        issue_out(0, 0)
        issue_idx(2, 0)

        @pl.loop(1, CH - 1, step=2)
        def _(g0):
            for i in range(2):
                b = 1 - i
                nb = 1 - b
                g = g0 + i
                wait_rows(b)
                wait_idx(nb)
                wait_out(nb)
                issue_rows(nb)
                issue_out(g, b)
                issue_idx(g + 2, b)

        wait_rows(1)
        wait_out(0)
        issue_out(CH - 1, 1)

        wait_out(1)
        wait_idx(0)

    return sck(xl, xr, src, dst)


def _sc_scatter(S, p, dst):
    mesh = plsc.VectorSubcoreMesh(core_axis_name="c", subcore_axis_name="s")

    @functools.partial(
        pl.kernel,
        out_type=[
            jax.ShapeDtypeStruct((NC, NP, D), jnp.float32),
            jax.ShapeDtypeStruct((NW, NP), jnp.float32),
        ],
        mesh=mesh,
        compiler_params=pltpu.CompilerParams(needs_layout_passes=False),
        scratch_types=[
            pltpu.VMEM((K,), jnp.int32),
            pltpu.VMEM((K,), jnp.int32),
            pltpu.VMEM((K, D), jnp.float32),
            pltpu.VMEM((K, D), jnp.float32),
            pltpu.VMEM((K,), jnp.float32),
            pltpu.VMEM((K,), jnp.float32),
            pltpu.VMEM((NP,), jnp.float32),
            pltpu.VMEM_SHARED((NP, D), jnp.float32),
            pltpu.SemaphoreType.DMA,
            pltpu.SemaphoreType.DMA,
        ],
    )
    def sck(s_hbm, p_hbm, dst_hbm, num_hbm, den_hbm,
            dstv0, dstv1, srows0, srows1, pv0, pv1, denv, numsh,
            sem_in0, sem_in1):
        c = lax.axis_index("c")
        s = lax.axis_index("s")
        wid = c * NS + s
        z16 = jnp.zeros((16,), jnp.float32)
        dstv = (dstv0, dstv1)
        srows = (srows0, srows1)
        pv = (pv0, pv1)
        sem_in = (sem_in0, sem_in1)

        def issue_in(ch, b):
            base = wid * EPT + jnp.minimum(ch, CH - 1) * K
            pltpu.async_copy(dst_hbm.at[pl.ds(base, K)], dstv[b], sem_in[b])
            pltpu.async_copy(s_hbm.at[pl.ds(base, K), :], srows[b], sem_in[b])
            pltpu.async_copy(p_hbm.at[pl.ds(base, K)], pv[b], sem_in[b])

        def wait_in(b):
            pltpu.make_async_copy(dst_hbm.at[pl.ds(0, K)], dstv[b],
                                  sem_in[b]).wait()
            pltpu.make_async_copy(s_hbm.at[pl.ds(0, K), :], srows[b],
                                  sem_in[b]).wait()
            pltpu.make_async_copy(p_hbm.at[pl.ds(0, K)], pv[b],
                                  sem_in[b]).wait()

        @pl.loop(0, K)
        def _(r):
            for t in range(D // 16):
                srows0[r, pl.ds(t * 16, 16)] = z16

        @pl.loop(0, NP // 16)
        def _(i):
            denv[pl.ds(i * 16, 16)] = z16

        for t in range(RPT // K):
            pltpu.sync_copy(srows0, numsh.at[pl.ds(s * RPT + t * K, K), :])

        issue_in(0, 0)
        issue_in(1, 1)
        plsc.subcore_barrier()

        @pl.loop(0, CH, step=2)
        def _(g0):
            for b in range(2):
                g = g0 + b
                wait_in(b)
                for q in range(K // 16):
                    plsc.addupdate_scatter(denv,
                                           [dstv[b][pl.ds(q * 16, 16)]],
                                           pv[b][pl.ds(q * 16, 16)])
                pltpu.sync_copy(srows[b], numsh.at[dstv[b]], add=True)
                issue_in(g + 2, b)

        wait_in(0)
        wait_in(1)
        plsc.subcore_barrier()

        pltpu.sync_copy(denv, den_hbm.at[wid])
        pltpu.sync_copy(numsh.at[pl.ds(s * RPT, RPT), :],
                        num_hbm.at[c].at[pl.ds(s * RPT, RPT), :])

    return sck(S, p, dst)


def _edge_pass(xl, xr, src, dst, att):
    XLg, XRg = _sc_gather(xl, xr, src, dst)
    S, p = _tc_edge(XLg, XRg, att)
    return _sc_scatter(S, p, dst)


def kernel(x, edge_index, Wl1, bl1, Wr1, br1, att1, bias1,
           Wl2, bl2, Wr2, br2, att2, bias2):
    loop = jnp.arange(N, dtype=jnp.int32)
    src = jnp.concatenate([edge_index[0], loop,
                           jnp.full((PAD,), N, jnp.int32)])
    dst = jnp.concatenate([edge_index[1], loop,
                           jnp.full((PAD,), N, jnp.int32)])
    xp = jnp.zeros((NP, D), jnp.float32).at[:N].set(x)

    xl1, xr1 = _lin2(xp, Wl1, bl1, Wr1, br1)
    num1, den1 = _edge_pass(xl1, xr1, src, dst, att1)
    xl2, xr2 = _combine_lin2(num1, den1, bias1, Wl2, bl2, Wr2, br2)
    num2, den2 = _edge_pass(xl2, xr2, src, dst, att2)
    out = _combine_final(num2, den2, bias2)
    return out[:N]

# --- scband reference (transcript-rebuilt; emitter-appended) ---
"""Pipeline reference for scband-graph-feature-extractor-89369679495223 (READ-ONLY COPY).

The authoritative reference and input builder live on the scoring server;
editing this copy changes nothing except your own understanding.
"""

import jax, jax.numpy as jnp
import numpy as np

N = 10000
E = 320000
D = 128

def setup_inputs(seed: int = 0) -> dict:
    key = jax.random.key(seed)
    ks = jax.random.split(key, 16)
    x = jax.random.normal(ks[0], (N, D), dtype=jnp.float32)
    edge_index = jax.random.randint(ks[1], (2, E), 0, N, dtype=jnp.int32)
    s = 0.05
    inp = {
        'x': x,
        'edge_index': edge_index,
        'Wl1': jax.random.normal(ks[2], (D, D), dtype=jnp.float32) * s,
        'bl1': jnp.zeros((D,), dtype=jnp.float32),
        'Wr1': jax.random.normal(ks[3], (D, D), dtype=jnp.float32) * s,
        'br1': jnp.zeros((D,), dtype=jnp.float32),
        'att1': jax.random.normal(ks[4], (D,), dtype=jnp.float32) * s,
        'bias1': jnp.zeros((D,), dtype=jnp.float32),
        'Wl2': jax.random.normal(ks[5], (D, D), dtype=jnp.float32) * s,
        'bl2': jnp.zeros((D,), dtype=jnp.float32),
        'Wr2': jax.random.normal(ks[6], (D, D), dtype=jnp.float32) * s,
        'br2': jnp.zeros((D,), dtype=jnp.float32),
        'att2': jax.random.normal(ks[7], (D,), dtype=jnp.float32) * s,
        'bias2': jnp.zeros((D,), dtype=jnp.float32),
    }
    return inp

def _gatv2_layer(x, src, dst, Wl, bl, Wr, br, att, bias):
    # GATv2Conv, heads=1, concat=True, add_self_loops handled by caller
    xl = x @ Wl + bl          # lin_l(x): source transform [N, D]
    xr = x @ Wr + br          # lin_r(x): target transform [N, D]
    e = jax.nn.leaky_relu(xl[src] + xr[dst], negative_slope=0.2)  # [E', D]
    logits = (e * att).sum(axis=-1)                                # [E']
    m = jax.ops.segment_max(logits, dst, num_segments=N)
    m = jnp.where(jnp.isfinite(m), m, 0.0)
    a = jnp.exp(logits - m[dst])
    den = jax.ops.segment_sum(a, dst, num_segments=N)
    alpha = a / den[dst]                                           # softmax over incoming edges
    out = jax.ops.segment_sum(xl[src] * alpha[:, None], dst, num_segments=N)
    return out + bias

def reference(x, edge_index, Wl1, bl1, Wr1, br1, att1, bias1, Wl2, bl2, Wr2, br2, att2, bias2):
    loop = jnp.arange(N, dtype=edge_index.dtype)
    src = jnp.concatenate([edge_index[0], loop])  # add self loops (PyG default)
    dst = jnp.concatenate([edge_index[1], loop])
    h = _gatv2_layer(x, src, dst, Wl1, bl1, Wr1, br1, att1, bias1)
    h = jax.nn.relu(h)
    out = _gatv2_layer(h, src, dst, Wl2, bl2, Wr2, br2, att2, bias2)
    return out

if __name__ == "__main__":
    import jax
    _d = setup_inputs()
    print(jax.jit(kernel)(*tuple(_d.values())))

</pallas_src>

<mosaic_0001>
#map = affine_map<(d0, d1) -> (0, 0)>
#map1 = affine_map<(d0, d1) -> (0)>
#map2 = affine_map<(d0, d1) -> (0, 0, 0)>
module attributes {stable_mosaic.version = 14 : i64} {
  func.func @sck(%arg0: i32, %arg1: i32, %arg2: memref<335872x128xf32, #tpu.memory_space<hbm>>, %arg3: memref<335872xf32, #tpu.memory_space<hbm>>, %arg4: memref<335872xi32, #tpu.memory_space<hbm>>, %arg5: memref<2x10240x128xf32, #tpu.memory_space<hbm>>, %arg6: memref<32x10240xf32, #tpu.memory_space<hbm>>, %arg7: memref<128xi32, #tpu.memory_space<vmem>>, %arg8: memref<128xi32, #tpu.memory_space<vmem>>, %arg9: memref<128x128xf32, #tpu.memory_space<vmem>>, %arg10: memref<128x128xf32, #tpu.memory_space<vmem>>, %arg11: memref<128xf32, #tpu.memory_space<vmem>>, %arg12: memref<128xf32, #tpu.memory_space<vmem>>, %arg13: memref<10240xf32, #tpu.memory_space<vmem>>, %arg14: memref<10240x128xf32, #tpu.memory_space<vmem_shared>>, %arg15: memref<!tpu.dma_semaphore, #tpu.memory_space<semaphore_mem>>, %arg16: memref<!tpu.dma_semaphore, #tpu.memory_space<semaphore_mem>>) attributes {dimension_semantics = [#tpu.dimension_semantics<core_parallel>, #tpu.dimension_semantics<subcore_parallel>], iteration_bounds = array<i64: 2, 16>, scalar_prefetch = 0 : i64, scratch_operands = 10 : i64, tpu.core_type = #tpu.core_type<sc_vector_subcore>, window_params = [{transform_indices = #map}, {transform_indices = #map1}, {transform_indices = #map1}, {transform_indices = #map2}, {transform_indices = #map}]} {
    %mul3A = arith.constant 16 : i32
    %mul3A_0 = arith.muli %arg0, %mul3A : i32
    %add3A = arith.addi %mul3A_0, %arg1 : i32
    %broadcast_in_dim3A = arith.constant 0.000000e+00 : f32
    %broadcast_in_dim3A_1 = vector.broadcast %broadcast_in_dim3A : f32 to vector<16xf32>
    %scan3A = arith.constant 0 : i32
    %scan3A_2 = arith.constant 128 : i32
    %scan3A_3 = arith.addi %scan3A, %scan3A_2 : i32
    %scan3A_4 = arith.constant 1 : i32
    scf.for %scan3A_98 = %scan3A to %scan3A_3 step %scan3A_4  : i32 {
      %mul3A_99 = arith.constant 1 : i32
      %mul3A_100 = arith.muli %scan3A_98, %mul3A_99 : i32
      %add3A_101 = arith.constant 0 : i32
      %add3A_102 = arith.addi %add3A_101, %mul3A_100 : i32
      %swap3A = arith.index_cast %add3A_102 : i32 to index
      %swap3A_103 = arith.constant 0 : index
      %swap3A_104 = tpu.vector_load %arg9[%swap3A, %swap3A_103] {strides = array<i32>} : memref<128x128xf32, #tpu.memory_space<vmem>>, vector<16xf32>,
      tpu.vector_store %arg9[%swap3A, %swap3A_103], %broadcast_in_dim3A_1 {strides = array<i32>} : memref<128x128xf32, #tpu.memory_space<vmem>>, vector<16xf32>,
      %swap3A_105 = arith.index_cast %add3A_102 : i32 to index
      %swap3A_106 = arith.constant 16 : index
      %swap3A_107 = tpu.vector_load %arg9[%swap3A_105, %swap3A_106] {strides = array<i32>} : memref<128x128xf32, #tpu.memory_space<vmem>>, vector<16xf32>,
      tpu.vector_store %arg9[%swap3A_105, %swap3A_106], %broadcast_in_dim3A_1 {strides = array<i32>} : memref<128x128xf32, #tpu.memory_space<vmem>>, vector<16xf32>,
      %swap3A_108 = arith.index_cast %add3A_102 : i32 to index
      %swap3A_109 = arith.constant 32 : index
      %swap3A_110 = tpu.vector_load %arg9[%swap3A_108, %swap3A_109] {strides = array<i32>} : memref<128x128xf32, #tpu.memory_space<vmem>>, vector<16xf32>,
      tpu.vector_store %arg9[%swap3A_108, %swap3A_109], %broadcast_in_dim3A_1 {strides = array<i32>} : memref<128x128xf32, #tpu.memory_space<vmem>>, vector<16xf32>,
      %swap3A_111 = arith.index_cast %add3A_102 : i32 to index
      %swap3A_112 = arith.constant 48 : index
      %swap3A_113 = tpu.vector_load %arg9[%swap3A_111, %swap3A_112] {strides = array<i32>} : memref<128x128xf32, #tpu.memory_space<vmem>>, vector<16xf32>,
      tpu.vector_store %arg9[%swap3A_111, %swap3A_112], %broadcast_in_dim3A_1 {strides = array<i32>} : memref<128x128xf32, #tpu.memory_space<vmem>>, vector<16xf32>,
      %swap3A_114 = arith.index_cast %add3A_102 : i32 to index
      %swap3A_115 = arith.constant 64 : index
      %swap3A_116 = tpu.vector_load %arg9[%swap3A_114, %swap3A_115] {strides = array<i32>} : memref<128x128xf32, #tpu.memory_space<vmem>>, vector<16xf32>,
      tpu.vector_store %arg9[%swap3A_114, %swap3A_115], %broadcast_in_dim3A_1 {strides = array<i32>} : memref<128x128xf32, #tpu.memory_space<vmem>>, vector<16xf32>,
      %swap3A_117 = arith.index_cast %add3A_102 : i32 to index
      %swap3A_118 = arith.constant 80 : index
      %swap3A_119 = tpu.vector_load %arg9[%swap3A_117, %swap3A_118] {strides = array<i32>} : memref<128x128xf32, #tpu.memory_space<vmem>>, vector<16xf32>,
      tpu.vector_store %arg9[%swap3A_117, %swap3A_118], %broadcast_in_dim3A_1 {strides = array<i32>} : memref<128x128xf32, #tpu.memory_space<vmem>>, vector<16xf32>,
      %swap3A_120 = arith.index_cast %add3A_102 : i32 to index
      %swap3A_121 = arith.constant 96 : index
      %swap3A_122 = tpu.vector_load %arg9[%swap3A_120, %swap3A_121] {strides = array<i32>} : memref<128x128xf32, #tpu.memory_space<vmem>>, vector<16xf32>,
      tpu.vector_store %arg9[%swap3A_120, %swap3A_121], %broadcast_in_dim3A_1 {strides = array<i32>} : memref<128x128xf32, #tpu.memory_space<vmem>>, vector<16xf32>,
      %swap3A_123 = arith.index_cast %add3A_102 : i32 to index
      %swap3A_124 = arith.constant 112 : index
      %swap3A_125 = tpu.vector_load %arg9[%swap3A_123, %swap3A_124] {strides = array<i32>} : memref<128x128xf32, #tpu.memory_space<vmem>>, vector<16xf32>,
      tpu.vector_store %arg9[%swap3A_123, %swap3A_124], %broadcast_in_dim3A_1 {strides = array<i32>} : memref<128x128xf32, #tpu.memory_space<vmem>>, vector<16xf32>,
    }
    %scan3A_5 = arith.constant 128 : i32
    %scan3A_6 = arith.constant 0 : i32
    %scan3A_7 = arith.constant 640 : i32
    %scan3A_8 = arith.addi %scan3A_6, %scan3A_7 : i32
    %scan3A_9 = arith.constant 1 : i32
    scf.for %scan3A_98 = %scan3A_6 to %scan3A_8 step %scan3A_9  : i32 {
      %mul3A_99 = arith.constant 1 : i32
      %mul3A_100 = arith.muli %scan3A_98, %mul3A_99 : i32
      %add3A_101 = arith.constant 0 : i32
      %add3A_102 = arith.addi %add3A_101, %mul3A_100 : i32
      %mul3A_103 = arith.constant 16 : i32
      %mul3A_104 = arith.muli %add3A_102, %mul3A_103 : i32
      %swap3A = arith.index_cast %mul3A_104 : i32 to index
      %swap3A_105 = tpu.vector_load %arg13[%swap3A] {strides = array<i32>} : memref<10240xf32, #tpu.memory_space<vmem>>, vector<16xf32>,
      tpu.vector_store %arg13[%swap3A], %broadcast_in_dim3A_1 {strides = array<i32>} : memref<10240xf32, #tpu.memory_space<vmem>>, vector<16xf32>,
    }
    %scan3A_10 = arith.constant 640 : i32
    %mul3A_11 = arith.constant 640 : i32
    %mul3A_12 = arith.muli %arg1, %mul3A_11 : i32
    %add3A_13 = arith.constant 0 : i32
    %add3A_14 = arith.addi %mul3A_12, %add3A_13 : i32
    "tpu.region"() ({
      %run_scoped3A = tpu.sem_alloc : memref<!tpu.dma_semaphore, #tpu.memory_space<semaphore_mem>>
      %dma_start3A_98 = arith.constant 0 : i32
      %dma_start3A_99 = tpu.memref_slice %arg14[%add3A_14, %dma_start3A_98] : memref<10240x128xf32, #tpu.memory_space<vmem_shared>> -> memref<128x128xf32, #tpu.memory_space<vmem_shared>>
      %dma_start3A_100 = arith.constant 0 : i32
      %dma_start3A_101 = tpu.memref_slice %arg14[%add3A_14, %dma_start3A_100] : memref<10240x128xf32, #tpu.memory_space<vmem_shared>> -> memref<128x128xf32, #tpu.memory_space<vmem_shared>>
      tpu.enqueue_dma source(%arg9 : memref<128x128xf32, #tpu.memory_space<vmem>>) target(%dma_start3A_101 : memref<128x128xf32, #tpu.memory_space<vmem_shared>>) target_semaphore(%run_scoped3A : memref<!tpu.dma_semaphore, #tpu.memory_space<semaphore_mem>>)
      %dma_wait3A_102 = arith.constant 0 : i32
      %dma_wait3A_103 = tpu.memref_slice %arg14[%add3A_14, %dma_wait3A_102] : memref<10240x128xf32, #tpu.memory_space<vmem_shared>> -> memref<128x128xf32, #tpu.memory_space<vmem_shared>>
      %dma_wait3A_104 = arith.constant 0 : i32
      %dma_wait3A_105 = tpu.memref_slice %arg14[%add3A_14, %dma_wait3A_104] : memref<10240x128xf32, #tpu.memory_space<vmem_shared>> -> memref<128x128xf32, #tpu.memory_space<vmem_shared>>
      tpu.wait_dma2 semaphore(%run_scoped3A : memref<!tpu.dma_semaphore, #tpu.memory_space<semaphore_mem>>) src(%arg9 : memref<128x128xf32, #tpu.memory_space<vmem>>) dst(%dma_wait3A_105 : memref<128x128xf32, #tpu.memory_space<vmem_shared>>)
      tpu.yield
    }) : () -> ()
    %mul3A_15 = arith.constant 640 : i32
    %mul3A_16 = arith.muli %arg1, %mul3A_15 : i32
    %add3A_17 = arith.constant 128 : i32
    %add3A_18 = arith.addi %mul3A_16, %add3A_17 : i32
    "tpu.region"() ({
      %run_scoped3A = tpu.sem_alloc : memref<!tpu.dma_semaphore, #tpu.memory_space<semaphore_mem>>
      %dma_start3A_98 = arith.constant 0 : i32
      %dma_start3A_99 = tpu.memref_slice %arg14[%add3A_18, %dma_start3A_98] : memref<10240x128xf32, #tpu.memory_space<vmem_shared>> -> memref<128x128xf32, #tpu.memory_space<vmem_shared>>
      %dma_start3A_100 = arith.constant 0 : i32
      %dma_start3A_101 = tpu.memref_slice %arg14[%add3A_18, %dma_start3A_100] : memref<10240x128xf32, #tpu.memory_space<vmem_shared>> -> memref<128x128xf32, #tpu.memory_space<vmem_shared>>
      tpu.enqueue_dma source(%arg9 : memref<128x128xf32, #tpu.memory_space<vmem>>) target(%dma_start3A_101 : memref<128x128xf32, #tpu.memory_space<vmem_shared>>) target_semaphore(%run_scoped3A : memref<!tpu.dma_semaphore, #tpu.memory_space<semaphore_mem>>)
      %dma_wait3A_102 = arith.constant 0 : i32
      %dma_wait3A_103 = tpu.memref_slice %arg14[%add3A_18, %dma_wait3A_102] : memref<10240x128xf32, #tpu.memory_space<vmem_shared>> -> memref<128x128xf32, #tpu.memory_space<vmem_shared>>
      %dma_wait3A_104 = arith.constant 0 : i32
      %dma_wait3A_105 = tpu.memref_slice %arg14[%add3A_18, %dma_wait3A_104] : memref<10240x128xf32, #tpu.memory_space<vmem_shared>> -> memref<128x128xf32, #tpu.memory_space<vmem_shared>>
      tpu.wait_dma2 semaphore(%run_scoped3A : memref<!tpu.dma_semaphore, #tpu.memory_space<semaphore_mem>>) src(%arg9 : memref<128x128xf32, #tpu.memory_space<vmem>>) dst(%dma_wait3A_105 : memref<128x128xf32, #tpu.memory_space<vmem_shared>>)
      tpu.yield
    }) : () -> ()
    %mul3A_19 = arith.constant 640 : i32
    %mul3A_20 = arith.muli %arg1, %mul3A_19 : i32
    %add3A_21 = arith.constant 256 : i32
    %add3A_22 = arith.addi %mul3A_20, %add3A_21 : i32
    "tpu.region"() ({
      %run_scoped3A = tpu.sem_alloc : memref<!tpu.dma_semaphore, #tpu.memory_space<semaphore_mem>>
      %dma_start3A_98 = arith.constant 0 : i32
      %dma_start3A_99 = tpu.memref_slice %arg14[%add3A_22, %dma_start3A_98] : memref<10240x128xf32, #tpu.memory_space<vmem_shared>> -> memref<128x128xf32, #tpu.memory_space<vmem_shared>>
      %dma_start3A_100 = arith.constant 0 : i32
      %dma_start3A_101 = tpu.memref_slice %arg14[%add3A_22, %dma_start3A_100] : memref<10240x128xf32, #tpu.memory_space<vmem_shared>> -> memref<128x128xf32, #tpu.memory_space<vmem_shared>>
      tpu.enqueue_dma source(%arg9 : memref<128x128xf32, #tpu.memory_space<vmem>>) target(%dma_start3A_101 : memref<128x128xf32, #tpu.memory_space<vmem_shared>>) target_semaphore(%run_scoped3A : memref<!tpu.dma_semaphore, #tpu.memory_space<semaphore_mem>>)
      %dma_wait3A_102 = arith.constant 0 : i32
      %dma_wait3A_103 = tpu.memref_slice %arg14[%add3A_22, %dma_wait3A_102] : memref<10240x128xf32, #tpu.memory_space<vmem_shared>> -> memref<128x128xf32, #tpu.memory_space<vmem_shared>>
      %dma_wait3A_104 = arith.constant 0 : i32
      %dma_wait3A_105 = tpu.memref_slice %arg14[%add3A_22, %dma_wait3A_104] : memref<10240x128xf32, #tpu.memory_space<vmem_shared>> -> memref<128x128xf32, #tpu.memory_space<vmem_shared>>
      tpu.wait_dma2 semaphore(%run_scoped3A : memref<!tpu.dma_semaphore, #tpu.memory_space<semaphore_mem>>) src(%arg9 : memref<128x128xf32, #tpu.memory_space<vmem>>) dst(%dma_wait3A_105 : memref<128x128xf32, #tpu.memory_space<vmem_shared>>)
      tpu.yield
    }) : () -> ()
    %mul3A_23 = arith.constant 640 : i32
    %mul3A_24 = arith.muli %arg1, %mul3A_23 : i32
    %add3A_25 = arith.constant 384 : i32
    %add3A_26 = arith.addi %mul3A_24, %add3A_25 : i32
    "tpu.region"() ({
      %run_scoped3A = tpu.sem_alloc : memref<!tpu.dma_semaphore, #tpu.memory_space<semaphore_mem>>
      %dma_start3A_98 = arith.constant 0 : i32
      %dma_start3A_99 = tpu.memref_slice %arg14[%add3A_26, %dma_start3A_98] : memref<10240x128xf32, #tpu.memory_space<vmem_shared>> -> memref<128x128xf32, #tpu.memory_space<vmem_shared>>
      %dma_start3A_100 = arith.constant 0 : i32
      %dma_start3A_101 = tpu.memref_slice %arg14[%add3A_26, %dma_start3A_100] : memref<10240x128xf32, #tpu.memory_space<vmem_shared>> -> memref<128x128xf32, #tpu.memory_space<vmem_shared>>
      tpu.enqueue_dma source(%arg9 : memref<128x128xf32, #tpu.memory_space<vmem>>) target(%dma_start3A_101 : memref<128x128xf32, #tpu.memory_space<vmem_shared>>) target_semaphore(%run_scoped3A : memref<!tpu.dma_semaphore, #tpu.memory_space<semaphore_mem>>)
      %dma_wait3A_102 = arith.constant 0 : i32
      %dma_wait3A_103 = tpu.memref_slice %arg14[%add3A_26, %dma_wait3A_102] : memref<10240x128xf32, #tpu.memory_space<vmem_shared>> -> memref<128x128xf32, #tpu.memory_space<vmem_shared>>
      %dma_wait3A_104 = arith.constant 0 : i32
      %dma_wait3A_105 = tpu.memref_slice %arg14[%add3A_26, %dma_wait3A_104] : memref<10240x128xf32, #tpu.memory_space<vmem_shared>> -> memref<128x128xf32, #tpu.memory_space<vmem_shared>>
      tpu.wait_dma2 semaphore(%run_scoped3A : memref<!tpu.dma_semaphore, #tpu.memory_space<semaphore_mem>>) src(%arg9 : memref<128x128xf32, #tpu.memory_space<vmem>>) dst(%dma_wait3A_105 : memref<128x128xf32, #tpu.memory_space<vmem_shared>>)
      tpu.yield
    }) : () -> ()
    %mul3A_27 = arith.constant 640 : i32
    %mul3A_28 = arith.muli %arg1, %mul3A_27 : i32
    %add3A_29 = arith.constant 512 : i32
    %add3A_30 = arith.addi %mul3A_28, %add3A_29 : i32
    "tpu.region"() ({
      %run_scoped3A = tpu.sem_alloc : memref<!tpu.dma_semaphore, #tpu.memory_space<semaphore_mem>>
      %dma_start3A_98 = arith.constant 0 : i32
      %dma_start3A_99 = tpu.memref_slice %arg14[%add3A_30, %dma_start3A_98] : memref<10240x128xf32, #tpu.memory_space<vmem_shared>> -> memref<128x128xf32, #tpu.memory_space<vmem_shared>>
      %dma_start3A_100 = arith.constant 0 : i32
      %dma_start3A_101 = tpu.memref_slice %arg14[%add3A_30, %dma_start3A_100] : memref<10240x128xf32, #tpu.memory_space<vmem_shared>> -> memref<128x128xf32, #tpu.memory_space<vmem_shared>>
      tpu.enqueue_dma source(%arg9 : memref<128x128xf32, #tpu.memory_space<vmem>>) target(%dma_start3A_101 : memref<128x128xf32, #tpu.memory_space<vmem_shared>>) target_semaphore(%run_scoped3A : memref<!tpu.dma_semaphore, #tpu.memory_space<semaphore_mem>>)
      %dma_wait3A_102 = arith.constant 0 : i32
      %dma_wait3A_103 = tpu.memref_slice %arg14[%add3A_30, %dma_wait3A_102] : memref<10240x128xf32, #tpu.memory_space<vmem_shared>> -> memref<128x128xf32, #tpu.memory_space<vmem_shared>>
      %dma_wait3A_104 = arith.constant 0 : i32
      %dma_wait3A_105 = tpu.memref_slice %arg14[%add3A_30, %dma_wait3A_104] : memref<10240x128xf32, #tpu.memory_space<vmem_shared>> -> memref<128x128xf32, #tpu.memory_space<vmem_shared>>
      tpu.wait_dma2 semaphore(%run_scoped3A : memref<!tpu.dma_semaphore, #tpu.memory_space<semaphore_mem>>) src(%arg9 : memref<128x128xf32, #tpu.memory_space<vmem>>) dst(%dma_wait3A_105 : memref<128x128xf32, #tpu.memory_space<vmem_shared>>)
      tpu.yield
    }) : () -> ()
    %mul3A_31 = arith.constant 10496 : i32
    %mul3A_32 = arith.muli %add3A, %mul3A_31 : i32
    %min3A = arith.constant 0 : i32
    %min3A_33 = arith.constant 81 : i32
    %min3A_34 = arith.minsi %min3A, %min3A_33 : i32
    %mul3A_35 = arith.constant 128 : i32
    %mul3A_36 = arith.muli %min3A_34, %mul3A_35 : i32
    %add3A_37 = arith.addi %mul3A_32, %mul3A_36 : i32
    %dma_start3A = tpu.memref_slice %arg4[%add3A_37] : memref<335872xi32, #tpu.memory_space<hbm>> -> memref<128xi32, #tpu.memory_space<hbm>>
    %dma_start3A_38 = tpu.memref_slice %arg4[%add3A_37] : memref<335872xi32, #tpu.memory_space<hbm>> -> memref<128xi32, #tpu.memory_space<hbm>>
    tpu.enqueue_dma source(%dma_start3A_38 : memref<128xi32, #tpu.memory_space<hbm>>) target(%arg7 : memref<128xi32, #tpu.memory_space<vmem>>) target_semaphore(%arg15 : memref<!tpu.dma_semaphore, #tpu.memory_space<semaphore_mem>>)
    %dma_start3A_39 = arith.constant 0 : i32
    %dma_start3A_40 = tpu.memref_slice %arg2[%add3A_37, %dma_start3A_39] : memref<335872x128xf32, #tpu.memory_space<hbm>> -> memref<128x128xf32, #tpu.memory_space<hbm>>
    %dma_start3A_41 = arith.constant 0 : i32
    %dma_start3A_42 = tpu.memref_slice %arg2[%add3A_37, %dma_start3A_41] : memref<335872x128xf32, #tpu.memory_space<hbm>> -> memref<128x128xf32, #tpu.memory_space<hbm>>
    tpu.enqueue_dma source(%dma_start3A_42 : memref<128x128xf32, #tpu.memory_space<hbm>>) target(%arg9 : memref<128x128xf32, #tpu.memory_space<vmem>>) target_semaphore(%arg15 : memref<!tpu.dma_semaphore, #tpu.memory_space<semaphore_mem>>)
    %dma_start3A_43 = tpu.memref_slice %arg3[%add3A_37] : memref<335872xf32, #tpu.memory_space<hbm>> -> memref<128xf32, #tpu.memory_space<hbm>>
    %dma_start3A_44 = tpu.memref_slice %arg3[%add3A_37] : memref<335872xf32, #tpu.memory_space<hbm>> -> memref<128xf32, #tpu.memory_space<hbm>>
    tpu.enqueue_dma source(%dma_start3A_44 : memref<128xf32, #tpu.memory_space<hbm>>) target(%arg11 : memref<128xf32, #tpu.memory_space<vmem>>) target_semaphore(%arg15 : memref<!tpu.dma_semaphore, #tpu.memory_space<semaphore_mem>>)
    %mul3A_45 = arith.constant 10496 : i32
    %mul3A_46 = arith.muli %add3A, %mul3A_45 : i32
    %min3A_47 = arith.constant 1 : i32
    %min3A_48 = arith.constant 81 : i32
    %min3A_49 = arith.minsi %min3A_47, %min3A_48 : i32
    %mul3A_50 = arith.constant 128 : i32
    %mul3A_51 = arith.muli %min3A_49, %mul3A_50 : i32
    %add3A_52 = arith.addi %mul3A_46, %mul3A_51 : i32
    %dma_start3A_53 = tpu.memref_slice %arg4[%add3A_52] : memref<335872xi32, #tpu.memory_space<hbm>> -> memref<128xi32, #tpu.memory_space<hbm>>
    %dma_start3A_54 = tpu.memref_slice %arg4[%add3A_52] : memref<335872xi32, #tpu.memory_space<hbm>> -> memref<128xi32, #tpu.memory_space<hbm>>
    tpu.enqueue_dma source(%dma_start3A_54 : memref<128xi32, #tpu.memory_space<hbm>>) target(%arg8 : memref<128xi32, #tpu.memory_space<vmem>>) target_semaphore(%arg16 : memref<!tpu.dma_semaphore, #tpu.memory_space<semaphore_mem>>)
    %dma_start3A_55 = arith.constant 0 : i32
    %dma_start3A_56 = tpu.memref_slice %arg2[%add3A_52, %dma_start3A_55] : memref<335872x128xf32, #tpu.memory_space<hbm>> -> memref<128x128xf32, #tpu.memory_space<hbm>>
    %dma_start3A_57 = arith.constant 0 : i32
    %dma_start3A_58 = tpu.memref_slice %arg2[%add3A_52, %dma_start3A_57] : memref<335872x128xf32, #tpu.memory_space<hbm>> -> memref<128x128xf32, #tpu.memory_space<hbm>>
    tpu.enqueue_dma source(%dma_start3A_58 : memref<128x128xf32, #tpu.memory_space<hbm>>) target(%arg10 : memref<128x128xf32, #tpu.memory_space<vmem>>) target_semaphore(%arg16 : memref<!tpu.dma_semaphore, #tpu.memory_space<semaphore_mem>>)
    %dma_start3A_59 = tpu.memref_slice %arg3[%add3A_52] : memref<335872xf32, #tpu.memory_space<hbm>> -> memref<128xf32, #tpu.memory_space<hbm>>
    %dma_start3A_60 = tpu.memref_slice %arg3[%add3A_52] : memref<335872xf32, #tpu.memory_space<hbm>> -> memref<128xf32, #tpu.memory_space<hbm>>
    tpu.enqueue_dma source(%dma_start3A_60 : memref<128xf32, #tpu.memory_space<hbm>>) target(%arg12 : memref<128xf32, #tpu.memory_space<vmem>>) target_semaphore(%arg16 : memref<!tpu.dma_semaphore, #tpu.memory_space<semaphore_mem>>)
    %barrier3A = arith.constant 0 : index
    tpu.barrier barrier_id(%barrier3A)
    %scan3A_61 = arith.constant 0 : i32
    %scan3A_62 = arith.constant 41 : i32
    %scan3A_63 = arith.addi %scan3A_61, %scan3A_62 : i32
    %scan3A_64 = arith.constant 1 : i32
    scf.for %scan3A_98 = %scan3A_61 to %scan3A_63 step %scan3A_64  : i32 {
      %mul3A_99 = arith.constant 2 : i32
      %mul3A_100 = arith.muli %scan3A_98, %mul3A_99 : i32
      %add3A_101 = arith.constant 0 : i32
      %add3A_102 = arith.addi %add3A_101, %mul3A_100 : i32
      %add3A_103 = arith.constant 0 : i32
      %add3A_104 = arith.addi %add3A_102, %add3A_103 : i32
      %dma_wait3A_105 = arith.constant 0 : i32
      %dma_wait3A_106 = tpu.memref_slice %arg4[%dma_wait3A_105] : memref<335872xi32, #tpu.memory_space<hbm>> -> memref<128xi32, #tpu.memory_space<hbm>>
      %dma_wait3A_107 = arith.constant 0 : i32
      %dma_wait3A_108 = tpu.memref_slice %arg4[%dma_wait3A_107] : memref<335872xi32, #tpu.memory_space<hbm>> -> memref<128xi32, #tpu.memory_space<hbm>>
      tpu.wait_dma2 semaphore(%arg15 : memref<!tpu.dma_semaphore, #tpu.memory_space<semaphore_mem>>) src(%dma_wait3A_108 : memref<128xi32, #tpu.memory_space<hbm>>) dst(%arg7 : memref<128xi32, #tpu.memory_space<vmem>>)
      %dma_wait3A_109 = arith.constant 0 : i32
      %dma_wait3A_110 = arith.constant 0 : i32
      %dma_wait3A_111 = tpu.memref_slice %arg2[%dma_wait3A_109, %dma_wait3A_110] : memref<335872x128xf32, #tpu.memory_space<hbm>> -> memref<128x128xf32, #tpu.memory_space<hbm>>
      %dma_wait3A_112 = arith.constant 0 : i32
      %dma_wait3A_113 = arith.constant 0 : i32
      %dma_wait3A_114 = tpu.memref_slice %arg2[%dma_wait3A_112, %dma_wait3A_113] : memref<335872x128xf32, #tpu.memory_space<hbm>> -> memref<128x128xf32, #tpu.memory_space<hbm>>
      tpu.wait_dma2 semaphore(%arg15 : memref<!tpu.dma_semaphore, #tpu.memory_space<semaphore_mem>>) src(%dma_wait3A_114 : memref<128x128xf32, #tpu.memory_space<hbm>>) dst(%arg9 : memref<128x128xf32, #tpu.memory_space<vmem>>)
      %dma_wait3A_115 = arith.constant 0 : i32
      %dma_wait3A_116 = tpu.memref_slice %arg3[%dma_wait3A_115] : memref<335872xf32, #tpu.memory_space<hbm>> -> memref<128xf32, #tpu.memory_space<hbm>>
      %dma_wait3A_117 = arith.constant 0 : i32
      %dma_wait3A_118 = tpu.memref_slice %arg3[%dma_wait3A_117] : memref<335872xf32, #tpu.memory_space<hbm>> -> memref<128xf32, #tpu.memory_space<hbm>>
      tpu.wait_dma2 semaphore(%arg15 : memref<!tpu.dma_semaphore, #tpu.memory_space<semaphore_mem>>) src(%dma_wait3A_118 : memref<128xf32, #tpu.memory_space<hbm>>) dst(%arg11 : memref<128xf32, #tpu.memory_space<vmem>>)
      %get3A = arith.constant 0 : index
      %get3A_119 = tpu.vector_load %arg7[%get3A] {strides = array<i32>} : memref<128xi32, #tpu.memory_space<vmem>>, vector<16xi32>,
      %get3A_120 = arith.constant 0 : index
      %get3A_121 = tpu.vector_load %arg11[%get3A_120] {strides = array<i32>} : memref<128xf32, #tpu.memory_space<vmem>>, vector<16xf32>,
      tpu.vector_store_idx %arg13[%get3A_119], %get3A_121 {add = true} : memref<10240xf32, #tpu.memory_space<vmem>>[vector<16xi32>], vector<16xf32>,
      %get3A_122 = arith.constant 16 : index
      %get3A_123 = tpu.vector_load %arg7[%get3A_122] {strides = array<i32>} : memref<128xi32, #tpu.memory_space<vmem>>, vector<16xi32>,
      %get3A_124 = arith.constant 16 : index
      %get3A_125 = tpu.vector_load %arg11[%get3A_124] {strides = array<i32>} : memref<128xf32, #tpu.memory_space<vmem>>, vector<16xf32>,
      tpu.vector_store_idx %arg13[%get3A_123], %get3A_125 {add = true} : memref<10240xf32, #tpu.memory_space<vmem>>[vector<16xi32>], vector<16xf32>,
      %get3A_126 = arith.constant 32 : index
      %get3A_127 = tpu.vector_load %arg7[%get3A_126] {strides = array<i32>} : memref<128xi32, #tpu.memory_space<vmem>>, vector<16xi32>,
      %get3A_128 = arith.constant 32 : index
      %get3A_129 = tpu.vector_load %arg11[%get3A_128] {strides = array<i32>} : memref<128xf32, #tpu.memory_space<vmem>>, vector<16xf32>,
      tpu.vector_store_idx %arg13[%get3A_127], %get3A_129 {add = true} : memref<10240xf32, #tpu.memory_space<vmem>>[vector<16xi32>], vector<16xf32>,
      %get3A_130 = arith.constant 48 : index
      %get3A_131 = tpu.vector_load %arg7[%get3A_130] {strides = array<i32>} : memref<128xi32, #tpu.memory_space<vmem>>, vector<16xi32>,
      %get3A_132 = arith.constant 48 : index
      %get3A_133 = tpu.vector_load %arg11[%get3A_132] {strides = array<i32>} : memref<128xf32, #tpu.memory_space<vmem>>, vector<16xf32>,
      tpu.vector_store_idx %arg13[%get3A_131], %get3A_133 {add = true} : memref<10240xf32, #tpu.memory_space<vmem>>[vector<16xi32>], vector<16xf32>,
      %get3A_134 = arith.constant 64 : index
      %get3A_135 = tpu.vector_load %arg7[%get3A_134] {strides = array<i32>} : memref<128xi32, #tpu.memory_space<vmem>>, vector<16xi32>,
      %get3A_136 = arith.constant 64 : index
      %get3A_137 = tpu.vector_load %arg11[%get3A_136] {strides = array<i32>} : memref<128xf32, #tpu.memory_space<vmem>>, vector<16xf32>,
      tpu.vector_store_idx %arg13[%get3A_135], %get3A_137 {add = true} : memref<10240xf32, #tpu.memory_space<vmem>>[vector<16xi32>], vector<16xf32>,
      %get3A_138 = arith.constant 80 : index
      %get3A_139 = tpu.vector_load %arg7[%get3A_138] {strides = array<i32>} : memref<128xi32, #tpu.memory_space<vmem>>, vector<16xi32>,
      %get3A_140 = arith.constant 80 : index
      %get3A_141 = tpu.vector_load %arg11[%get3A_140] {strides = array<i32>} : memref<128xf32, #tpu.memory_space<vmem>>, vector<16xf32>,
      tpu.vector_store_idx %arg13[%get3A_139], %get3A_141 {add = true} : memref<10240xf32, #tpu.memory_space<vmem>>[vector<16xi32>], vector<16xf32>,
      %get3A_142 = arith.constant 96 : index
      %get3A_143 = tpu.vector_load %arg7[%get3A_142] {strides = array<i32>} : memref<128xi32, #tpu.memory_space<vmem>>, vector<16xi32>,
      %get3A_144 = arith.constant 96 : index
      %get3A_145 = tpu.vector_load %arg11[%get3A_144] {strides = array<i32>} : memref<128xf32, #tpu.memory_space<vmem>>, vector<16xf32>,
      tpu.vector_store_idx %arg13[%get3A_143], %get3A_145 {add = true} : memref<10240xf32, #tpu.memory_space<vmem>>[vector<16xi32>], vector<16xf32>,
      %get3A_146 = arith.constant 112 : index
      %get3A_147 = tpu.vector_load %arg7[%get3A_146] {strides = array<i32>} : memref<128xi32, #tpu.memory_space<vmem>>, vector<16xi32>,
      %get3A_148 = arith.constant 112 : index
      %get3A_149 = tpu.vector_load %arg11[%get3A_148] {strides = array<i32>} : memref<128xf32, #tpu.memory_space<vmem>>, vector<16xf32>,
      tpu.vector_store_idx %arg13[%get3A_147], %get3A_149 {add = true} : memref<10240xf32, #tpu.memory_space<vmem>>[vector<16xi32>], vector<16xf32>,
      "tpu.region"() ({
        %run_scoped3A = tpu.sem_alloc : memref<!tpu.dma_semaphore, #tpu.memory_space<semaphore_mem>>
        %dma_start3A_232 = arith.constant 0 : i32
        %dma_start3A_233 = arith.constant 0 : i32
        %dma_start3A_234 = tpu.memref_slice %arg14[%dma_start3A_232, %dma_start3A_233] : memref<10240x128xf32, #tpu.memory_space<vmem_shared>> -> memref<10240x128xf32, #tpu.memory_space<vmem_shared>>
        tpu.enqueue_indirect_dma source(%arg9 : memref<128x128xf32, #tpu.memory_space<vmem>>) target(%dma_start3A_234 : memref<10240x128xf32, #tpu.memory_space<vmem_shared>>) offsets(%arg7 : memref<128xi32, #tpu.memory_space<vmem>>) semaphore(%run_scoped3A : memref<!tpu.dma_semaphore, #tpu.memory_space<semaphore_mem>>) {add = true}
        %dma_wait3A_235 = arith.constant 0 : i32
        %dma_wait3A_236 = arith.constant 0 : i32
        %dma_wait3A_237 = tpu.memref_slice %arg14[%dma_wait3A_235, %dma_wait3A_236] : memref<10240x128xf32, #tpu.memory_space<vmem_shared>> -> memref<10240x128xf32, #tpu.memory_space<vmem_shared>>
        tpu.wait_indirect_dma semaphore(%run_scoped3A : memref<!tpu.dma_semaphore, #tpu.memory_space<semaphore_mem>>) src(%arg9 : memref<128x128xf32, #tpu.memory_space<vmem>>) dst(%dma_wait3A_237 : memref<10240x128xf32, #tpu.memory_space<vmem_shared>>)
        tpu.yield
      }) : () -> ()
      %add3A_150 = arith.constant 2 : i32
      %add3A_151 = arith.addi %add3A_104, %add3A_150 : i32
      %mul3A_152 = arith.constant 10496 : i32
      %mul3A_153 = arith.muli %add3A, %mul3A_152 : i32
      %min3A_154 = arith.constant 81 : i32
      %min3A_155 = arith.minsi %add3A_151, %min3A_154 : i32
      %mul3A_156 = arith.constant 128 : i32
      %mul3A_157 = arith.muli %min3A_155, %mul3A_156 : i32
      %add3A_158 = arith.addi %mul3A_153, %mul3A_157 : i32
      %dma_start3A_159 = tpu.memref_slice %arg4[%add3A_158] : memref<335872xi32, #tpu.memory_space<hbm>> -> memref<128xi32, #tpu.memory_space<hbm>>
      %dma_start3A_160 = tpu.memref_slice %arg4[%add3A_158] : memref<335872xi32, #tpu.memory_space<hbm>> -> memref<128xi32, #tpu.memory_space<hbm>>
      tpu.enqueue_dma source(%dma_start3A_160 : memref<128xi32, #tpu.memory_space<hbm>>) target(%arg7 : memref<128xi32, #tpu.memory_space<vmem>>) target_semaphore(%arg15 : memref<!tpu.dma_semaphore, #tpu.memory_space<semaphore_mem>>)
      %dma_start3A_161 = arith.constant 0 : i32
      %dma_start3A_162 = tpu.memref_slice %arg2[%add3A_158, %dma_start3A_161] : memref<335872x128xf32, #tpu.memory_space<hbm>> -> memref<128x128xf32, #tpu.memory_space<hbm>>
      %dma_start3A_163 = arith.constant 0 : i32
      %dma_start3A_164 = tpu.memref_slice %arg2[%add3A_158, %dma_start3A_163] : memref<335872x128xf32, #tpu.memory_space<hbm>> -> memref<128x128xf32, #tpu.memory_space<hbm>>
      tpu.enqueue_dma source(%dma_start3A_164 : memref<128x128xf32, #tpu.memory_space<hbm>>) target(%arg9 : memref<128x128xf32, #tpu.memory_space<vmem>>) target_semaphore(%arg15 : memref<!tpu.dma_semaphore, #tpu.memory_space<semaphore_mem>>)
      %dma_start3A_165 = tpu.memref_slice %arg3[%add3A_158] : memref<335872xf32, #tpu.memory_space<hbm>> -> memref<128xf32, #tpu.memory_space<hbm>>
      %dma_start3A_166 = tpu.memref_slice %arg3[%add3A_158] : memref<335872xf32, #tpu.memory_space<hbm>> -> memref<128xf32, #tpu.memory_space<hbm>>
      tpu.enqueue_dma source(%dma_start3A_166 : memref<128xf32, #tpu.memory_space<hbm>>) target(%arg11 : memref<128xf32, #tpu.memory_space<vmem>>) target_semaphore(%arg15 : memref<!tpu.dma_semaphore, #tpu.memory_space<semaphore_mem>>)
      %add3A_167 = arith.constant 1 : i32
      %add3A_168 = arith.addi %add3A_102, %add3A_167 : i32
      %dma_wait3A_169 = arith.constant 0 : i32
      %dma_wait3A_170 = tpu.memref_slice %arg4[%dma_wait3A_169] : memref<335872xi32, #tpu.memory_space<hbm>> -> memref<128xi32, #tpu.memory_space<hbm>>
      %dma_wait3A_171 = arith.constant 0 : i32
      %dma_wait3A_172 = tpu.memref_slice %arg4[%dma_wait3A_171] : memref<335872xi32, #tpu.memory_space<hbm>> -> memref<128xi32, #tpu.memory_space<hbm>>
      tpu.wait_dma2 semaphore(%arg16 : memref<!tpu.dma_semaphore, #tpu.memory_space<semaphore_mem>>) src(%dma_wait3A_172 : memref<128xi32, #tpu.memory_space<hbm>>) dst(%arg8 : memref<128xi32, #tpu.memory_space<vmem>>)
      %dma_wait3A_173 = arith.constant 0 : i32
      %dma_wait3A_174 = arith.constant 0 : i32
      %dma_wait3A_175 = tpu.memref_slice %arg2[%dma_wait3A_173, %dma_wait3A_174] : memref<335872x128xf32, #tpu.memory_space<hbm>> -> memref<128x128xf32, #tpu.memory_space<hbm>>
      %dma_wait3A_176 = arith.constant 0 : i32
      %dma_wait3A_177 = arith.constant 0 : i32
      %dma_wait3A_178 = tpu.memref_slice %arg2[%dma_wait3A_176, %dma_wait3A_177] : memref<335872x128xf32, #tpu.memory_space<hbm>> -> memref<128x128xf32, #tpu.memory_space<hbm>>
      tpu.wait_dma2 semaphore(%arg16 : memref<!tpu.dma_semaphore, #tpu.memory_space<semaphore_mem>>) src(%dma_wait3A_178 : memref<128x128xf32, #tpu.memory_space<hbm>>) dst(%arg10 : memref<128x128xf32, #tpu.memory_space<vmem>>)
      %dma_wait3A_179 = arith.constant 0 : i32
      %dma_wait3A_180 = tpu.memref_slice %arg3[%dma_wait3A_179] : memref<335872xf32, #tpu.memory_space<hbm>> -> memref<128xf32, #tpu.memory_space<hbm>>
      %dma_wait3A_181 = arith.constant 0 : i32
      %dma_wait3A_182 = tpu.memref_slice %arg3[%dma_wait3A_181] : memref<335872xf32, #tpu.memory_space<hbm>> -> memref<128xf32, #tpu.memory_space<hbm>>
      tpu.wait_dma2 semaphore(%arg16 : memref<!tpu.dma_semaphore, #tpu.memory_space<semaphore_mem>>) src(%dma_wait3A_182 : memref<128xf32, #tpu.memory_space<hbm>>) dst(%arg12 : memref<128xf32, #tpu.memory_space<vmem>>)
      %get3A_183 = arith.constant 0 : index
      %get3A_184 = tpu.vector_load %arg8[%get3A_183] {strides = array<i32>} : memref<128xi32, #tpu.memory_space<vmem>>, vector<16xi32>,
      %get3A_185 = arith.constant 0 : index
      %get3A_186 = tpu.vector_load %arg12[%get3A_185] {strides = array<i32>} : memref<128xf32, #tpu.memory_space<vmem>>, vector<16xf32>,
      tpu.vector_store_idx %arg13[%get3A_184], %get3A_186 {add = true} : memref<10240xf32, #tpu.memory_space<vmem>>[vector<16xi32>], vector<16xf32>,
      %get3A_187 = arith.constant 16 : index
      %get3A_188 = tpu.vector_load %arg8[%get3A_187] {strides = array<i32>} : memref<128xi32, #tpu.memory_space<vmem>>, vector<16xi32>,
      %get3A_189 = arith.constant 16 : index
      %get3A_190 = tpu.vector_load %arg12[%get3A_189] {strides = array<i32>} : memref<128xf32, #tpu.memory_space<vmem>>, vector<16xf32>,
      tpu.vector_store_idx %arg13[%get3A_188], %get3A_190 {add = true} : memref<10240xf32, #tpu.memory_space<vmem>>[vector<16xi32>], vector<16xf32>,
      %get3A_191 = arith.constant 32 : index
      %get3A_192 = tpu.vector_load %arg8[%get3A_191] {strides = array<i32>} : memref<128xi32, #tpu.memory_space<vmem>>, vector<16xi32>,
      %get3A_193 = arith.constant 32 : index
      %get3A_194 = tpu.vector_load %arg12[%get3A_193] {strides = array<i32>} : memref<128xf32, #tpu.memory_space<vmem>>, vector<16xf32>,
      tpu.vector_store_idx %arg13[%get3A_192], %get3A_194 {add = true} : memref<10240xf32, #tpu.memory_space<vmem>>[vector<16xi32>], vector<16xf32>,
      %get3A_195 = arith.constant 48 : index
      %get3A_196 = tpu.vector_load %arg8[%get3A_195] {strides = array<i32>} : memref<128xi32, #tpu.memory_space<vmem>>, vector<16xi32>,
      %get3A_197 = arith.constant 48 : index
      %get3A_198 = tpu.vector_load %arg12[%get3A_197] {strides = array<i32>} : memref<128xf32, #tpu.memory_space<vmem>>, vector<16xf32>,
      tpu.vector_store_idx %arg13[%get3A_196], %get3A_198 {add = true} : memref<10240xf32, #tpu.memory_space<vmem>>[vector<16xi32>], vector<16xf32>,
      %get3A_199 = arith.constant 64 : index
      %get3A_200 = tpu.vector_load %arg8[%get3A_199] {strides = array<i32>} : memref<128xi32, #tpu.memory_space<vmem>>, vector<16xi32>,
      %get3A_201 = arith.constant 64 : index
      %get3A_202 = tpu.vector_load %arg12[%get3A_201] {strides = array<i32>} : memref<128xf32, #tpu.memory_space<vmem>>, vector<16xf32>,
      tpu.vector_store_idx %arg13[%get3A_200], %get3A_202 {add = true} : memref<10240xf32, #tpu.memory_space<vmem>>[vector<16xi32>], vector<16xf32>,
      %get3A_203 = arith.constant 80 : index
      %get3A_204 = tpu.vector_load %arg8[%get3A_203] {strides = array<i32>} : memref<128xi32, #tpu.memory_space<vmem>>, vector<16xi32>,
      %get3A_205 = arith.constant 80 : index
      %get3A_206 = tpu.vector_load %arg12[%get3A_205] {strides = array<i32>} : memref<128xf32, #tpu.memory_space<vmem>>, vector<16xf32>,
      tpu.vector_store_idx %arg13[%get3A_204], %get3A_206 {add = true} : memref<10240xf32, #tpu.memory_space<vmem>>[vector<16xi32>], vector<16xf32>,
      %get3A_207 = arith.constant 96 : index
      %get3A_208 = tpu.vector_load %arg8[%get3A_207] {strides = array<i32>} : memref<128xi32, #tpu.memory_space<vmem>>, vector<16xi32>,
      %get3A_209 = arith.constant 96 : index
      %get3A_210 = tpu.vector_load %arg12[%get3A_209] {strides = array<i32>} : memref<128xf32, #tpu.memory_space<vmem>>, vector<16xf32>,
      tpu.vector_store_idx %arg13[%get3A_208], %get3A_210 {add = true} : memref<10240xf32, #tpu.memory_space<vmem>>[vector<16xi32>], vector<16xf32>,
      %get3A_211 = arith.constant 112 : index
      %get3A_212 = tpu.vector_load %arg8[%get3A_211] {strides = array<i32>} : memref<128xi32, #tpu.memory_space<vmem>>, vector<16xi32>,
      %get3A_213 = arith.constant 112 : index
      %get3A_214 = tpu.vector_load %arg12[%get3A_213] {strides = array<i32>} : memref<128xf32, #tpu.memory_space<vmem>>, vector<16xf32>,
      tpu.vector_store_idx %arg13[%get3A_212], %get3A_214 {add = true} : memref<10240xf32, #tpu.memory_space<vmem>>[vector<16xi32>], vector<16xf32>,
      "tpu.region"() ({
        %run_scoped3A = tpu.sem_alloc : memref<!tpu.dma_semaphore, #tpu.memory_space<semaphore_mem>>
        %dma_start3A_232 = arith.constant 0 : i32
        %dma_start3A_233 = arith.constant 0 : i32
        %dma_start3A_234 = tpu.memref_slice %arg14[%dma_start3A_232, %dma_start3A_233] : memref<10240x128xf32, #tpu.memory_space<vmem_shared>> -> memref<10240x128xf32, #tpu.memory_space<vmem_shared>>
        tpu.enqueue_indirect_dma source(%arg10 : memref<128x128xf32, #tpu.memory_space<vmem>>) target(%dma_start3A_234 : memref<10240x128xf32, #tpu.memory_space<vmem_shared>>) offsets(%arg8 : memref<128xi32, #tpu.memory_space<vmem>>) semaphore(%run_scoped3A : memref<!tpu.dma_semaphore, #tpu.memory_space<semaphore_mem>>) {add = true}
        %dma_wait3A_235 = arith.constant 0 : i32
        %dma_wait3A_236 = arith.constant 0 : i32
        %dma_wait3A_237 = tpu.memref_slice %arg14[%dma_wait3A_235, %dma_wait3A_236] : memref<10240x128xf32, #tpu.memory_space<vmem_shared>> -> memref<10240x128xf32, #tpu.memory_space<vmem_shared>>
        tpu.wait_indirect_dma semaphore(%run_scoped3A : memref<!tpu.dma_semaphore, #tpu.memory_space<semaphore_mem>>) src(%arg10 : memref<128x128xf32, #tpu.memory_space<vmem>>) dst(%dma_wait3A_237 : memref<10240x128xf32, #tpu.memory_space<vmem_shared>>)
        tpu.yield
      }) : () -> ()
      %add3A_215 = arith.constant 2 : i32
      %add3A_216 = arith.addi %add3A_168, %add3A_215 : i32
      %mul3A_217 = arith.constant 10496 : i32
      %mul3A_218 = arith.muli %add3A, %mul3A_217 : i32
      %min3A_219 = arith.constant 81 : i32
      %min3A_220 = arith.minsi %add3A_216, %min3A_219 : i32
      %mul3A_221 = arith.constant 128 : i32
      %mul3A_222 = arith.muli %min3A_220, %mul3A_221 : i32
      %add3A_223 = arith.addi %mul3A_218, %mul3A_222 : i32
      %dma_start3A_224 = tpu.memref_slice %arg4[%add3A_223] : memref<335872xi32, #tpu.memory_space<hbm>> -> memref<128xi32, #tpu.memory_space<hbm>>
      %dma_start3A_225 = tpu.memref_slice %arg4[%add3A_223] : memref<335872xi32, #tpu.memory_space<hbm>> -> memref<128xi32, #tpu.memory_space<hbm>>
      tpu.enqueue_dma source(%dma_start3A_225 : memref<128xi32, #tpu.memory_space<hbm>>) target(%arg8 : memref<128xi32, #tpu.memory_space<vmem>>) target_semaphore(%arg16 : memref<!tpu.dma_semaphore, #tpu.memory_space<semaphore_mem>>)
      %dma_start3A_226 = arith.constant 0 : i32
      %dma_start3A_227 = tpu.memref_slice %arg2[%add3A_223, %dma_start3A_226] : memref<335872x128xf32, #tpu.memory_space<hbm>> -> memref<128x128xf32, #tpu.memory_space<hbm>>
      %dma_start3A_228 = arith.constant 0 : i32
      %dma_start3A_229 = tpu.memref_slice %arg2[%add3A_223, %dma_start3A_228] : memref<335872x128xf32, #tpu.memory_space<hbm>> -> memref<128x128xf32, #tpu.memory_space<hbm>>
      tpu.enqueue_dma source(%dma_start3A_229 : memref<128x128xf32, #tpu.memory_space<hbm>>) target(%arg10 : memref<128x128xf32, #tpu.memory_space<vmem>>) target_semaphore(%arg16 : memref<!tpu.dma_semaphore, #tpu.memory_space<semaphore_mem>>)
      %dma_start3A_230 = tpu.memref_slice %arg3[%add3A_223] : memref<335872xf32, #tpu.memory_space<hbm>> -> memref<128xf32, #tpu.memory_space<hbm>>
      %dma_start3A_231 = tpu.memref_slice %arg3[%add3A_223] : memref<335872xf32, #tpu.memory_space<hbm>> -> memref<128xf32, #tpu.memory_space<hbm>>
      tpu.enqueue_dma source(%dma_start3A_231 : memref<128xf32, #tpu.memory_space<hbm>>) target(%arg12 : memref<128xf32, #tpu.memory_space<vmem>>) target_semaphore(%arg16 : memref<!tpu.dma_semaphore, #tpu.memory_space<semaphore_mem>>)
    }
    %scan3A_65 = arith.constant 41 : i32
    %dma_wait3A = arith.constant 0 : i32
    %dma_wait3A_66 = tpu.memref_slice %arg4[%dma_wait3A] : memref<335872xi32, #tpu.memory_space<hbm>> -> memref<128xi32, #tpu.memory_space<hbm>>
    %dma_wait3A_67 = arith.constant 0 : i32
    %dma_wait3A_68 = tpu.memref_slice %arg4[%dma_wait3A_67] : memref<335872xi32, #tpu.memory_space<hbm>> -> memref<128xi32, #tpu.memory_space<hbm>>
    tpu.wait_dma2 semaphore(%arg15 : memref<!tpu.dma_semaphore, #tpu.memory_space<semaphore_mem>>) src(%dma_wait3A_68 : memref<128xi32, #tpu.memory_space<hbm>>) dst(%arg7 : memref<128xi32, #tpu.memory_space<vmem>>)
    %dma_wait3A_69 = arith.constant 0 : i32
    %dma_wait3A_70 = arith.constant 0 : i32
    %dma_wait3A_71 = tpu.memref_slice %arg2[%dma_wait3A_69, %dma_wait3A_70] : memref<335872x128xf32, #tpu.memory_space<hbm>> -> memref<128x128xf32, #tpu.memory_space<hbm>>
    %dma_wait3A_72 = arith.constant 0 : i32
    %dma_wait3A_73 = arith.constant 0 : i32
    %dma_wait3A_74 = tpu.memref_slice %arg2[%dma_wait3A_72, %dma_wait3A_73] : memref<335872x128xf32, #tpu.memory_space<hbm>> -> memref<128x128xf32, #tpu.memory_space<hbm>>
    tpu.wait_dma2 semaphore(%arg15 : memref<!tpu.dma_semaphore, #tpu.memory_space<semaphore_mem>>) src(%dma_wait3A_74 : memref<128x128xf32, #tpu.memory_space<hbm>>) dst(%arg9 : memref<128x128xf32, #tpu.memory_space<vmem>>)
    %dma_wait3A_75 = arith.constant 0 : i32
    %dma_wait3A_76 = tpu.memref_slice %arg3[%dma_wait3A_75] : memref<335872xf32, #tpu.memory_space<hbm>> -> memref<128xf32, #tpu.memory_space<hbm>>
    %dma_wait3A_77 = arith.constant 0 : i32
    %dma_wait3A_78 = tpu.memref_slice %arg3[%dma_wait3A_77] : memref<335872xf32, #tpu.memory_space<hbm>> -> memref<128xf32, #tpu.memory_space<hbm>>
    tpu.wait_dma2 semaphore(%arg15 : memref<!tpu.dma_semaphore, #tpu.memory_space<semaphore_mem>>) src(%dma_wait3A_78 : memref<128xf32, #tpu.memory_space<hbm>>) dst(%arg11 : memref<128xf32, #tpu.memory_space<vmem>>)
    %dma_wait3A_79 = arith.constant 0 : i32
    %dma_wait3A_80 = tpu.memref_slice %arg4[%dma_wait3A_79] : memref<335872xi32, #tpu.memory_space<hbm>> -> memref<128xi32, #tpu.memory_space<hbm>>
    %dma_wait3A_81 = arith.constant 0 : i32
    %dma_wait3A_82 = tpu.memref_slice %arg4[%dma_wait3A_81] : memref<335872xi32, #tpu.memory_space<hbm>> -> memref<128xi32, #tpu.memory_space<hbm>>
    tpu.wait_dma2 semaphore(%arg16 : memref<!tpu.dma_semaphore, #tpu.memory_space<semaphore_mem>>) src(%dma_wait3A_82 : memref<128xi32, #tpu.memory_space<hbm>>) dst(%arg8 : memref<128xi32, #tpu.memory_space<vmem>>)
    %dma_wait3A_83 = arith.constant 0 : i32
    %dma_wait3A_84 = arith.constant 0 : i32
    %dma_wait3A_85 = tpu.memref_slice %arg2[%dma_wait3A_83, %dma_wait3A_84] : memref<335872x128xf32, #tpu.memory_space<hbm>> -> memref<128x128xf32, #tpu.memory_space<hbm>>
    %dma_wait3A_86 = arith.constant 0 : i32
    %dma_wait3A_87 = arith.constant 0 : i32
    %dma_wait3A_88 = tpu.memref_slice %arg2[%dma_wait3A_86, %dma_wait3A_87] : memref<335872x128xf32, #tpu.memory_space<hbm>> -> memref<128x128xf32, #tpu.memory_space<hbm>>
    tpu.wait_dma2 semaphore(%arg16 : memref<!tpu.dma_semaphore, #tpu.memory_space<semaphore_mem>>) src(%dma_wait3A_88 : memref<128x128xf32, #tpu.memory_space<hbm>>) dst(%arg10 : memref<128x128xf32, #tpu.memory_space<vmem>>)
    %dma_wait3A_89 = arith.constant 0 : i32
    %dma_wait3A_90 = tpu.memref_slice %arg3[%dma_wait3A_89] : memref<335872xf32, #tpu.memory_space<hbm>> -> memref<128xf32, #tpu.memory_space<hbm>>
    %dma_wait3A_91 = arith.constant 0 : i32
    %dma_wait3A_92 = tpu.memref_slice %arg3[%dma_wait3A_91] : memref<335872xf32, #tpu.memory_space<hbm>> -> memref<128xf32, #tpu.memory_space<hbm>>
    tpu.wait_dma2 semaphore(%arg16 : memref<!tpu.dma_semaphore, #tpu.memory_space<semaphore_mem>>) src(%dma_wait3A_92 : memref<128xf32, #tpu.memory_space<hbm>>) dst(%arg12 : memref<128xf32, #tpu.memory_space<vmem>>)
    %barrier3A_93 = arith.constant 0 : index
    tpu.barrier barrier_id(%barrier3A_93)
    "tpu.region"() ({
      %run_scoped3A = tpu.sem_alloc : memref<!tpu.dma_semaphore, #tpu.memory_space<semaphore_mem>>
      %dma_start3A_98 = arith.constant 0 : i32
      %dma_start3A_99 = tpu.memref_slice %arg6[%add3A, %dma_start3A_98] : memref<32x10240xf32, #tpu.memory_space<hbm>> -> memref<1x10240xf32, #tpu.memory_space<hbm>>
      %dma_start3A_100 = tpu.memref_squeeze %dma_start3A_99 : memref<1x10240xf32, #tpu.memory_space<hbm>> -> memref<10240xf32, #tpu.memory_space<hbm>>
      %dma_start3A_101 = arith.constant 0 : i32
      %dma_start3A_102 = tpu.memref_slice %arg6[%add3A, %dma_start3A_101] : memref<32x10240xf32, #tpu.memory_space<hbm>> -> memref<1x10240xf32, #tpu.memory_space<hbm>>
      %dma_start3A_103 = tpu.memref_squeeze %dma_start3A_102 : memref<1x10240xf32, #tpu.memory_space<hbm>> -> memref<10240xf32, #tpu.memory_space<hbm>>
      tpu.enqueue_dma source(%arg13 : memref<10240xf32, #tpu.memory_space<vmem>>) target(%dma_start3A_103 : memref<10240xf32, #tpu.memory_space<hbm>>) target_semaphore(%run_scoped3A : memref<!tpu.dma_semaphore, #tpu.memory_space<semaphore_mem>>)
      %dma_wait3A_104 = arith.constant 0 : i32
      %dma_wait3A_105 = tpu.memref_slice %arg6[%add3A, %dma_wait3A_104] : memref<32x10240xf32, #tpu.memory_space<hbm>> -> memref<1x10240xf32, #tpu.memory_space<hbm>>
      %dma_wait3A_106 = tpu.memref_squeeze %dma_wait3A_105 : memref<1x10240xf32, #tpu.memory_space<hbm>> -> memref<10240xf32, #tpu.memory_space<hbm>>
      %dma_wait3A_107 = arith.constant 0 : i32
      %dma_wait3A_108 = tpu.memref_slice %arg6[%add3A, %dma_wait3A_107] : memref<32x10240xf32, #tpu.memory_space<hbm>> -> memref<1x10240xf32, #tpu.memory_space<hbm>>
      %dma_wait3A_109 = tpu.memref_squeeze %dma_wait3A_108 : memref<1x10240xf32, #tpu.memory_space<hbm>> -> memref<10240xf32, #tpu.memory_space<hbm>>
      tpu.wait_dma2 semaphore(%run_scoped3A : memref<!tpu.dma_semaphore, #tpu.memory_space<semaphore_mem>>) src(%arg13 : memref<10240xf32, #tpu.memory_space<vmem>>) dst(%dma_wait3A_109 : memref<10240xf32, #tpu.memory_space<hbm>>)
      tpu.yield
    }) : () -> ()
    %mul3A_94 = arith.constant 640 : i32
    %mul3A_95 = arith.muli %arg1, %mul3A_94 : i32
    %mul3A_96 = arith.constant 640 : i32
    %mul3A_97 = arith.muli %arg1, %mul3A_96 : i32
    "tpu.region"() ({
      %run_scoped3A = tpu.sem_alloc : memref<!tpu.dma_semaphore, #tpu.memory_space<semaphore_mem>>
      %dma_start3A_98 = arith.constant 0 : i32
      %dma_start3A_99 = arith.constant 0 : i32
      %dma_start3A_100 = tpu.memref_slice %arg5[%arg0, %dma_start3A_98, %dma_start3A_99] : memref<2x10240x128xf32, #tpu.memory_space<hbm>> -> memref<1x10240x128xf32, #tpu.memory_space<hbm>>
      %dma_start3A_101 = tpu.memref_squeeze %dma_start3A_100 : memref<1x10240x128xf32, #tpu.memory_space<hbm>> -> memref<10240x128xf32, #tpu.memory_space<hbm>>
      %dma_start3A_102 = arith.constant 0 : i32
      %dma_start3A_103 = tpu.memref_slice %dma_start3A_101[%mul3A_97, %dma_start3A_102] : memref<10240x128xf32, #tpu.memory_space<hbm>> -> memref<640x128xf32, #tpu.memory_space<hbm>>
      %dma_start3A_104 = arith.constant 0 : i32
      %dma_start3A_105 = tpu.memref_slice %arg14[%mul3A_95, %dma_start3A_104] : memref<10240x128xf32, #tpu.memory_space<vmem_shared>> -> memref<640x128xf32, #tpu.memory_space<vmem_shared>>
      tpu.enqueue_dma source(%dma_start3A_105 : memref<640x128xf32, #tpu.memory_space<vmem_shared>>) target(%dma_start3A_103 : memref<640x128xf32, #tpu.memory_space<hbm>>) target_semaphore(%run_scoped3A : memref<!tpu.dma_semaphore, #tpu.memory_space<semaphore_mem>>)
      %dma_wait3A_106 = arith.constant 0 : i32
      %dma_wait3A_107 = arith.constant 0 : i32
      %dma_wait3A_108 = tpu.memref_slice %arg5[%arg0, %dma_wait3A_106, %dma_wait3A_107] : memref<2x10240x128xf32, #tpu.memory_space<hbm>> -> memref<1x10240x128xf32, #tpu.memory_space<hbm>>
      %dma_wait3A_109 = tpu.memref_squeeze %dma_wait3A_108 : memref<1x10240x128xf32, #tpu.memory_space<hbm>> -> memref<10240x128xf32, #tpu.memory_space<hbm>>
      %dma_wait3A_110 = arith.constant 0 : i32
      %dma_wait3A_111 = tpu.memref_slice %dma_wait3A_109[%mul3A_97, %dma_wait3A_110] : memref<10240x128xf32, #tpu.memory_space<hbm>> -> memref<640x128xf32, #tpu.memory_space<hbm>>
      %dma_wait3A_112 = arith.constant 0 : i32
      %dma_wait3A_113 = tpu.memref_slice %arg14[%mul3A_95, %dma_wait3A_112] : memref<10240x128xf32, #tpu.memory_space<vmem_shared>> -> memref<640x128xf32, #tpu.memory_space<vmem_shared>>
      tpu.wait_dma2 semaphore(%run_scoped3A : memref<!tpu.dma_semaphore, #tpu.memory_space<semaphore_mem>>) src(%dma_wait3A_113 : memref<640x128xf32, #tpu.memory_space<vmem_shared>>) dst(%dma_wait3A_111 : memref<640x128xf32, #tpu.memory_space<hbm>>)
      tpu.yield
    }) : () -> ()
    return
  }
}

#map = affine_map<(d0, d1) -> (0, 0)>
#map1 = affine_map<(d0, d1) -> (0)>
module attributes {stable_mosaic.version = 14 : i64} {
  func.func @sck(%arg0: i32, %arg1: i32, %arg2: memref<10240x128xf32, #tpu.memory_space<hbm>>, %arg3: memref<10240x128xf32, #tpu.memory_space<hbm>>, %arg4: memref<335872xi32, #tpu.memory_space<hbm>>, %arg5: memref<335872xi32, #tpu.memory_space<hbm>>, %arg6: memref<335872x128xf32, #tpu.memory_space<hbm>>, %arg7: memref<335872x128xf32, #tpu.memory_space<hbm>>, %arg8: memref<128xi32, #tpu.memory_space<vmem>>, %arg9: memref<128xi32, #tpu.memory_space<vmem>>, %arg10: memref<128xi32, #tpu.memory_space<vmem>>, %arg11: memref<128xi32, #tpu.memory_space<vmem>>, %arg12: memref<128x128xf32, #tpu.memory_space<vmem>>, %arg13: memref<128x128xf32, #tpu.memory_space<vmem>>, %arg14: memref<128x128xf32, #tpu.memory_space<vmem>>, %arg15: memref<128x128xf32, #tpu.memory_space<vmem>>, %arg16: memref<!tpu.dma_semaphore, #tpu.memory_space<semaphore_mem>>, %arg17: memref<!tpu.dma_semaphore, #tpu.memory_space<semaphore_mem>>, %arg18: memref<!tpu.dma_semaphore, #tpu.memory_space<semaphore_mem>>, %arg19: memref<!tpu.dma_semaphore, #tpu.memory_space<semaphore_mem>>, %arg20: memref<!tpu.dma_semaphore, #tpu.memory_space<semaphore_mem>>, %arg21: memref<!tpu.dma_semaphore, #tpu.memory_space<semaphore_mem>>) attributes {dimension_semantics = [#tpu.dimension_semantics<core_parallel>, #tpu.dimension_semantics<subcore_parallel>], iteration_bounds = array<i64: 2, 16>, scalar_prefetch = 0 : i64, scratch_operands = 14 : i64, tpu.core_type = #tpu.core_type<sc_vector_subcore>, window_params = [{transform_indices = #map}, {transform_indices = #map}, {transform_indices = #map1}, {transform_indices = #map1}, {transform_indices = #map}, {transform_indices = #map}]} {
    %mul3A = arith.constant 16 : i32
    %mul3A_0 = arith.muli %arg0, %mul3A : i32
    %add3A = arith.addi %mul3A_0, %arg1 : i32
    %mul3A_1 = arith.constant 10496 : i32
    %mul3A_2 = arith.muli %add3A, %mul3A_1 : i32
    %min3A = arith.constant 0 : i32
    %min3A_3 = arith.constant 81 : i32
    %min3A_4 = arith.minsi %min3A, %min3A_3 : i32
    %mul3A_5 = arith.constant 128 : i32
    %mul3A_6 = arith.muli %min3A_4, %mul3A_5 : i32
    %add3A_7 = arith.addi %mul3A_2, %mul3A_6 : i32
    %dma_start3A = tpu.memref_slice %arg4[%add3A_7] : memref<335872xi32, #tpu.memory_space<hbm>> -> memref<128xi32, #tpu.memory_space<hbm>>
    %dma_start3A_8 = tpu.memref_slice %arg4[%add3A_7] : memref<335872xi32, #tpu.memory_space<hbm>> -> memref<128xi32, #tpu.memory_space<hbm>>
    tpu.enqueue_dma source(%dma_start3A_8 : memref<128xi32, #tpu.memory_space<hbm>>) target(%arg8 : memref<128xi32, #tpu.memory_space<vmem>>) target_semaphore(%arg16 : memref<!tpu.dma_semaphore, #tpu.memory_space<semaphore_mem>>)
    %dma_start3A_9 = tpu.memref_slice %arg5[%add3A_7] : memref<335872xi32, #tpu.memory_space<hbm>> -> memref<128xi32, #tpu.memory_space<hbm>>
    %dma_start3A_10 = tpu.memref_slice %arg5[%add3A_7] : memref<335872xi32, #tpu.memory_space<hbm>> -> memref<128xi32, #tpu.memory_space<hbm>>
    tpu.enqueue_dma source(%dma_start3A_10 : memref<128xi32, #tpu.memory_space<hbm>>) target(%arg10 : memref<128xi32, #tpu.memory_space<vmem>>) target_semaphore(%arg16 : memref<!tpu.dma_semaphore, #tpu.memory_space<semaphore_mem>>)
    %mul3A_11 = arith.constant 10496 : i32
    %mul3A_12 = arith.muli %add3A, %mul3A_11 : i32
    %min3A_13 = arith.constant 1 : i32
    %min3A_14 = arith.constant 81 : i32
    %min3A_15 = arith.minsi %min3A_13, %min3A_14 : i32
    %mul3A_16 = arith.constant 128 : i32
    %mul3A_17 = arith.muli %min3A_15, %mul3A_16 : i32
    %add3A_18 = arith.addi %mul3A_12, %mul3A_17 : i32
    %dma_start3A_19 = tpu.memref_slice %arg4[%add3A_18] : memref<335872xi32, #tpu.memory_space<hbm>> -> memref<128xi32, #tpu.memory_space<hbm>>
    %dma_start3A_20 = tpu.memref_slice %arg4[%add3A_18] : memref<335872xi32, #tpu.memory_space<hbm>> -> memref<128xi32, #tpu.memory_space<hbm>>
    tpu.enqueue_dma source(%dma_start3A_20 : memref<128xi32, #tpu.memory_space<hbm>>) target(%arg9 : memref<128xi32, #tpu.memory_space<vmem>>) target_semaphore(%arg17 : memref<!tpu.dma_semaphore, #tpu.memory_space<semaphore_mem>>)
    %dma_start3A_21 = tpu.memref_slice %arg5[%add3A_18] : memref<335872xi32, #tpu.memory_space<hbm>> -> memref<128xi32, #tpu.memory_space<hbm>>
    %dma_start3A_22 = tpu.memref_slice %arg5[%add3A_18] : memref<335872xi32, #tpu.memory_space<hbm>> -> memref<128xi32, #tpu.memory_space<hbm>>
    tpu.enqueue_dma source(%dma_start3A_22 : memref<128xi32, #tpu.memory_space<hbm>>) target(%arg11 : memref<128xi32, #tpu.memory_space<vmem>>) target_semaphore(%arg17 : memref<!tpu.dma_semaphore, #tpu.memory_space<semaphore_mem>>)
    %dma_wait3A = arith.constant 0 : i32
    %dma_wait3A_23 = tpu.memref_slice %arg4[%dma_wait3A] : memref<335872xi32, #tpu.memory_space<hbm>> -> memref<128xi32, #tpu.memory_space<hbm>>
    %dma_wait3A_24 = arith.constant 0 : i32
    %dma_wait3A_25 = tpu.memref_slice %arg4[%dma_wait3A_24] : memref<335872xi32, #tpu.memory_space<hbm>> -> memref<128xi32, #tpu.memory_space<hbm>>
    tpu.wait_dma2 semaphore(%arg16 : memref<!tpu.dma_semaphore, #tpu.memory_space<semaphore_mem>>) src(%dma_wait3A_25 : memref<128xi32, #tpu.memory_space<hbm>>) dst(%arg8 : memref<128xi32, #tpu.memory_space<vmem>>)
    %dma_wait3A_26 = arith.constant 0 : i32
    %dma_wait3A_27 = tpu.memref_slice %arg5[%dma_wait3A_26] : memref<335872xi32, #tpu.memory_space<hbm>> -> memref<128xi32, #tpu.memory_space<hbm>>
    %dma_wait3A_28 = arith.constant 0 : i32
    %dma_wait3A_29 = tpu.memref_slice %arg5[%dma_wait3A_28] : memref<335872xi32, #tpu.memory_space<hbm>> -> memref<128xi32, #tpu.memory_space<hbm>>
    tpu.wait_dma2 semaphore(%arg16 : memref<!tpu.dma_semaphore, #tpu.memory_space<semaphore_mem>>) src(%dma_wait3A_29 : memref<128xi32, #tpu.memory_space<hbm>>) dst(%arg10 : memref<128xi32, #tpu.memory_space<vmem>>)
    %dma_start3A_30 = arith.constant 0 : i32
    %dma_start3A_31 = arith.constant 0 : i32
    %dma_start3A_32 = tpu.memref_slice %arg2[%dma_start3A_30, %dma_start3A_31] : memref<10240x128xf32, #tpu.memory_space<hbm>> -> memref<10240x128xf32, #tpu.memory_space<hbm>>
    tpu.enqueue_indirect_dma source(%dma_start3A_32 : memref<10240x128xf32, #tpu.memory_space<hbm>>) target(%arg12 : memref<128x128xf32, #tpu.memory_space<vmem>>) offsets(%arg8 : memref<128xi32, #tpu.memory_space<vmem>>) semaphore(%arg18 : memref<!tpu.dma_semaphore, #tpu.memory_space<semaphore_mem>>)
    %dma_start3A_33 = arith.constant 0 : i32
    %dma_start3A_34 = arith.constant 0 : i32
    %dma_start3A_35 = tpu.memref_slice %arg3[%dma_start3A_33, %dma_start3A_34] : memref<10240x128xf32, #tpu.memory_space<hbm>> -> memref<10240x128xf32, #tpu.memory_space<hbm>>
    tpu.enqueue_indirect_dma source(%dma_start3A_35 : memref<10240x128xf32, #tpu.memory_space<hbm>>) target(%arg14 : memref<128x128xf32, #tpu.memory_space<vmem>>) offsets(%arg10 : memref<128xi32, #tpu.memory_space<vmem>>) semaphore(%arg18 : memref<!tpu.dma_semaphore, #tpu.memory_space<semaphore_mem>>)
    %dma_wait3A_36 = arith.constant 0 : i32
    %dma_wait3A_37 = arith.constant 0 : i32
    %dma_wait3A_38 = tpu.memref_slice %arg2[%dma_wait3A_36, %dma_wait3A_37] : memref<10240x128xf32, #tpu.memory_space<hbm>> -> memref<10240x128xf32, #tpu.memory_space<hbm>>
    tpu.wait_indirect_dma semaphore(%arg18 : memref<!tpu.dma_semaphore, #tpu.memory_space<semaphore_mem>>) src(%dma_wait3A_38 : memref<10240x128xf32, #tpu.memory_space<hbm>>) dst(%arg12 : memref<128x128xf32, #tpu.memory_space<vmem>>)
    %dma_wait3A_39 = arith.constant 0 : i32
    %dma_wait3A_40 = arith.constant 0 : i32
    %dma_wait3A_41 = tpu.memref_slice %arg3[%dma_wait3A_39, %dma_wait3A_40] : memref<10240x128xf32, #tpu.memory_space<hbm>> -> memref<10240x128xf32, #tpu.memory_space<hbm>>
    tpu.wait_indirect_dma semaphore(%arg18 : memref<!tpu.dma_semaphore, #tpu.memory_space<semaphore_mem>>) src(%dma_wait3A_41 : memref<10240x128xf32, #tpu.memory_space<hbm>>) dst(%arg14 : memref<128x128xf32, #tpu.memory_space<vmem>>)
    %dma_wait3A_42 = arith.constant 0 : i32
    %dma_wait3A_43 = tpu.memref_slice %arg4[%dma_wait3A_42] : memref<335872xi32, #tpu.memory_space<hbm>> -> memref<128xi32, #tpu.memory_space<hbm>>
    %dma_wait3A_44 = arith.constant 0 : i32
    %dma_wait3A_45 = tpu.memref_slice %arg4[%dma_wait3A_44] : memref<335872xi32, #tpu.memory_space<hbm>> -> memref<128xi32, #tpu.memory_space<hbm>>
    tpu.wait_dma2 semaphore(%arg17 : memref<!tpu.dma_semaphore, #tpu.memory_space<semaphore_mem>>) src(%dma_wait3A_45 : memref<128xi32, #tpu.memory_space<hbm>>) dst(%arg9 : memref<128xi32, #tpu.memory_space<vmem>>)
    %dma_wait3A_46 = arith.constant 0 : i32
    %dma_wait3A_47 = tpu.memref_slice %arg5[%dma_wait3A_46] : memref<335872xi32, #tpu.memory_space<hbm>> -> memref<128xi32, #tpu.memory_space<hbm>>
    %dma_wait3A_48 = arith.constant 0 : i32
    %dma_wait3A_49 = tpu.memref_slice %arg5[%dma_wait3A_48] : memref<335872xi32, #tpu.memory_space<hbm>> -> memref<128xi32, #tpu.memory_space<hbm>>
    tpu.wait_dma2 semaphore(%arg17 : memref<!tpu.dma_semaphore, #tpu.memory_space<semaphore_mem>>) src(%dma_wait3A_49 : memref<128xi32, #tpu.memory_space<hbm>>) dst(%arg11 : memref<128xi32, #tpu.memory_space<vmem>>)
    %dma_start3A_50 = arith.constant 0 : i32
    %dma_start3A_51 = arith.constant 0 : i32
    %dma_start3A_52 = tpu.memref_slice %arg2[%dma_start3A_50, %dma_start3A_51] : memref<10240x128xf32, #tpu.memory_space<hbm>> -> memref<10240x128xf32, #tpu.memory_space<hbm>>
    tpu.enqueue_indirect_dma source(%dma_start3A_52 : memref<10240x128xf32, #tpu.memory_space<hbm>>) target(%arg13 : memref<128x128xf32, #tpu.memory_space<vmem>>) offsets(%arg9 : memref<128xi32, #tpu.memory_space<vmem>>) semaphore(%arg19 : memref<!tpu.dma_semaphore, #tpu.memory_space<semaphore_mem>>)
    %dma_start3A_53 = arith.constant 0 : i32
    %dma_start3A_54 = arith.constant 0 : i32
    %dma_start3A_55 = tpu.memref_slice %arg3[%dma_start3A_53, %dma_start3A_54] : memref<10240x128xf32, #tpu.memory_space<hbm>> -> memref<10240x128xf32, #tpu.memory_space<hbm>>
    tpu.enqueue_indirect_dma source(%dma_start3A_55 : memref<10240x128xf32, #tpu.memory_space<hbm>>) target(%arg15 : memref<128x128xf32, #tpu.memory_space<vmem>>) offsets(%arg11 : memref<128xi32, #tpu.memory_space<vmem>>) semaphore(%arg19 : memref<!tpu.dma_semaphore, #tpu.memory_space<semaphore_mem>>)
    %mul3A_56 = arith.constant 10496 : i32
    %mul3A_57 = arith.muli %add3A, %mul3A_56 : i32
    %add3A_58 = arith.constant 0 : i32
    %add3A_59 = arith.addi %mul3A_57, %add3A_58 : i32
    %dma_start3A_60 = arith.constant 0 : i32
    %dma_start3A_61 = tpu.memref_slice %arg6[%add3A_59, %dma_start3A_60] : memref<335872x128xf32, #tpu.memory_space<hbm>> -> memref<128x128xf32, #tpu.memory_space<hbm>>
    %dma_start3A_62 = arith.constant 0 : i32
    %dma_start3A_63 = tpu.memref_slice %arg6[%add3A_59, %dma_start3A_62] : memref<335872x128xf32, #tpu.memory_space<hbm>> -> memref<128x128xf32, #tpu.memory_space<hbm>>
    tpu.enqueue_dma source(%arg12 : memref<128x128xf32, #tpu.memory_space<vmem>>) target(%dma_start3A_63 : memref<128x128xf32, #tpu.memory_space<hbm>>) target_semaphore(%arg20 : memref<!tpu.dma_semaphore, #tpu.memory_space<semaphore_mem>>)
    %dma_start3A_64 = arith.constant 0 : i32
    %dma_start3A_65 = tpu.memref_slice %arg7[%add3A_59, %dma_start3A_64] : memref<335872x128xf32, #tpu.memory_space<hbm>> -> memref<128x128xf32, #tpu.memory_space<hbm>>
    %dma_start3A_66 = arith.constant 0 : i32
    %dma_start3A_67 = tpu.memref_slice %arg7[%add3A_59, %dma_start3A_66] : memref<335872x128xf32, #tpu.memory_space<hbm>> -> memref<128x128xf32, #tpu.memory_space<hbm>>
    tpu.enqueue_dma source(%arg14 : memref<128x128xf32, #tpu.memory_space<vmem>>) target(%dma_start3A_67 : memref<128x128xf32, #tpu.memory_space<hbm>>) target_semaphore(%arg20 : memref<!tpu.dma_semaphore, #tpu.memory_space<semaphore_mem>>)
    %mul3A_68 = arith.constant 10496 : i32
    %mul3A_69 = arith.muli %add3A, %mul3A_68 : i32
    %min3A_70 = arith.constant 2 : i32
    %min3A_71 = arith.constant 81 : i32
    %min3A_72 = arith.minsi %min3A_70, %min3A_71 : i32
    %mul3A_73 = arith.constant 128 : i32
    %mul3A_74 = arith.muli %min3A_72, %mul3A_73 : i32
    %add3A_75 = arith.addi %mul3A_69, %mul3A_74 : i32
    %dma_start3A_76 = tpu.memref_slice %arg4[%add3A_75] : memref<335872xi32, #tpu.memory_space<hbm>> -> memref<128xi32, #tpu.memory_space<hbm>>
    %dma_start3A_77 = tpu.memref_slice %arg4[%add3A_75] : memref<335872xi32, #tpu.memory_space<hbm>> -> memref<128xi32, #tpu.memory_space<hbm>>
    tpu.enqueue_dma source(%dma_start3A_77 : memref<128xi32, #tpu.memory_space<hbm>>) target(%arg8 : memref<128xi32, #tpu.memory_space<vmem>>) target_semaphore(%arg16 : memref<!tpu.dma_semaphore, #tpu.memory_space<semaphore_mem>>)
    %dma_start3A_78 = tpu.memref_slice %arg5[%add3A_75] : memref<335872xi32, #tpu.memory_space<hbm>> -> memref<128xi32, #tpu.memory_space<hbm>>
    %dma_start3A_79 = tpu.memref_slice %arg5[%add3A_75] : memref<335872xi32, #tpu.memory_space<hbm>> -> memref<128xi32, #tpu.memory_space<hbm>>
    tpu.enqueue_dma source(%dma_start3A_79 : memref<128xi32, #tpu.memory_space<hbm>>) target(%arg10 : memref<128xi32, #tpu.memory_space<vmem>>) target_semaphore(%arg16 : memref<!tpu.dma_semaphore, #tpu.memory_space<semaphore_mem>>)
    %scan3A = arith.constant 0 : i32
    %scan3A_80 = arith.constant 40 : i32
    %scan3A_81 = arith.addi %scan3A, %scan3A_80 : i32
    %scan3A_82 = arith.constant 1 : i32
    scf.for %scan3A_134 = %scan3A to %scan3A_81 step %scan3A_82  : i32 {
      %mul3A_135 = arith.constant 2 : i32
      %mul3A_136 = arith.muli %scan3A_134, %mul3A_135 : i32
      %add3A_137 = arith.constant 1 : i32
      %add3A_138 = arith.addi %add3A_137, %mul3A_136 : i32
      %add3A_139 = arith.constant 0 : i32
      %add3A_140 = arith.addi %add3A_138, %add3A_139 : i32
      %dma_wait3A_141 = arith.constant 0 : i32
      %dma_wait3A_142 = arith.constant 0 : i32
      %dma_wait3A_143 = tpu.memref_slice %arg2[%dma_wait3A_141, %dma_wait3A_142] : memref<10240x128xf32, #tpu.memory_space<hbm>> -> memref<10240x128xf32, #tpu.memory_space<hbm>>
      tpu.wait_indirect_dma semaphore(%arg19 : memref<!tpu.dma_semaphore, #tpu.memory_space<semaphore_mem>>) src(%dma_wait3A_143 : memref<10240x128xf32, #tpu.memory_space<hbm>>) dst(%arg13 : memref<128x128xf32, #tpu.memory_space<vmem>>)
      %dma_wait3A_144 = arith.constant 0 : i32
      %dma_wait3A_145 = arith.constant 0 : i32
      %dma_wait3A_146 = tpu.memref_slice %arg3[%dma_wait3A_144, %dma_wait3A_145] : memref<10240x128xf32, #tpu.memory_space<hbm>> -> memref<10240x128xf32, #tpu.memory_space<hbm>>
      tpu.wait_indirect_dma semaphore(%arg19 : memref<!tpu.dma_semaphore, #tpu.memory_space<semaphore_mem>>) src(%dma_wait3A_146 : memref<10240x128xf32, #tpu.memory_space<hbm>>) dst(%arg15 : memref<128x128xf32, #tpu.memory_space<vmem>>)
      %dma_wait3A_147 = arith.constant 0 : i32
      %dma_wait3A_148 = tpu.memref_slice %arg4[%dma_wait3A_147] : memref<335872xi32, #tpu.memory_space<hbm>> -> memref<128xi32, #tpu.memory_space<hbm>>
      %dma_wait3A_149 = arith.constant 0 : i32
      %dma_wait3A_150 = tpu.memref_slice %arg4[%dma_wait3A_149] : memref<335872xi32, #tpu.memory_space<hbm>> -> memref<128xi32, #tpu.memory_space<hbm>>
      tpu.wait_dma2 semaphore(%arg16 : memref<!tpu.dma_semaphore, #tpu.memory_space<semaphore_mem>>) src(%dma_wait3A_150 : memref<128xi32, #tpu.memory_space<hbm>>) dst(%arg8 : memref<128xi32, #tpu.memory_space<vmem>>)
      %dma_wait3A_151 = arith.constant 0 : i32
      %dma_wait3A_152 = tpu.memref_slice %arg5[%dma_wait3A_151] : memref<335872xi32, #tpu.memory_space<hbm>> -> memref<128xi32, #tpu.memory_space<hbm>>
      %dma_wait3A_153 = arith.constant 0 : i32
      %dma_wait3A_154 = tpu.memref_slice %arg5[%dma_wait3A_153] : memref<335872xi32, #tpu.memory_space<hbm>> -> memref<128xi32, #tpu.memory_space<hbm>>
      tpu.wait_dma2 semaphore(%arg16 : memref<!tpu.dma_semaphore, #tpu.memory_space<semaphore_mem>>) src(%dma_wait3A_154 : memref<128xi32, #tpu.memory_space<hbm>>) dst(%arg10 : memref<128xi32, #tpu.memory_space<vmem>>)
      %dma_wait3A_155 = arith.constant 0 : i32
      %dma_wait3A_156 = arith.constant 0 : i32
      %dma_wait3A_157 = tpu.memref_slice %arg6[%dma_wait3A_155, %dma_wait3A_156] : memref<335872x128xf32, #tpu.memory_space<hbm>> -> memref<128x128xf32, #tpu.memory_space<hbm>>
      %dma_wait3A_158 = arith.constant 0 : i32
      %dma_wait3A_159 = arith.constant 0 : i32
      %dma_wait3A_160 = tpu.memref_slice %arg6[%dma_wait3A_158, %dma_wait3A_159] : memref<335872x128xf32, #tpu.memory_space<hbm>> -> memref<128x128xf32, #tpu.memory_space<hbm>>
      tpu.wait_dma2 semaphore(%arg20 : memref<!tpu.dma_semaphore, #tpu.memory_space<semaphore_mem>>) src(%arg12 : memref<128x128xf32, #tpu.memory_space<vmem>>) dst(%dma_wait3A_160 : memref<128x128xf32, #tpu.memory_space<hbm>>)
      %dma_wait3A_161 = arith.constant 0 : i32
      %dma_wait3A_162 = arith.constant 0 : i32
      %dma_wait3A_163 = tpu.memref_slice %arg7[%dma_wait3A_161, %dma_wait3A_162] : memref<335872x128xf32, #tpu.memory_space<hbm>> -> memref<128x128xf32, #tpu.memory_space<hbm>>
      %dma_wait3A_164 = arith.constant 0 : i32
      %dma_wait3A_165 = arith.constant 0 : i32
      %dma_wait3A_166 = tpu.memref_slice %arg7[%dma_wait3A_164, %dma_wait3A_165] : memref<335872x128xf32, #tpu.memory_space<hbm>> -> memref<128x128xf32, #tpu.memory_space<hbm>>
      tpu.wait_dma2 semaphore(%arg20 : memref<!tpu.dma_semaphore, #tpu.memory_space<semaphore_mem>>) src(%arg14 : memref<128x128xf32, #tpu.memory_space<vmem>>) dst(%dma_wait3A_166 : memref<128x128xf32, #tpu.memory_space<hbm>>)
      %dma_start3A_167 = arith.constant 0 : i32
      %dma_start3A_168 = arith.constant 0 : i32
      %dma_start3A_169 = tpu.memref_slice %arg2[%dma_start3A_167, %dma_start3A_168] : memref<10240x128xf32, #tpu.memory_space<hbm>> -> memref<10240x128xf32, #tpu.memory_space<hbm>>
      tpu.enqueue_indirect_dma source(%dma_start3A_169 : memref<10240x128xf32, #tpu.memory_space<hbm>>) target(%arg12 : memref<128x128xf32, #tpu.memory_space<vmem>>) offsets(%arg8 : memref<128xi32, #tpu.memory_space<vmem>>) semaphore(%arg18 : memref<!tpu.dma_semaphore, #tpu.memory_space<semaphore_mem>>)
      %dma_start3A_170 = arith.constant 0 : i32
      %dma_start3A_171 = arith.constant 0 : i32
      %dma_start3A_172 = tpu.memref_slice %arg3[%dma_start3A_170, %dma_start3A_171] : memref<10240x128xf32, #tpu.memory_space<hbm>> -> memref<10240x128xf32, #tpu.memory_space<hbm>>
      tpu.enqueue_indirect_dma source(%dma_start3A_172 : memref<10240x128xf32, #tpu.memory_space<hbm>>) target(%arg14 : memref<128x128xf32, #tpu.memory_space<vmem>>) offsets(%arg10 : memref<128xi32, #tpu.memory_space<vmem>>) semaphore(%arg18 : memref<!tpu.dma_semaphore, #tpu.memory_space<semaphore_mem>>)
      %mul3A_173 = arith.constant 10496 : i32
      %mul3A_174 = arith.muli %add3A, %mul3A_173 : i32
      %mul3A_175 = arith.constant 128 : i32
      %mul3A_176 = arith.muli %add3A_140, %mul3A_175 : i32
      %add3A_177 = arith.addi %mul3A_174, %mul3A_176 : i32
      %dma_start3A_178 = arith.constant 0 : i32
      %dma_start3A_179 = tpu.memref_slice %arg6[%add3A_177, %dma_start3A_178] : memref<335872x128xf32, #tpu.memory_space<hbm>> -> memref<128x128xf32, #tpu.memory_space<hbm>>
      %dma_start3A_180 = arith.constant 0 : i32
      %dma_start3A_181 = tpu.memref_slice %arg6[%add3A_177, %dma_start3A_180] : memref<335872x128xf32, #tpu.memory_space<hbm>> -> memref<128x128xf32, #tpu.memory_space<hbm>>
      tpu.enqueue_dma source(%arg13 : memref<128x128xf32, #tpu.memory_space<vmem>>) target(%dma_start3A_181 : memref<128x128xf32, #tpu.memory_space<hbm>>) target_semaphore(%arg21 : memref<!tpu.dma_semaphore, #tpu.memory_space<semaphore_mem>>)
      %dma_start3A_182 = arith.constant 0 : i32
      %dma_start3A_183 = tpu.memref_slice %arg7[%add3A_177, %dma_start3A_182] : memref<335872x128xf32, #tpu.memory_space<hbm>> -> memref<128x128xf32, #tpu.memory_space<hbm>>
      %dma_start3A_184 = arith.constant 0 : i32
      %dma_start3A_185 = tpu.memref_slice %arg7[%add3A_177, %dma_start3A_184] : memref<335872x128xf32, #tpu.memory_space<hbm>> -> memref<128x128xf32, #tpu.memory_space<hbm>>
      tpu.enqueue_dma source(%arg15 : memref<128x128xf32, #tpu.memory_space<vmem>>) target(%dma_start3A_185 : memref<128x128xf32, #tpu.memory_space<hbm>>) target_semaphore(%arg21 : memref<!tpu.dma_semaphore, #tpu.memory_space<semaphore_mem>>)
      %add3A_186 = arith.constant 2 : i32
      %add3A_187 = arith.addi %add3A_140, %add3A_186 : i32
      %mul3A_188 = arith.constant 10496 : i32
      %mul3A_189 = arith.muli %add3A, %mul3A_188 : i32
      %min3A_190 = arith.constant 81 : i32
      %min3A_191 = arith.minsi %add3A_187, %min3A_190 : i32
      %mul3A_192 = arith.constant 128 : i32
      %mul3A_193 = arith.muli %min3A_191, %mul3A_192 : i32
      %add3A_194 = arith.addi %mul3A_189, %mul3A_193 : i32
      %dma_start3A_195 = tpu.memref_slice %arg4[%add3A_194] : memref<335872xi32, #tpu.memory_space<hbm>> -> memref<128xi32, #tpu.memory_space<hbm>>
      %dma_start3A_196 = tpu.memref_slice %arg4[%add3A_194] : memref<335872xi32, #tpu.memory_space<hbm>> -> memref<128xi32, #tpu.memory_space<hbm>>
      tpu.enqueue_dma source(%dma_start3A_196 : memref<128xi32, #tpu.memory_space<hbm>>) target(%arg9 : memref<128xi32, #tpu.memory_space<vmem>>) target_semaphore(%arg17 : memref<!tpu.dma_semaphore, #tpu.memory_space<semaphore_mem>>)
      %dma_start3A_197 = tpu.memref_slice %arg5[%add3A_194] : memref<335872xi32, #tpu.memory_space<hbm>> -> memref<128xi32, #tpu.memory_space<hbm>>
      %dma_start3A_198 = tpu.memref_slice %arg5[%add3A_194] : memref<335872xi32, #tpu.memory_space<hbm>> -> memref<128xi32, #tpu.memory_space<hbm>>
      tpu.enqueue_dma source(%dma_start3A_198 : memref<128xi32, #tpu.memory_space<hbm>>) target(%arg11 : memref<128xi32, #tpu.memory_space<vmem>>) target_semaphore(%arg17 : memref<!tpu.dma_semaphore, #tpu.memory_space<semaphore_mem>>)
      %add3A_199 = arith.constant 1 : i32
      %add3A_200 = arith.addi %add3A_138, %add3A_199 : i32
      %dma_wait3A_201 = arith.constant 0 : i32
      %dma_wait3A_202 = arith.constant 0 : i32
      %dma_wait3A_203 = tpu.memref_slice %arg2[%dma_wait3A_201, %dma_wait3A_202] : memref<10240x128xf32, #tpu.memory_space<hbm>> -> memref<10240x128xf32, #tpu.memory_space<hbm>>
      tpu.wait_indirect_dma semaphore(%arg18 : memref<!tpu.dma_semaphore, #tpu.memory_space<semaphore_mem>>) src(%dma_wait3A_203 : memref<10240x128xf32, #tpu.memory_space<hbm>>) dst(%arg12 : memref<128x128xf32, #tpu.memory_space<vmem>>)
      %dma_wait3A_204 = arith.constant 0 : i32
      %dma_wait3A_205 = arith.constant 0 : i32
      %dma_wait3A_206 = tpu.memref_slice %arg3[%dma_wait3A_204, %dma_wait3A_205] : memref<10240x128xf32, #tpu.memory_space<hbm>> -> memref<10240x128xf32, #tpu.memory_space<hbm>>
      tpu.wait_indirect_dma semaphore(%arg18 : memref<!tpu.dma_semaphore, #tpu.memory_space<semaphore_mem>>) src(%dma_wait3A_206 : memref<10240x128xf32, #tpu.memory_space<hbm>>) dst(%arg14 : memref<128x128xf32, #tpu.memory_space<vmem>>)
      %dma_wait3A_207 = arith.constant 0 : i32
      %dma_wait3A_208 = tpu.memref_slice %arg4[%dma_wait3A_207] : memref<335872xi32, #tpu.memory_space<hbm>> -> memref<128xi32, #tpu.memory_space<hbm>>
      %dma_wait3A_209 = arith.constant 0 : i32
      %dma_wait3A_210 = tpu.memref_slice %arg4[%dma_wait3A_209] : memref<335872xi32, #tpu.memory_space<hbm>> -> memref<128xi32, #tpu.memory_space<hbm>>
      tpu.wait_dma2 semaphore(%arg17 : memref<!tpu.dma_semaphore, #tpu.memory_space<semaphore_mem>>) src(%dma_wait3A_210 : memref<128xi32, #tpu.memory_space<hbm>>) dst(%arg9 : memref<128xi32, #tpu.memory_space<vmem>>)
      %dma_wait3A_211 = arith.constant 0 : i32
      %dma_wait3A_212 = tpu.memref_slice %arg5[%dma_wait3A_211] : memref<335872xi32, #tpu.memory_space<hbm>> -> memref<128xi32, #tpu.memory_space<hbm>>
      %dma_wait3A_213 = arith.constant 0 : i32
      %dma_wait3A_214 = tpu.memref_slice %arg5[%dma_wait3A_213] : memref<335872xi32, #tpu.memory_space<hbm>> -> memref<128xi32, #tpu.memory_space<hbm>>
      tpu.wait_dma2 semaphore(%arg17 : memref<!tpu.dma_semaphore, #tpu.memory_space<semaphore_mem>>) src(%dma_wait3A_214 : memref<128xi32, #tpu.memory_space<hbm>>) dst(%arg11 : memref<128xi32, #tpu.memory_space<vmem>>)
      %dma_wait3A_215 = arith.constant 0 : i32
      %dma_wait3A_216 = arith.constant 0 : i32
      %dma_wait3A_217 = tpu.memref_slice %arg6[%dma_wait3A_215, %dma_wait3A_216] : memref<335872x128xf32, #tpu.memory_space<hbm>> -> memref<128x128xf32, #tpu.memory_space<hbm>>
      %dma_wait3A_218 = arith.constant 0 : i32
      %dma_wait3A_219 = arith.constant 0 : i32
      %dma_wait3A_220 = tpu.memref_slice %arg6[%dma_wait3A_218, %dma_wait3A_219] : memref<335872x128xf32, #tpu.memory_space<hbm>> -> memref<128x128xf32, #tpu.memory_space<hbm>>
      tpu.wait_dma2 semaphore(%arg21 : memref<!tpu.dma_semaphore, #tpu.memory_space<semaphore_mem>>) src(%arg13 : memref<128x128xf32, #tpu.memory_space<vmem>>) dst(%dma_wait3A_220 : memref<128x128xf32, #tpu.memory_space<hbm>>)
      %dma_wait3A_221 = arith.constant 0 : i32
      %dma_wait3A_222 = arith.constant 0 : i32
      %dma_wait3A_223 = tpu.memref_slice %arg7[%dma_wait3A_221, %dma_wait3A_222] : memref<335872x128xf32, #tpu.memory_space<hbm>> -> memref<128x128xf32, #tpu.memory_space<hbm>>
      %dma_wait3A_224 = arith.constant 0 : i32
      %dma_wait3A_225 = arith.constant 0 : i32
      %dma_wait3A_226 = tpu.memref_slice %arg7[%dma_wait3A_224, %dma_wait3A_225] : memref<335872x128xf32, #tpu.memory_space<hbm>> -> memref<128x128xf32, #tpu.memory_space<hbm>>
      tpu.wait_dma2 semaphore(%arg21 : memref<!tpu.dma_semaphore, #tpu.memory_space<semaphore_mem>>) src(%arg15 : memref<128x128xf32, #tpu.memory_space<vmem>>) dst(%dma_wait3A_226 : memref<128x128xf32, #tpu.memory_space<hbm>>)
      %dma_start3A_227 = arith.constant 0 : i32
      %dma_start3A_228 = arith.constant 0 : i32
      %dma_start3A_229 = tpu.memref_slice %arg2[%dma_start3A_227, %dma_start3A_228] : memref<10240x128xf32, #tpu.memory_space<hbm>> -> memref<10240x128xf32, #tpu.memory_space<hbm>>
      tpu.enqueue_indirect_dma source(%dma_start3A_229 : memref<10240x128xf32, #tpu.memory_space<hbm>>) target(%arg13 : memref<128x128xf32, #tpu.memory_space<vmem>>) offsets(%arg9 : memref<128xi32, #tpu.memory_space<vmem>>) semaphore(%arg19 : memref<!tpu.dma_semaphore, #tpu.memory_space<semaphore_mem>>)
      %dma_start3A_230 = arith.constant 0 : i32
      %dma_start3A_231 = arith.constant 0 : i32
      %dma_start3A_232 = tpu.memref_slice %arg3[%dma_start3A_230, %dma_start3A_231] : memref<10240x128xf32, #tpu.memory_space<hbm>> -> memref<10240x128xf32, #tpu.memory_space<hbm>>
      tpu.enqueue_indirect_dma source(%dma_start3A_232 : memref<10240x128xf32, #tpu.memory_space<hbm>>) target(%arg15 : memref<128x128xf32, #tpu.memory_space<vmem>>) offsets(%arg11 : memref<128xi32, #tpu.memory_space<vmem>>) semaphore(%arg19 : memref<!tpu.dma_semaphore, #tpu.memory_space<semaphore_mem>>)
      %mul3A_233 = arith.constant 10496 : i32
      %mul3A_234 = arith.muli %add3A, %mul3A_233 : i32
      %mul3A_235 = arith.constant 128 : i32
      %mul3A_236 = arith.muli %add3A_200, %mul3A_235 : i32
      %add3A_237 = arith.addi %mul3A_234, %mul3A_236 : i32
      %dma_start3A_238 = arith.constant 0 : i32
      %dma_start3A_239 = tpu.memref_slice %arg6[%add3A_237, %dma_start3A_238] : memref<335872x128xf32, #tpu.memory_space<hbm>> -> memref<128x128xf32, #tpu.memory_space<hbm>>
      %dma_start3A_240 = arith.constant 0 : i32
      %dma_start3A_241 = tpu.memref_slice %arg6[%add3A_237, %dma_start3A_240] : memref<335872x128xf32, #tpu.memory_space<hbm>> -> memref<128x128xf32, #tpu.memory_space<hbm>>
      tpu.enqueue_dma source(%arg12 : memref<128x128xf32, #tpu.memory_space<vmem>>) target(%dma_start3A_241 : memref<128x128xf32, #tpu.memory_space<hbm>>) target_semaphore(%arg20 : memref<!tpu.dma_semaphore, #tpu.memory_space<semaphore_mem>>)
      %dma_start3A_242 = arith.constant 0 : i32
      %dma_start3A_243 = tpu.memref_slice %arg7[%add3A_237, %dma_start3A_242] : memref<335872x128xf32, #tpu.memory_space<hbm>> -> memref<128x128xf32, #tpu.memory_space<hbm>>
      %dma_start3A_244 = arith.constant 0 : i32
      %dma_start3A_245 = tpu.memref_slice %arg7[%add3A_237, %dma_start3A_244] : memref<335872x128xf32, #tpu.memory_space<hbm>> -> memref<128x128xf32, #tpu.memory_space<hbm>>
      tpu.enqueue_dma source(%arg14 : memref<128x128xf32, #tpu.memory_space<vmem>>) target(%dma_start3A_245 : memref<128x128xf32, #tpu.memory_space<hbm>>) target_semaphore(%arg20 : memref<!tpu.dma_semaphore, #tpu.memory_space<semaphore_mem>>)
      %add3A_246 = arith.constant 2 : i32
      %add3A_247 = arith.addi %add3A_200, %add3A_246 : i32
      %mul3A_248 = arith.constant 10496 : i32
      %mul3A_249 = arith.muli %add3A, %mul3A_248 : i32
      %min3A_250 = arith.constant 81 : i32
      %min3A_251 = arith.minsi %add3A_247, %min3A_250 : i32
      %mul3A_252 = arith.constant 128 : i32
      %mul3A_253 = arith.muli %min3A_251, %mul3A_252 : i32
      %add3A_254 = arith.addi %mul3A_249, %mul3A_253 : i32
      %dma_start3A_255 = tpu.memref_slice %arg4[%add3A_254] : memref<335872xi32, #tpu.memory_space<hbm>> -> memref<128xi32, #tpu.memory_space<hbm>>
      %dma_start3A_256 = tpu.memref_slice %arg4[%add3A_254] : memref<335872xi32, #tpu.memory_space<hbm>> -> memref<128xi32, #tpu.memory_space<hbm>>
      tpu.enqueue_dma source(%dma_start3A_256 : memref<128xi32, #tpu.memory_space<hbm>>) target(%arg8 : memref<128xi32, #tpu.memory_space<vmem>>) target_semaphore(%arg16 : memref<!tpu.dma_semaphore, #tpu.memory_space<semaphore_mem>>)
      %dma_start3A_257 = tpu.memref_slice %arg5[%add3A_254] : memref<335872xi32, #tpu.memory_space<hbm>> -> memref<128xi32, #tpu.memory_space<hbm>>
      %dma_start3A_258 = tpu.memref_slice %arg5[%add3A_254] : memref<335872xi32, #tpu.memory_space<hbm>> -> memref<128xi32, #tpu.memory_space<hbm>>
      tpu.enqueue_dma source(%dma_start3A_258 : memref<128xi32, #tpu.memory_space<hbm>>) target(%arg10 : memref<128xi32, #tpu.memory_space<vmem>>) target_semaphore(%arg16 : memref<!tpu.dma_semaphore, #tpu.memory_space<semaphore_mem>>)
    }
    %scan3A_83 = arith.constant 40 : i32
    %dma_wait3A_84 = arith.constant 0 : i32
    %dma_wait3A_85 = arith.constant 0 : i32
    %dma_wait3A_86 = tpu.memref_slice %arg2[%dma_wait3A_84, %dma_wait3A_85] : memref<10240x128xf32, #tpu.memory_space<hbm>> -> memref<10240x128xf32, #tpu.memory_space<hbm>>
    tpu.wait_indirect_dma semaphore(%arg19 : memref<!tpu.dma_semaphore, #tpu.memory_space<semaphore_mem>>) src(%dma_wait3A_86 : memref<10240x128xf32, #tpu.memory_space<hbm>>) dst(%arg13 : memref<128x128xf32, #tpu.memory_space<vmem>>)
    %dma_wait3A_87 = arith.constant 0 : i32
    %dma_wait3A_88 = arith.constant 0 : i32
    %dma_wait3A_89 = tpu.memref_slice %arg3[%dma_wait3A_87, %dma_wait3A_88] : memref<10240x128xf32, #tpu.memory_space<hbm>> -> memref<10240x128xf32, #tpu.memory_space<hbm>>
    tpu.wait_indirect_dma semaphore(%arg19 : memref<!tpu.dma_semaphore, #tpu.memory_space<semaphore_mem>>) src(%dma_wait3A_89 : memref<10240x128xf32, #tpu.memory_space<hbm>>) dst(%arg15 : memref<128x128xf32, #tpu.memory_space<vmem>>)
    %dma_wait3A_90 = arith.constant 0 : i32
    %dma_wait3A_91 = arith.constant 0 : i32
    %dma_wait3A_92 = tpu.memref_slice %arg6[%dma_wait3A_90, %dma_wait3A_91] : memref<335872x128xf32, #tpu.memory_space<hbm>> -> memref<128x128xf32, #tpu.memory_space<hbm>>
    %dma_wait3A_93 = arith.constant 0 : i32
    %dma_wait3A_94 = arith.constant 0 : i32
    %dma_wait3A_95 = tpu.memref_slice %arg6[%dma_wait3A_93, %dma_wait3A_94] : memref<335872x128xf32, #tpu.memory_space<hbm>> -> memref<128x128xf32, #tpu.memory_space<hbm>>
    tpu.wait_dma2 semaphore(%arg20 : memref<!tpu.dma_semaphore, #tpu.memory_space<semaphore_mem>>) src(%arg12 : memref<128x128xf32, #tpu.memory_space<vmem>>) dst(%dma_wait3A_95 : memref<128x128xf32, #tpu.memory_space<hbm>>)
    %dma_wait3A_96 = arith.constant 0 : i32
    %dma_wait3A_97 = arith.constant 0 : i32
    %dma_wait3A_98 = tpu.memref_slice %arg7[%dma_wait3A_96, %dma_wait3A_97] : memref<335872x128xf32, #tpu.memory_space<hbm>> -> memref<128x128xf32, #tpu.memory_space<hbm>>
    %dma_wait3A_99 = arith.constant 0 : i32
    %dma_wait3A_100 = arith.constant 0 : i32
    %dma_wait3A_101 = tpu.memref_slice %arg7[%dma_wait3A_99, %dma_wait3A_100] : memref<335872x128xf32, #tpu.memory_space<hbm>> -> memref<128x128xf32, #tpu.memory_space<hbm>>
    tpu.wait_dma2 semaphore(%arg20 : memref<!tpu.dma_semaphore, #tpu.memory_space<semaphore_mem>>) src(%arg14 : memref<128x128xf32, #tpu.memory_space<vmem>>) dst(%dma_wait3A_101 : memref<128x128xf32, #tpu.memory_space<hbm>>)
    %mul3A_102 = arith.constant 10496 : i32
    %mul3A_103 = arith.muli %add3A, %mul3A_102 : i32
    %add3A_104 = arith.constant 10368 : i32
    %add3A_105 = arith.addi %mul3A_103, %add3A_104 : i32
    %dma_start3A_106 = arith.constant 0 : i32
    %dma_start3A_107 = tpu.memref_slice %arg6[%add3A_105, %dma_start3A_106] : memref<335872x128xf32, #tpu.memory_space<hbm>> -> memref<128x128xf32, #tpu.memory_space<hbm>>
    %dma_start3A_108 = arith.constant 0 : i32
    %dma_start3A_109 = tpu.memref_slice %arg6[%add3A_105, %dma_start3A_108] : memref<335872x128xf32, #tpu.memory_space<hbm>> -> memref<128x128xf32, #tpu.memory_space<hbm>>
    tpu.enqueue_dma source(%arg13 : memref<128x128xf32, #tpu.memory_space<vmem>>) target(%dma_start3A_109 : memref<128x128xf32, #tpu.memory_space<hbm>>) target_semaphore(%arg21 : memref<!tpu.dma_semaphore, #tpu.memory_space<semaphore_mem>>)
    %dma_start3A_110 = arith.constant 0 : i32
    %dma_start3A_111 = tpu.memref_slice %arg7[%add3A_105, %dma_start3A_110] : memref<335872x128xf32, #tpu.memory_space<hbm>> -> memref<128x128xf32, #tpu.memory_space<hbm>>
    %dma_start3A_112 = arith.constant 0 : i32
    %dma_start3A_113 = tpu.memref_slice %arg7[%add3A_105, %dma_start3A_112] : memref<335872x128xf32, #tpu.memory_space<hbm>> -> memref<128x128xf32, #tpu.memory_space<hbm>>
    tpu.enqueue_dma source(%arg15 : memref<128x128xf32, #tpu.memory_space<vmem>>) target(%dma_start3A_113 : memref<128x128xf32, #tpu.memory_space<hbm>>) target_semaphore(%arg21 : memref<!tpu.dma_semaphore, #tpu.memory_space<semaphore_mem>>)
    %dma_wait3A_114 = arith.constant 0 : i32
    %dma_wait3A_115 = arith.constant 0 : i32
    %dma_wait3A_116 = tpu.memref_slice %arg6[%dma_wait3A_114, %dma_wait3A_115] : memref<335872x128xf32, #tpu.memory_space<hbm>> -> memref<128x128xf32, #tpu.memory_space<hbm>>
    %dma_wait3A_117 = arith.constant 0 : i32
    %dma_wait3A_118 = arith.constant 0 : i32
    %dma_wait3A_119 = tpu.memref_slice %arg6[%dma_wait3A_117, %dma_wait3A_118] : memref<335872x128xf32, #tpu.memory_space<hbm>> -> memref<128x128xf32, #tpu.memory_space<hbm>>
    tpu.wait_dma2 semaphore(%arg21 : memref<!tpu.dma_semaphore, #tpu.memory_space<semaphore_mem>>) src(%arg13 : memref<128x128xf32, #tpu.memory_space<vmem>>) dst(%dma_wait3A_119 : memref<128x128xf32, #tpu.memory_space<hbm>>)
    %dma_wait3A_120 = arith.constant 0 : i32
    %dma_wait3A_121 = arith.constant 0 : i32
    %dma_wait3A_122 = tpu.memref_slice %arg7[%dma_wait3A_120, %dma_wait3A_121] : memref<335872x128xf32, #tpu.memory_space<hbm>> -> memref<128x128xf32, #tpu.memory_space<hbm>>
    %dma_wait3A_123 = arith.constant 0 : i32
    %dma_wait3A_124 = arith.constant 0 : i32
    %dma_wait3A_125 = tpu.memref_slice %arg7[%dma_wait3A_123, %dma_wait3A_124] : memref<335872x128xf32, #tpu.memory_space<hbm>> -> memref<128x128xf32, #tpu.memory_space<hbm>>
    tpu.wait_dma2 semaphore(%arg21 : memref<!tpu.dma_semaphore, #tpu.memory_space<semaphore_mem>>) src(%arg15 : memref<128x128xf32, #tpu.memory_space<vmem>>) dst(%dma_wait3A_125 : memref<128x128xf32, #tpu.memory_space<hbm>>)
    %dma_wait3A_126 = arith.constant 0 : i32
    %dma_wait3A_127 = tpu.memref_slice %arg4[%dma_wait3A_126] : memref<335872xi32, #tpu.memory_space<hbm>> -> memref<128xi32, #tpu.memory_space<hbm>>
    %dma_wait3A_128 = arith.constant 0 : i32
    %dma_wait3A_129 = tpu.memref_slice %arg4[%dma_wait3A_128] : memref<335872xi32, #tpu.memory_space<hbm>> -> memref<128xi32, #tpu.memory_space<hbm>>
    tpu.wait_dma2 semaphore(%arg16 : memref<!tpu.dma_semaphore, #tpu.memory_space<semaphore_mem>>) src(%dma_wait3A_129 : memref<128xi32, #tpu.memory_space<hbm>>) dst(%arg8 : memref<128xi32, #tpu.memory_space<vmem>>)
    %dma_wait3A_130 = arith.constant 0 : i32
    %dma_wait3A_131 = tpu.memref_slice %arg5[%dma_wait3A_130] : memref<335872xi32, #tpu.memory_space<hbm>> -> memref<128xi32, #tpu.memory_space<hbm>>
    %dma_wait3A_132 = arith.constant 0 : i32
    %dma_wait3A_133 = tpu.memref_slice %arg5[%dma_wait3A_132] : memref<335872xi32, #tpu.memory_space<hbm>> -> memref<128xi32, #tpu.memory_space<hbm>>
    tpu.wait_dma2 semaphore(%arg16 : memref<!tpu.dma_semaphore, #tpu.memory_space<semaphore_mem>>) src(%dma_wait3A_133 : memref<128xi32, #tpu.memory_space<hbm>>) dst(%arg10 : memref<128xi32, #tpu.memory_space<vmem>>)
    return
  }
}

#map = affine_map<(d0, d1) -> (0, 0)>
#map1 = affine_map<(d0, d1) -> (0)>
#map2 = affine_map<(d0, d1) -> (0, 0, 0)>
module attributes {stable_mosaic.version = 14 : i64} {
  func.func @sck(%arg0: i32, %arg1: i32, %arg2: memref<335872x128xf32, #tpu.memory_space<hbm>>, %arg3: memref<335872xf32, #tpu.memory_space<hbm>>, %arg4: memref<335872xi32, #tpu.memory_space<hbm>>, %arg5: memref<2x10240x128xf32, #tpu.memory_space<hbm>>, %arg6: memref<32x10240xf32, #tpu.memory_space<hbm>>, %arg7: memref<128xi32, #tpu.memory_space<vmem>>, %arg8: memref<128xi32, #tpu.memory_space<vmem>>, %arg9: memref<128x128xf32, #tpu.memory_space<vmem>>, %arg10: memref<128x128xf32, #tpu.memory_space<vmem>>, %arg11: memref<128xf32, #tpu.memory_space<vmem>>, %arg12: memref<128xf32, #tpu.memory_space<vmem>>, %arg13: memref<10240xf32, #tpu.memory_space<vmem>>, %arg14: memref<10240x128xf32, #tpu.memory_space<vmem_shared>>, %arg15: memref<!tpu.dma_semaphore, #tpu.memory_space<semaphore_mem>>, %arg16: memref<!tpu.dma_semaphore, #tpu.memory_space<semaphore_mem>>) attributes {dimension_semantics = [#tpu.dimension_semantics<core_parallel>, #tpu.dimension_semantics<subcore_parallel>], iteration_bounds = array<i64: 2, 16>, scalar_prefetch = 0 : i64, scratch_operands = 10 : i64, tpu.core_type = #tpu.core_type<sc_vector_subcore>, window_params = [{transform_indices = #map}, {transform_indices = #map1}, {transform_indices = #map1}, {transform_indices = #map2}, {transform_indices = #map}]} {
    %mul3A = arith.constant 16 : i32
    %mul3A_0 = arith.muli %arg0, %mul3A : i32
    %add3A = arith.addi %mul3A_0, %arg1 : i32
    %broadcast_in_dim3A = arith.constant 0.000000e+00 : f32
    %broadcast_in_dim3A_1 = vector.broadcast %broadcast_in_dim3A : f32 to vector<16xf32>
    %scan3A = arith.constant 0 : i32
    %scan3A_2 = arith.constant 128 : i32
    %scan3A_3 = arith.addi %scan3A, %scan3A_2 : i32
    %scan3A_4 = arith.constant 1 : i32
    scf.for %scan3A_98 = %scan3A to %scan3A_3 step %scan3A_4  : i32 {
      %mul3A_99 = arith.constant 1 : i32
      %mul3A_100 = arith.muli %scan3A_98, %mul3A_99 : i32
      %add3A_101 = arith.constant 0 : i32
      %add3A_102 = arith.addi %add3A_101, %mul3A_100 : i32
      %swap3A = arith.index_cast %add3A_102 : i32 to index
      %swap3A_103 = arith.constant 0 : index
      %swap3A_104 = tpu.vector_load %arg9[%swap3A, %swap3A_103] {strides = array<i32>} : memref<128x128xf32, #tpu.memory_space<vmem>>, vector<16xf32>,
      tpu.vector_store %arg9[%swap3A, %swap3A_103], %broadcast_in_dim3A_1 {strides = array<i32>} : memref<128x128xf32, #tpu.memory_space<vmem>>, vector<16xf32>,
      %swap3A_105 = arith.index_cast %add3A_102 : i32 to index
      %swap3A_106 = arith.constant 16 : index
      %swap3A_107 = tpu.vector_load %arg9[%swap3A_105, %swap3A_106] {strides = array<i32>} : memref<128x128xf32, #tpu.memory_space<vmem>>, vector<16xf32>,
      tpu.vector_store %arg9[%swap3A_105, %swap3A_106], %broadcast_in_dim3A_1 {strides = array<i32>} : memref<128x128xf32, #tpu.memory_space<vmem>>, vector<16xf32>,
      %swap3A_108 = arith.index_cast %add3A_102 : i32 to index
      %swap3A_109 = arith.constant 32 : index
      %swap3A_110 = tpu.vector_load %arg9[%swap3A_108, %swap3A_109] {strides = array<i32>} : memref<128x128xf32, #tpu.memory_space<vmem>>, vector<16xf32>,
      tpu.vector_store %arg9[%swap3A_108, %swap3A_109], %broadcast_in_dim3A_1 {strides = array<i32>} : memref<128x128xf32, #tpu.memory_space<vmem>>, vector<16xf32>,
      %swap3A_111 = arith.index_cast %add3A_102 : i32 to index
      %swap3A_112 = arith.constant 48 : index
      %swap3A_113 = tpu.vector_load %arg9[%swap3A_111, %swap3A_112] {strides = array<i32>} : memref<128x128xf32, #tpu.memory_space<vmem>>, vector<16xf32>,
      tpu.vector_store %arg9[%swap3A_111, %swap3A_112], %broadcast_in_dim3A_1 {strides = array<i32>} : memref<128x128xf32, #tpu.memory_space<vmem>>, vector<16xf32>,
      %swap3A_114 = arith.index_cast %add3A_102 : i32 to index
      %swap3A_115 = arith.constant 64 : index
      %swap3A_116 = tpu.vector_load %arg9[%swap3A_114, %swap3A_115] {strides = array<i32>} : memref<128x128xf32, #tpu.memory_space<vmem>>, vector<16xf32>,
      tpu.vector_store %arg9[%swap3A_114, %swap3A_115], %broadcast_in_dim3A_1 {strides = array<i32>} : memref<128x128xf32, #tpu.memory_space<vmem>>, vector<16xf32>,
      %swap3A_117 = arith.index_cast %add3A_102 : i32 to index
      %swap3A_118 = arith.constant 80 : index
      %swap3A_119 = tpu.vector_load %arg9[%swap3A_117, %swap3A_118] {strides = array<i32>} : memref<128x128xf32, #tpu.memory_space<vmem>>, vector<16xf32>,
      tpu.vector_store %arg9[%swap3A_117, %swap3A_118], %broadcast_in_dim3A_1 {strides = array<i32>} : memref<128x128xf32, #tpu.memory_space<vmem>>, vector<16xf32>,
      %swap3A_120 = arith.index_cast %add3A_102 : i32 to index
      %swap3A_121 = arith.constant 96 : index
      %swap3A_122 = tpu.vector_load %arg9[%swap3A_120, %swap3A_121] {strides = array<i32>} : memref<128x128xf32, #tpu.memory_space<vmem>>, vector<16xf32>,
      tpu.vector_store %arg9[%swap3A_120, %swap3A_121], %broadcast_in_dim3A_1 {strides = array<i32>} : memref<128x128xf32, #tpu.memory_space<vmem>>, vector<16xf32>,
      %swap3A_123 = arith.index_cast %add3A_102 : i32 to index
      %swap3A_124 = arith.constant 112 : index
      %swap3A_125 = tpu.vector_load %arg9[%swap3A_123, %swap3A_124] {strides = array<i32>} : memref<128x128xf32, #tpu.memory_space<vmem>>, vector<16xf32>,
      tpu.vector_store %arg9[%swap3A_123, %swap3A_124], %broadcast_in_dim3A_1 {strides = array<i32>} : memref<128x128xf32, #tpu.memory_space<vmem>>, vector<16xf32>,
    }
    %scan3A_5 = arith.constant 128 : i32
    %scan3A_6 = arith.constant 0 : i32
    %scan3A_7 = arith.constant 640 : i32
    %scan3A_8 = arith.addi %scan3A_6, %scan3A_7 : i32
    %scan3A_9 = arith.constant 1 : i32
    scf.for %scan3A_98 = %scan3A_6 to %scan3A_8 step %scan3A_9  : i32 {
      %mul3A_99 = arith.constant 1 : i32
      %mul3A_100 = arith.muli %scan3A_98, %mul3A_99 : i32
      %add3A_101 = arith.constant 0 : i32
      %add3A_102 = arith.addi %add3A_101, %mul3A_100 : i32
      %mul3A_103 = arith.constant 16 : i32
      %mul3A_104 = arith.muli %add3A_102, %mul3A_103 : i32
      %swap3A = arith.index_cast %mul3A_104 : i32 to index
      %swap3A_105 = tpu.vector_load %arg13[%swap3A] {strides = array<i32>} : memref<10240xf32, #tpu.memory_space<vmem>>, vector<16xf32>,
      tpu.vector_store %arg13[%swap3A], %broadcast_in_dim3A_1 {strides = array<i32>} : memref<10240xf32, #tpu.memory_space<vmem>>, vector<16xf32>,
    }
    %scan3A_10 = arith.constant 640 : i32
    %mul3A_11 = arith.constant 640 : i32
    %mul3A_12 = arith.muli %arg1, %mul3A_11 : i32
    %add3A_13 = arith.constant 0 : i32
    %add3A_14 = arith.addi %mul3A_12, %add3A_13 : i32
    "tpu.region"() ({
      %run_scoped3A = tpu.sem_alloc : memref<!tpu.dma_semaphore, #tpu.memory_space<semaphore_mem>>
      %dma_start3A_98 = arith.constant 0 : i32
      %dma_start3A_99 = tpu.memref_slice %arg14[%add3A_14, %dma_start3A_98] : memref<10240x128xf32, #tpu.memory_space<vmem_shared>> -> memref<128x128xf32, #tpu.memory_space<vmem_shared>>
      %dma_start3A_100 = arith.constant 0 : i32
      %dma_start3A_101 = tpu.memref_slice %arg14[%add3A_14, %dma_start3A_100] : memref<10240x128xf32, #tpu.memory_space<vmem_shared>> -> memref<128x128xf32, #tpu.memory_space<vmem_shared>>
      tpu.enqueue_dma source(%arg9 : memref<128x128xf32, #tpu.memory_space<vmem>>) target(%dma_start3A_101 : memref<128x128xf32, #tpu.memory_space<vmem_shared>>) target_semaphore(%run_scoped3A : memref<!tpu.dma_semaphore, #tpu.memory_space<semaphore_mem>>)
      %dma_wait3A_102 = arith.constant 0 : i32
      %dma_wait3A_103 = tpu.memref_slice %arg14[%add3A_14, %dma_wait3A_102] : memref<10240x128xf32, #tpu.memory_space<vmem_shared>> -> memref<128x128xf32, #tpu.memory_space<vmem_shared>>
      %dma_wait3A_104 = arith.constant 0 : i32
      %dma_wait3A_105 = tpu.memref_slice %arg14[%add3A_14, %dma_wait3A_104] : memref<10240x128xf32, #tpu.memory_space<vmem_shared>> -> memref<128x128xf32, #tpu.memory_space<vmem_shared>>
      tpu.wait_dma2 semaphore(%run_scoped3A : memref<!tpu.dma_semaphore, #tpu.memory_space<semaphore_mem>>) src(%arg9 : memref<128x128xf32, #tpu.memory_space<vmem>>) dst(%dma_wait3A_105 : memref<128x128xf32, #tpu.memory_space<vmem_shared>>)
      tpu.yield
    }) : () -> ()
    %mul3A_15 = arith.constant 640 : i32
    %mul3A_16 = arith.muli %arg1, %mul3A_15 : i32
    %add3A_17 = arith.constant 128 : i32
    %add3A_18 = arith.addi %mul3A_16, %add3A_17 : i32
    "tpu.region"() ({
      %run_scoped3A = tpu.sem_alloc : memref<!tpu.dma_semaphore, #tpu.memory_space<semaphore_mem>>
      %dma_start3A_98 = arith.constant 0 : i32
      %dma_start3A_99 = tpu.memref_slice %arg14[%add3A_18, %dma_start3A_98] : memref<10240x128xf32, #tpu.memory_space<vmem_shared>> -> memref<128x128xf32, #tpu.memory_space<vmem_shared>>
      %dma_start3A_100 = arith.constant 0 : i32
      %dma_start3A_101 = tpu.memref_slice %arg14[%add3A_18, %dma_start3A_100] : memref<10240x128xf32, #tpu.memory_space<vmem_shared>> -> memref<128x128xf32, #tpu.memory_space<vmem_shared>>
      tpu.enqueue_dma source(%arg9 : memref<128x128xf32, #tpu.memory_space<vmem>>) target(%dma_start3A_101 : memref<128x128xf32, #tpu.memory_space<vmem_shared>>) target_semaphore(%run_scoped3A : memref<!tpu.dma_semaphore, #tpu.memory_space<semaphore_mem>>)
      %dma_wait3A_102 = arith.constant 0 : i32
      %dma_wait3A_103 = tpu.memref_slice %arg14[%add3A_18, %dma_wait3A_102] : memref<10240x128xf32, #tpu.memory_space<vmem_shared>> -> memref<128x128xf32, #tpu.memory_space<vmem_shared>>
      %dma_wait3A_104 = arith.constant 0 : i32
      %dma_wait3A_105 = tpu.memref_slice %arg14[%add3A_18, %dma_wait3A_104] : memref<10240x128xf32, #tpu.memory_space<vmem_shared>> -> memref<128x128xf32, #tpu.memory_space<vmem_shared>>
      tpu.wait_dma2 semaphore(%run_scoped3A : memref<!tpu.dma_semaphore, #tpu.memory_space<semaphore_mem>>) src(%arg9 : memref<128x128xf32, #tpu.memory_space<vmem>>) dst(%dma_wait3A_105 : memref<128x128xf32, #tpu.memory_space<vmem_shared>>)
      tpu.yield
    }) : () -> ()
    %mul3A_19 = arith.constant 640 : i32
    %mul3A_20 = arith.muli %arg1, %mul3A_19 : i32
    %add3A_21 = arith.constant 256 : i32
    %add3A_22 = arith.addi %mul3A_20, %add3A_21 : i32
    "tpu.region"() ({
      %run_scoped3A = tpu.sem_alloc : memref<!tpu.dma_semaphore, #tpu.memory_space<semaphore_mem>>
      %dma_start3A_98 = arith.constant 0 : i32
      %dma_start3A_99 = tpu.memref_slice %arg14[%add3A_22, %dma_start3A_98] : memref<10240x128xf32, #tpu.memory_space<vmem_shared>> -> memref<128x128xf32, #tpu.memory_space<vmem_shared>>
      %dma_start3A_100 = arith.constant 0 : i32
      %dma_start3A_101 = tpu.memref_slice %arg14[%add3A_22, %dma_start3A_100] : memref<10240x128xf32, #tpu.memory_space<vmem_shared>> -> memref<128x128xf32, #tpu.memory_space<vmem_shared>>
      tpu.enqueue_dma source(%arg9 : memref<128x128xf32, #tpu.memory_space<vmem>>) target(%dma_start3A_101 : memref<128x128xf32, #tpu.memory_space<vmem_shared>>) target_semaphore(%run_scoped3A : memref<!tpu.dma_semaphore, #tpu.memory_space<semaphore_mem>>)
      %dma_wait3A_102 = arith.constant 0 : i32
      %dma_wait3A_103 = tpu.memref_slice %arg14[%add3A_22, %dma_wait3A_102] : memref<10240x128xf32, #tpu.memory_space<vmem_shared>> -> memref<128x128xf32, #tpu.memory_space<vmem_shared>>
      %dma_wait3A_104 = arith.constant 0 : i32
      %dma_wait3A_105 = tpu.memref_slice %arg14[%add3A_22, %dma_wait3A_104] : memref<10240x128xf32, #tpu.memory_space<vmem_shared>> -> memref<128x128xf32, #tpu.memory_space<vmem_shared>>
      tpu.wait_dma2 semaphore(%run_scoped3A : memref<!tpu.dma_semaphore, #tpu.memory_space<semaphore_mem>>) src(%arg9 : memref<128x128xf32, #tpu.memory_space<vmem>>) dst(%dma_wait3A_105 : memref<128x128xf32, #tpu.memory_space<vmem_shared>>)
      tpu.yield
    }) : () -> ()
    %mul3A_23 = arith.constant 640 : i32
    %mul3A_24 = arith.muli %arg1, %mul3A_23 : i32
    %add3A_25 = arith.constant 384 : i32
    %add3A_26 = arith.addi %mul3A_24, %add3A_25 : i32
    "tpu.region"() ({
      %run_scoped3A = tpu.sem_alloc : memref<!tpu.dma_semaphore, #tpu.memory_space<semaphore_mem>>
      %dma_start3A_98 = arith.constant 0 : i32
      %dma_start3A_99 = tpu.memref_slice %arg14[%add3A_26, %dma_start3A_98] : memref<10240x128xf32, #tpu.memory_space<vmem_shared>> -> memref<128x128xf32, #tpu.memory_space<vmem_shared>>
      %dma_start3A_100 = arith.constant 0 : i32
      %dma_start3A_101 = tpu.memref_slice %arg14[%add3A_26, %dma_start3A_100] : memref<10240x128xf32, #tpu.memory_space<vmem_shared>> -> memref<128x128xf32, #tpu.memory_space<vmem_shared>>
      tpu.enqueue_dma source(%arg9 : memref<128x128xf32, #tpu.memory_space<vmem>>) target(%dma_start3A_101 : memref<128x128xf32, #tpu.memory_space<vmem_shared>>) target_semaphore(%run_scoped3A : memref<!tpu.dma_semaphore, #tpu.memory_space<semaphore_mem>>)
      %dma_wait3A_102 = arith.constant 0 : i32
      %dma_wait3A_103 = tpu.memref_slice %arg14[%add3A_26, %dma_wait3A_102] : memref<10240x128xf32, #tpu.memory_space<vmem_shared>> -> memref<128x128xf32, #tpu.memory_space<vmem_shared>>
      %dma_wait3A_104 = arith.constant 0 : i32
      %dma_wait3A_105 = tpu.memref_slice %arg14[%add3A_26, %dma_wait3A_104] : memref<10240x128xf32, #tpu.memory_space<vmem_shared>> -> memref<128x128xf32, #tpu.memory_space<vmem_shared>>
      tpu.wait_dma2 semaphore(%run_scoped3A : memref<!tpu.dma_semaphore, #tpu.memory_space<semaphore_mem>>) src(%arg9 : memref<128x128xf32, #tpu.memory_space<vmem>>) dst(%dma_wait3A_105 : memref<128x128xf32, #tpu.memory_space<vmem_shared>>)
      tpu.yield
    }) : () -> ()
    %mul3A_27 = arith.constant 640 : i32
    %mul3A_28 = arith.muli %arg1, %mul3A_27 : i32
    %add3A_29 = arith.constant 512 : i32
    %add3A_30 = arith.addi %mul3A_28, %add3A_29 : i32
    "tpu.region"() ({
      %run_scoped3A = tpu.sem_alloc : memref<!tpu.dma_semaphore, #tpu.memory_space<semaphore_mem>>
      %dma_start3A_98 = arith.constant 0 : i32
      %dma_start3A_99 = tpu.memref_slice %arg14[%add3A_30, %dma_start3A_98] : memref<10240x128xf32, #tpu.memory_space<vmem_shared>> -> memref<128x128xf32, #tpu.memory_space<vmem_shared>>
      %dma_start3A_100 = arith.constant 0 : i32
      %dma_start3A_101 = tpu.memref_slice %arg14[%add3A_30, %dma_start3A_100] : memref<10240x128xf32, #tpu.memory_space<vmem_shared>> -> memref<128x128xf32, #tpu.memory_space<vmem_shared>>
      tpu.enqueue_dma source(%arg9 : memref<128x128xf32, #tpu.memory_space<vmem>>) target(%dma_start3A_101 : memref<128x128xf32, #tpu.memory_space<vmem_shared>>) target_semaphore(%run_scoped3A : memref<!tpu.dma_semaphore, #tpu.memory_space<semaphore_mem>>)
      %dma_wait3A_102 = arith.constant 0 : i32
      %dma_wait3A_103 = tpu.memref_slice %arg14[%add3A_30, %dma_wait3A_102] : memref<10240x128xf32, #tpu.memory_space<vmem_shared>> -> memref<128x128xf32, #tpu.memory_space<vmem_shared>>
      %dma_wait3A_104 = arith.constant 0 : i32
      %dma_wait3A_105 = tpu.memref_slice %arg14[%add3A_30, %dma_wait3A_104] : memref<10240x128xf32, #tpu.memory_space<vmem_shared>> -> memref<128x128xf32, #tpu.memory_space<vmem_shared>>
      tpu.wait_dma2 semaphore(%run_scoped3A : memref<!tpu.dma_semaphore, #tpu.memory_space<semaphore_mem>>) src(%arg9 : memref<128x128xf32, #tpu.memory_space<vmem>>) dst(%dma_wait3A_105 : memref<128x128xf32, #tpu.memory_space<vmem_shared>>)
      tpu.yield
    }) : () -> ()
    %mul3A_31 = arith.constant 10496 : i32
    %mul3A_32 = arith.muli %add3A, %mul3A_31 : i32
    %min3A = arith.constant 0 : i32
    %min3A_33 = arith.constant 81 : i32
    %min3A_34 = arith.minsi %min3A, %min3A_33 : i32
    %mul3A_35 = arith.constant 128 : i32
    %mul3A_36 = arith.muli %min3A_34, %mul3A_35 : i32
    %add3A_37 = arith.addi %mul3A_32, %mul3A_36 : i32
    %dma_start3A = tpu.memref_slice %arg4[%add3A_37] : memref<335872xi32, #tpu.memory_space<hbm>> -> memref<128xi32, #tpu.memory_space<hbm>>
    %dma_start3A_38 = tpu.memref_slice %arg4[%add3A_37] : memref<335872xi32, #tpu.memory_space<hbm>> -> memref<128xi32, #tpu.memory_space<hbm>>
    tpu.enqueue_dma source(%dma_start3A_38 : memref<128xi32, #tpu.memory_space<hbm>>) target(%arg7 : memref<128xi32, #tpu.memory_space<vmem>>) target_semaphore(%arg15 : memref<!tpu.dma_semaphore, #tpu.memory_space<semaphore_mem>>)
    %dma_start3A_39 = arith.constant 0 : i32
    %dma_start3A_40 = tpu.memref_slice %arg2[%add3A_37, %dma_start3A_39] : memref<335872x128xf32, #tpu.memory_space<hbm>> -> memref<128x128xf32, #tpu.memory_space<hbm>>
    %dma_start3A_41 = arith.constant 0 : i32
    %dma_start3A_42 = tpu.memref_slice %arg2[%add3A_37, %dma_start3A_41] : memref<335872x128xf32, #tpu.memory_space<hbm>> -> memref<128x128xf32, #tpu.memory_space<hbm>>
    tpu.enqueue_dma source(%dma_start3A_42 : memref<128x128xf32, #tpu.memory_space<hbm>>) target(%arg9 : memref<128x128xf32, #tpu.memory_space<vmem>>) target_semaphore(%arg15 : memref<!tpu.dma_semaphore, #tpu.memory_space<semaphore_mem>>)
    %dma_start3A_43 = tpu.memref_slice %arg3[%add3A_37] : memref<335872xf32, #tpu.memory_space<hbm>> -> memref<128xf32, #tpu.memory_space<hbm>>
    %dma_start3A_44 = tpu.memref_slice %arg3[%add3A_37] : memref<335872xf32, #tpu.memory_space<hbm>> -> memref<128xf32, #tpu.memory_space<hbm>>
    tpu.enqueue_dma source(%dma_start3A_44 : memref<128xf32, #tpu.memory_space<hbm>>) target(%arg11 : memref<128xf32, #tpu.memory_space<vmem>>) target_semaphore(%arg15 : memref<!tpu.dma_semaphore, #tpu.memory_space<semaphore_mem>>)
    %mul3A_45 = arith.constant 10496 : i32
    %mul3A_46 = arith.muli %add3A, %mul3A_45 : i32
    %min3A_47 = arith.constant 1 : i32
    %min3A_48 = arith.constant 81 : i32
    %min3A_49 = arith.minsi %min3A_47, %min3A_48 : i32
    %mul3A_50 = arith.constant 128 : i32
    %mul3A_51 = arith.muli %min3A_49, %mul3A_50 : i32
    %add3A_52 = arith.addi %mul3A_46, %mul3A_51 : i32
    %dma_start3A_53 = tpu.memref_slice %arg4[%add3A_52] : memref<335872xi32, #tpu.memory_space<hbm>> -> memref<128xi32, #tpu.memory_space<hbm>>
    %dma_start3A_54 = tpu.memref_slice %arg4[%add3A_52] : memref<335872xi32, #tpu.memory_space<hbm>> -> memref<128xi32, #tpu.memory_space<hbm>>
    tpu.enqueue_dma source(%dma_start3A_54 : memref<128xi32, #tpu.memory_space<hbm>>) target(%arg8 : memref<128xi32, #tpu.memory_space<vmem>>) target_semaphore(%arg16 : memref<!tpu.dma_semaphore, #tpu.memory_space<semaphore_mem>>)
    %dma_start3A_55 = arith.constant 0 : i32
    %dma_start3A_56 = tpu.memref_slice %arg2[%add3A_52, %dma_start3A_55] : memref<335872x128xf32, #tpu.memory_space<hbm>> -> memref<128x128xf32, #tpu.memory_space<hbm>>
    %dma_start3A_57 = arith.constant 0 : i32
    %dma_start3A_58 = tpu.memref_slice %arg2[%add3A_52, %dma_start3A_57] : memref<335872x128xf32, #tpu.memory_space<hbm>> -> memref<128x128xf32, #tpu.memory_space<hbm>>
    tpu.enqueue_dma source(%dma_start3A_58 : memref<128x128xf32, #tpu.memory_space<hbm>>) target(%arg10 : memref<128x128xf32, #tpu.memory_space<vmem>>) target_semaphore(%arg16 : memref<!tpu.dma_semaphore, #tpu.memory_space<semaphore_mem>>)
    %dma_start3A_59 = tpu.memref_slice %arg3[%add3A_52] : memref<335872xf32, #tpu.memory_space<hbm>> -> memref<128xf32, #tpu.memory_space<hbm>>
    %dma_start3A_60 = tpu.memref_slice %arg3[%add3A_52] : memref<335872xf32, #tpu.memory_space<hbm>> -> memref<128xf32, #tpu.memory_space<hbm>>
    tpu.enqueue_dma source(%dma_start3A_60 : memref<128xf32, #tpu.memory_space<hbm>>) target(%arg12 : memref<128xf32, #tpu.memory_space<vmem>>) target_semaphore(%arg16 : memref<!tpu.dma_semaphore, #tpu.memory_space<semaphore_mem>>)
    %barrier3A = arith.constant 0 : index
    tpu.barrier barrier_id(%barrier3A)
    %scan3A_61 = arith.constant 0 : i32
    %scan3A_62 = arith.constant 41 : i32
    %scan3A_63 = arith.addi %scan3A_61, %scan3A_62 : i32
    %scan3A_64 = arith.constant 1 : i32
    scf.for %scan3A_98 = %scan3A_61 to %scan3A_63 step %scan3A_64  : i32 {
      %mul3A_99 = arith.constant 2 : i32
      %mul3A_100 = arith.muli %scan3A_98, %mul3A_99 : i32
      %add3A_101 = arith.constant 0 : i32
      %add3A_102 = arith.addi %add3A_101, %mul3A_100 : i32
      %add3A_103 = arith.constant 0 : i32
      %add3A_104 = arith.addi %add3A_102, %add3A_103 : i32
      %dma_wait3A_105 = arith.constant 0 : i32
      %dma_wait3A_106 = tpu.memref_slice %arg4[%dma_wait3A_105] : memref<335872xi32, #tpu.memory_space<hbm>> -> memref<128xi32, #tpu.memory_space<hbm>>
      %dma_wait3A_107 = arith.constant 0 : i32
      %dma_wait3A_108 = tpu.memref_slice %arg4[%dma_wait3A_107] : memref<335872xi32, #tpu.memory_space<hbm>> -> memref<128xi32, #tpu.memory_space<hbm>>
      tpu.wait_dma2 semaphore(%arg15 : memref<!tpu.dma_semaphore, #tpu.memory_space<semaphore_mem>>) src(%dma_wait3A_108 : memref<128xi32, #tpu.memory_space<hbm>>) dst(%arg7 : memref<128xi32, #tpu.memory_space<vmem>>)
      %dma_wait3A_109 = arith.constant 0 : i32
      %dma_wait3A_110 = arith.constant 0 : i32
      %dma_wait3A_111 = tpu.memref_slice %arg2[%dma_wait3A_109, %dma_wait3A_110] : memref<335872x128xf32, #tpu.memory_space<hbm>> -> memref<128x128xf32, #tpu.memory_space<hbm>>
      %dma_wait3A_112 = arith.constant 0 : i32
      %dma_wait3A_113 = arith.constant 0 : i32
      %dma_wait3A_114 = tpu.memref_slice %arg2[%dma_wait3A_112, %dma_wait3A_113] : memref<335872x128xf32, #tpu.memory_space<hbm>> -> memref<128x128xf32, #tpu.memory_space<hbm>>
      tpu.wait_dma2 semaphore(%arg15 : memref<!tpu.dma_semaphore, #tpu.memory_space<semaphore_mem>>) src(%dma_wait3A_114 : memref<128x128xf32, #tpu.memory_space<hbm>>) dst(%arg9 : memref<128x128xf32, #tpu.memory_space<vmem>>)
      %dma_wait3A_115 = arith.constant 0 : i32
      %dma_wait3A_116 = tpu.memref_slice %arg3[%dma_wait3A_115] : memref<335872xf32, #tpu.memory_space<hbm>> -> memref<128xf32, #tpu.memory_space<hbm>>
      %dma_wait3A_117 = arith.constant 0 : i32
      %dma_wait3A_118 = tpu.memref_slice %arg3[%dma_wait3A_117] : memref<335872xf32, #tpu.memory_space<hbm>> -> memref<128xf32, #tpu.memory_space<hbm>>
      tpu.wait_dma2 semaphore(%arg15 : memref<!tpu.dma_semaphore, #tpu.memory_space<semaphore_mem>>) src(%dma_wait3A_118 : memref<128xf32, #tpu.memory_space<hbm>>) dst(%arg11 : memref<128xf32, #tpu.memory_space<vmem>>)
      %get3A = arith.constant 0 : index
      %get3A_119 = tpu.vector_load %arg7[%get3A] {strides = array<i32>} : memref<128xi32, #tpu.memory_space<vmem>>, vector<16xi32>,
      %get3A_120 = arith.constant 0 : index
      %get3A_121 = tpu.vector_load %arg11[%get3A_120] {strides = array<i32>} : memref<128xf32, #tpu.memory_space<vmem>>, vector<16xf32>,
      tpu.vector_store_idx %arg13[%get3A_119], %get3A_121 {add = true} : memref<10240xf32, #tpu.memory_space<vmem>>[vector<16xi32>], vector<16xf32>,
      %get3A_122 = arith.constant 16 : index
      %get3A_123 = tpu.vector_load %arg7[%get3A_122] {strides = array<i32>} : memref<128xi32, #tpu.memory_space<vmem>>, vector<16xi32>,
      %get3A_124 = arith.constant 16 : index
      %get3A_125 = tpu.vector_load %arg11[%get3A_124] {strides = array<i32>} : memref<128xf32, #tpu.memory_space<vmem>>, vector<16xf32>,
      tpu.vector_store_idx %arg13[%get3A_123], %get3A_125 {add = true} : memref<10240xf32, #tpu.memory_space<vmem>>[vector<16xi32>], vector<16xf32>,
      %get3A_126 = arith.constant 32 : index
      %get3A_127 = tpu.vector_load %arg7[%get3A_126] {strides = array<i32>} : memref<128xi32, #tpu.memory_space<vmem>>, vector<16xi32>,
      %get3A_128 = arith.constant 32 : index
      %get3A_129 = tpu.vector_load %arg11[%get3A_128] {strides = array<i32>} : memref<128xf32, #tpu.memory_space<vmem>>, vector<16xf32>,
      tpu.vector_store_idx %arg13[%get3A_127], %get3A_129 {add = true} : memref<10240xf32, #tpu.memory_space<vmem>>[vector<16xi32>], vector<16xf32>,
      %get3A_130 = arith.constant 48 : index
      %get3A_131 = tpu.vector_load %arg7[%get3A_130] {strides = array<i32>} : memref<128xi32, #tpu.memory_space<vmem>>, vector<16xi32>,
      %get3A_132 = arith.constant 48 : index
      %get3A_133 = tpu.vector_load %arg11[%get3A_132] {strides = array<i32>} : memref<128xf32, #tpu.memory_space<vmem>>, vector<16xf32>,
      tpu.vector_store_idx %arg13[%get3A_131], %get3A_133 {add = true} : memref<10240xf32, #tpu.memory_space<vmem>>[vector<16xi32>], vector<16xf32>,
      %get3A_134 = arith.constant 64 : index
      %get3A_135 = tpu.vector_load %arg7[%get3A_134] {strides = array<i32>} : memref<128xi32, #tpu.memory_space<vmem>>, vector<16xi32>,
      %get3A_136 = arith.constant 64 : index
      %get3A_137 = tpu.vector_load %arg11[%get3A_136] {strides = array<i32>} : memref<128xf32, #tpu.memory_space<vmem>>, vector<16xf32>,
      tpu.vector_store_idx %arg13[%get3A_135], %get3A_137 {add = true} : memref<10240xf32, #tpu.memory_space<vmem>>[vector<16xi32>], vector<16xf32>,
      %get3A_138 = arith.constant 80 : index
      %get3A_139 = tpu.vector_load %arg7[%get3A_138] {strides = array<i32>} : memref<128xi32, #tpu.memory_space<vmem>>, vector<16xi32>,
      %get3A_140 = arith.constant 80 : index
      %get3A_141 = tpu.vector_load %arg11[%get3A_140] {strides = array<i32>} : memref<128xf32, #tpu.memory_space<vmem>>, vector<16xf32>,
      tpu.vector_store_idx %arg13[%get3A_139], %get3A_141 {add = true} : memref<10240xf32, #tpu.memory_space<vmem>>[vector<16xi32>], vector<16xf32>,
      %get3A_142 = arith.constant 96 : index
      %get3A_143 = tpu.vector_load %arg7[%get3A_142] {strides = array<i32>} : memref<128xi32, #tpu.memory_space<vmem>>, vector<16xi32>,
      %get3A_144 = arith.constant 96 : index
      %get3A_145 = tpu.vector_load %arg11[%get3A_144] {strides = array<i32>} : memref<128xf32, #tpu.memory_space<vmem>>, vector<16xf32>,
      tpu.vector_store_idx %arg13[%get3A_143], %get3A_145 {add = true} : memref<10240xf32, #tpu.memory_space<vmem>>[vector<16xi32>], vector<16xf32>,
      %get3A_146 = arith.constant 112 : index
      %get3A_147 = tpu.vector_load %arg7[%get3A_146] {strides = array<i32>} : memref<128xi32, #tpu.memory_space<vmem>>, vector<16xi32>,
      %get3A_148 = arith.constant 112 : index
      %get3A_149 = tpu.vector_load %arg11[%get3A_148] {strides = array<i32>} : memref<128xf32, #tpu.memory_space<vmem>>, vector<16xf32>,
      tpu.vector_store_idx %arg13[%get3A_147], %get3A_149 {add = true} : memref<10240xf32, #tpu.memory_space<vmem>>[vector<16xi32>], vector<16xf32>,
      "tpu.region"() ({
        %run_scoped3A = tpu.sem_alloc : memref<!tpu.dma_semaphore, #tpu.memory_space<semaphore_mem>>
        %dma_start3A_232 = arith.constant 0 : i32
        %dma_start3A_233 = arith.constant 0 : i32
        %dma_start3A_234 = tpu.memref_slice %arg14[%dma_start3A_232, %dma_start3A_233] : memref<10240x128xf32, #tpu.memory_space<vmem_shared>> -> memref<10240x128xf32, #tpu.memory_space<vmem_shared>>
        tpu.enqueue_indirect_dma source(%arg9 : memref<128x128xf32, #tpu.memory_space<vmem>>) target(%dma_start3A_234 : memref<10240x128xf32, #tpu.memory_space<vmem_shared>>) offsets(%arg7 : memref<128xi32, #tpu.memory_space<vmem>>) semaphore(%run_scoped3A : memref<!tpu.dma_semaphore, #tpu.memory_space<semaphore_mem>>) {add = true}
        %dma_wait3A_235 = arith.constant 0 : i32
        %dma_wait3A_236 = arith.constant 0 : i32
        %dma_wait3A_237 = tpu.memref_slice %arg14[%dma_wait3A_235, %dma_wait3A_236] : memref<10240x128xf32, #tpu.memory_space<vmem_shared>> -> memref<10240x128xf32, #tpu.memory_space<vmem_shared>>
        tpu.wait_indirect_dma semaphore(%run_scoped3A : memref<!tpu.dma_semaphore, #tpu.memory_space<semaphore_mem>>) src(%arg9 : memref<128x128xf32, #tpu.memory_space<vmem>>) dst(%dma_wait3A_237 : memref<10240x128xf32, #tpu.memory_space<vmem_shared>>)
        tpu.yield
      }) : () -> ()
      %add3A_150 = arith.constant 2 : i32
      %add3A_151 = arith.addi %add3A_104, %add3A_150 : i32
      %mul3A_152 = arith.constant 10496 : i32
      %mul3A_153 = arith.muli %add3A, %mul3A_152 : i32
      %min3A_154 = arith.constant 81 : i32
      %min3A_155 = arith.minsi %add3A_151, %min3A_154 : i32
      %mul3A_156 = arith.constant 128 : i32
      %mul3A_157 = arith.muli %min3A_155, %mul3A_156 : i32
      %add3A_158 = arith.addi %mul3A_153, %mul3A_157 : i32
      %dma_start3A_159 = tpu.memref_slice %arg4[%add3A_158] : memref<335872xi32, #tpu.memory_space<hbm>> -> memref<128xi32, #tpu.memory_space<hbm>>
      %dma_start3A_160 = tpu.memref_slice %arg4[%add3A_158] : memref<335872xi32, #tpu.memory_space<hbm>> -> memref<128xi32, #tpu.memory_space<hbm>>
      tpu.enqueue_dma source(%dma_start3A_160 : memref<128xi32, #tpu.memory_space<hbm>>) target(%arg7 : memref<128xi32, #tpu.memory_space<vmem>>) target_semaphore(%arg15 : memref<!tpu.dma_semaphore, #tpu.memory_space<semaphore_mem>>)
      %dma_start3A_161 = arith.constant 0 : i32
      %dma_start3A_162 = tpu.memref_slice %arg2[%add3A_158, %dma_start3A_161] : memref<335872x128xf32, #tpu.memory_space<hbm>> -> memref<128x128xf32, #tpu.memory_space<hbm>>
      %dma_start3A_163 = arith.constant 0 : i32
      %dma_start3A_164 = tpu.memref_slice %arg2[%add3A_158, %dma_start3A_163] : memref<335872x128xf32, #tpu.memory_space<hbm>> -> memref<128x128xf32, #tpu.memory_space<hbm>>
      tpu.enqueue_dma source(%dma_start3A_164 : memref<128x128xf32, #tpu.memory_space<hbm>>) target(%arg9 : memref<128x128xf32, #tpu.memory_space<vmem>>) target_semaphore(%arg15 : memref<!tpu.dma_semaphore, #tpu.memory_space<semaphore_mem>>)
      %dma_start3A_165 = tpu.memref_slice %arg3[%add3A_158] : memref<335872xf32, #tpu.memory_space<hbm>> -> memref<128xf32, #tpu.memory_space<hbm>>
      %dma_start3A_166 = tpu.memref_slice %arg3[%add3A_158] : memref<335872xf32, #tpu.memory_space<hbm>> -> memref<128xf32, #tpu.memory_space<hbm>>
      tpu.enqueue_dma source(%dma_start3A_166 : memref<128xf32, #tpu.memory_space<hbm>>) target(%arg11 : memref<128xf32, #tpu.memory_space<vmem>>) target_semaphore(%arg15 : memref<!tpu.dma_semaphore, #tpu.memory_space<semaphore_mem>>)
      %add3A_167 = arith.constant 1 : i32
      %add3A_168 = arith.addi %add3A_102, %add3A_167 : i32
      %dma_wait3A_169 = arith.constant 0 : i32
      %dma_wait3A_170 = tpu.memref_slice %arg4[%dma_wait3A_169] : memref<335872xi32, #tpu.memory_space<hbm>> -> memref<128xi32, #tpu.memory_space<hbm>>
      %dma_wait3A_171 = arith.constant 0 : i32
      %dma_wait3A_172 = tpu.memref_slice %arg4[%dma_wait3A_171] : memref<335872xi32, #tpu.memory_space<hbm>> -> memref<128xi32, #tpu.memory_space<hbm>>
      tpu.wait_dma2 semaphore(%arg16 : memref<!tpu.dma_semaphore, #tpu.memory_space<semaphore_mem>>) src(%dma_wait3A_172 : memref<128xi32, #tpu.memory_space<hbm>>) dst(%arg8 : memref<128xi32, #tpu.memory_space<vmem>>)
      %dma_wait3A_173 = arith.constant 0 : i32
      %dma_wait3A_174 = arith.constant 0 : i32
      %dma_wait3A_175 = tpu.memref_slice %arg2[%dma_wait3A_173, %dma_wait3A_174] : memref<335872x128xf32, #tpu.memory_space<hbm>> -> memref<128x128xf32, #tpu.memory_space<hbm>>
      %dma_wait3A_176 = arith.constant 0 : i32
      %dma_wait3A_177 = arith.constant 0 : i32
      %dma_wait3A_178 = tpu.memref_slice %arg2[%dma_wait3A_176, %dma_wait3A_177] : memref<335872x128xf32, #tpu.memory_space<hbm>> -> memref<128x128xf32, #tpu.memory_space<hbm>>
      tpu.wait_dma2 semaphore(%arg16 : memref<!tpu.dma_semaphore, #tpu.memory_space<semaphore_mem>>) src(%dma_wait3A_178 : memref<128x128xf32, #tpu.memory_space<hbm>>) dst(%arg10 : memref<128x128xf32, #tpu.memory_space<vmem>>)
      %dma_wait3A_179 = arith.constant 0 : i32
      %dma_wait3A_180 = tpu.memref_slice %arg3[%dma_wait3A_179] : memref<335872xf32, #tpu.memory_space<hbm>> -> memref<128xf32, #tpu.memory_space<hbm>>
      %dma_wait3A_181 = arith.constant 0 : i32
      %dma_wait3A_182 = tpu.memref_slice %arg3[%dma_wait3A_181] : memref<335872xf32, #tpu.memory_space<hbm>> -> memref<128xf32, #tpu.memory_space<hbm>>
      tpu.wait_dma2 semaphore(%arg16 : memref<!tpu.dma_semaphore, #tpu.memory_space<semaphore_mem>>) src(%dma_wait3A_182 : memref<128xf32, #tpu.memory_space<hbm>>) dst(%arg12 : memref<128xf32, #tpu.memory_space<vmem>>)
      %get3A_183 = arith.constant 0 : index
      %get3A_184 = tpu.vector_load %arg8[%get3A_183] {strides = array<i32>} : memref<128xi32, #tpu.memory_space<vmem>>, vector<16xi32>,
      %get3A_185 = arith.constant 0 : index
      %get3A_186 = tpu.vector_load %arg12[%get3A_185] {strides = array<i32>} : memref<128xf32, #tpu.memory_space<vmem>>, vector<16xf32>,
      tpu.vector_store_idx %arg13[%get3A_184], %get3A_186 {add = true} : memref<10240xf32, #tpu.memory_space<vmem>>[vector<16xi32>], vector<16xf32>,
      %get3A_187 = arith.constant 16 : index
      %get3A_188 = tpu.vector_load %arg8[%get3A_187] {strides = array<i32>} : memref<128xi32, #tpu.memory_space<vmem>>, vector<16xi32>,
      %get3A_189 = arith.constant 16 : index
      %get3A_190 = tpu.vector_load %arg12[%get3A_189] {strides = array<i32>} : memref<128xf32, #tpu.memory_space<vmem>>, vector<16xf32>,
      tpu.vector_store_idx %arg13[%get3A_188], %get3A_190 {add = true} : memref<10240xf32, #tpu.memory_space<vmem>>[vector<16xi32>], vector<16xf32>,
      %get3A_191 = arith.constant 32 : index
      %get3A_192 = tpu.vector_load %arg8[%get3A_191] {strides = array<i32>} : memref<128xi32, #tpu.memory_space<vmem>>, vector<16xi32>,
      %get3A_193 = arith.constant 32 : index
      %get3A_194 = tpu.vector_load %arg12[%get3A_193] {strides = array<i32>} : memref<128xf32, #tpu.memory_space<vmem>>, vector<16xf32>,
      tpu.vector_store_idx %arg13[%get3A_192], %get3A_194 {add = true} : memref<10240xf32, #tpu.memory_space<vmem>>[vector<16xi32>], vector<16xf32>,
      %get3A_195 = arith.constant 48 : index
      %get3A_196 = tpu.vector_load %arg8[%get3A_195] {strides = array<i32>} : memref<128xi32, #tpu.memory_space<vmem>>, vector<16xi32>,
      %get3A_197 = arith.constant 48 : index
      %get3A_198 = tpu.vector_load %arg12[%get3A_197] {strides = array<i32>} : memref<128xf32, #tpu.memory_space<vmem>>, vector<16xf32>,
      tpu.vector_store_idx %arg13[%get3A_196], %get3A_198 {add = true} : memref<10240xf32, #tpu.memory_space<vmem>>[vector<16xi32>], vector<16xf32>,
      %get3A_199 = arith.constant 64 : index
      %get3A_200 = tpu.vector_load %arg8[%get3A_199] {strides = array<i32>} : memref<128xi32, #tpu.memory_space<vmem>>, vector<16xi32>,
      %get3A_201 = arith.constant 64 : index
      %get3A_202 = tpu.vector_load %arg12[%get3A_201] {strides = array<i32>} : memref<128xf32, #tpu.memory_space<vmem>>, vector<16xf32>,
      tpu.vector_store_idx %arg13[%get3A_200], %get3A_202 {add = true} : memref<10240xf32, #tpu.memory_space<vmem>>[vector<16xi32>], vector<16xf32>,
      %get3A_203 = arith.constant 80 : index
      %get3A_204 = tpu.vector_load %arg8[%get3A_203] {strides = array<i32>} : memref<128xi32, #tpu.memory_space<vmem>>, vector<16xi32>,
      %get3A_205 = arith.constant 80 : index
      %get3A_206 = tpu.vector_load %arg12[%get3A_205] {strides = array<i32>} : memref<128xf32, #tpu.memory_space<vmem>>, vector<16xf32>,
      tpu.vector_store_idx %arg13[%get3A_204], %get3A_206 {add = true} : memref<10240xf32, #tpu.memory_space<vmem>>[vector<16xi32>], vector<16xf32>,
      %get3A_207 = arith.constant 96 : index
      %get3A_208 = tpu.vector_load %arg8[%get3A_207] {strides = array<i32>} : memref<128xi32, #tpu.memory_space<vmem>>, vector<16xi32>,
      %get3A_209 = arith.constant 96 : index
      %get3A_210 = tpu.vector_load %arg12[%get3A_209] {strides = array<i32>} : memref<128xf32, #tpu.memory_space<vmem>>, vector<16xf32>,
      tpu.vector_store_idx %arg13[%get3A_208], %get3A_210 {add = true} : memref<10240xf32, #tpu.memory_space<vmem>>[vector<16xi32>], vector<16xf32>,
      %get3A_211 = arith.constant 112 : index
      %get3A_212 = tpu.vector_load %arg8[%get3A_211] {strides = array<i32>} : memref<128xi32, #tpu.memory_space<vmem>>, vector<16xi32>,
      %get3A_213 = arith.constant 112 : index
      %get3A_214 = tpu.vector_load %arg12[%get3A_213] {strides = array<i32>} : memref<128xf32, #tpu.memory_space<vmem>>, vector<16xf32>,
      tpu.vector_store_idx %arg13[%get3A_212], %get3A_214 {add = true} : memref<10240xf32, #tpu.memory_space<vmem>>[vector<16xi32>], vector<16xf32>,
      "tpu.region"() ({
        %run_scoped3A = tpu.sem_alloc : memref<!tpu.dma_semaphore, #tpu.memory_space<semaphore_mem>>
        %dma_start3A_232 = arith.constant 0 : i32
        %dma_start3A_233 = arith.constant 0 : i32
        %dma_start3A_234 = tpu.memref_slice %arg14[%dma_start3A_232, %dma_start3A_233] : memref<10240x128xf32, #tpu.memory_space<vmem_shared>> -> memref<10240x128xf32, #tpu.memory_space<vmem_shared>>
        tpu.enqueue_indirect_dma source(%arg10 : memref<128x128xf32, #tpu.memory_space<vmem>>) target(%dma_start3A_234 : memref<10240x128xf32, #tpu.memory_space<vmem_shared>>) offsets(%arg8 : memref<128xi32, #tpu.memory_space<vmem>>) semaphore(%run_scoped3A : memref<!tpu.dma_semaphore, #tpu.memory_space<semaphore_mem>>) {add = true}
        %dma_wait3A_235 = arith.constant 0 : i32
        %dma_wait3A_236 = arith.constant 0 : i32
        %dma_wait3A_237 = tpu.memref_slice %arg14[%dma_wait3A_235, %dma_wait3A_236] : memref<10240x128xf32, #tpu.memory_space<vmem_shared>> -> memref<10240x128xf32, #tpu.memory_space<vmem_shared>>
        tpu.wait_indirect_dma semaphore(%run_scoped3A : memref<!tpu.dma_semaphore, #tpu.memory_space<semaphore_mem>>) src(%arg10 : memref<128x128xf32, #tpu.memory_space<vmem>>) dst(%dma_wait3A_237 : memref<10240x128xf32, #tpu.memory_space<vmem_shared>>)
        tpu.yield
      }) : () -> ()
      %add3A_215 = arith.constant 2 : i32
      %add3A_216 = arith.addi %add3A_168, %add3A_215 : i32
      %mul3A_217 = arith.constant 10496 : i32
      %mul3A_218 = arith.muli %add3A, %mul3A_217 : i32
      %min3A_219 = arith.constant 81 : i32
      %min3A_220 = arith.minsi %add3A_216, %min3A_219 : i32
      %mul3A_221 = arith.constant 128 : i32
      %mul3A_222 = arith.muli %min3A_220, %mul3A_221 : i32
      %add3A_223 = arith.addi %mul3A_218, %mul3A_222 : i32
      %dma_start3A_224 = tpu.memref_slice %arg4[%add3A_223] : memref<335872xi32, #tpu.memory_space<hbm>> -> memref<128xi32, #tpu.memory_space<hbm>>
      %dma_start3A_225 = tpu.memref_slice %arg4[%add3A_223] : memref<335872xi32, #tpu.memory_space<hbm>> -> memref<128xi32, #tpu.memory_space<hbm>>
      tpu.enqueue_dma source(%dma_start3A_225 : memref<128xi32, #tpu.memory_space<hbm>>) target(%arg8 : memref<128xi32, #tpu.memory_space<vmem>>) target_semaphore(%arg16 : memref<!tpu.dma_semaphore, #tpu.memory_space<semaphore_mem>>)
      %dma_start3A_226 = arith.constant 0 : i32
      %dma_start3A_227 = tpu.memref_slice %arg2[%add3A_223, %dma_start3A_226] : memref<335872x128xf32, #tpu.memory_space<hbm>> -> memref<128x128xf32, #tpu.memory_space<hbm>>
      %dma_start3A_228 = arith.constant 0 : i32
      %dma_start3A_229 = tpu.memref_slice %arg2[%add3A_223, %dma_start3A_228] : memref<335872x128xf32, #tpu.memory_space<hbm>> -> memref<128x128xf32, #tpu.memory_space<hbm>>
      tpu.enqueue_dma source(%dma_start3A_229 : memref<128x128xf32, #tpu.memory_space<hbm>>) target(%arg10 : memref<128x128xf32, #tpu.memory_space<vmem>>) target_semaphore(%arg16 : memref<!tpu.dma_semaphore, #tpu.memory_space<semaphore_mem>>)
      %dma_start3A_230 = tpu.memref_slice %arg3[%add3A_223] : memref<335872xf32, #tpu.memory_space<hbm>> -> memref<128xf32, #tpu.memory_space<hbm>>
      %dma_start3A_231 = tpu.memref_slice %arg3[%add3A_223] : memref<335872xf32, #tpu.memory_space<hbm>> -> memref<128xf32, #tpu.memory_space<hbm>>
      tpu.enqueue_dma source(%dma_start3A_231 : memref<128xf32, #tpu.memory_space<hbm>>) target(%arg12 : memref<128xf32, #tpu.memory_space<vmem>>) target_semaphore(%arg16 : memref<!tpu.dma_semaphore, #tpu.memory_space<semaphore_mem>>)
    }
    %scan3A_65 = arith.constant 41 : i32
    %dma_wait3A = arith.constant 0 : i32
    %dma_wait3A_66 = tpu.memref_slice %arg4[%dma_wait3A] : memref<335872xi32, #tpu.memory_space<hbm>> -> memref<128xi32, #tpu.memory_space<hbm>>
    %dma_wait3A_67 = arith.constant 0 : i32
    %dma_wait3A_68 = tpu.memref_slice %arg4[%dma_wait3A_67] : memref<335872xi32, #tpu.memory_space<hbm>> -> memref<128xi32, #tpu.memory_space<hbm>>
    tpu.wait_dma2 semaphore(%arg15 : memref<!tpu.dma_semaphore, #tpu.memory_space<semaphore_mem>>) src(%dma_wait3A_68 : memref<128xi32, #tpu.memory_space<hbm>>) dst(%arg7 : memref<128xi32, #tpu.memory_space<vmem>>)
    %dma_wait3A_69 = arith.constant 0 : i32
    %dma_wait3A_70 = arith.constant 0 : i32
    %dma_wait3A_71 = tpu.memref_slice %arg2[%dma_wait3A_69, %dma_wait3A_70] : memref<335872x128xf32, #tpu.memory_space<hbm>> -> memref<128x128xf32, #tpu.memory_space<hbm>>
    %dma_wait3A_72 = arith.constant 0 : i32
    %dma_wait3A_73 = arith.constant 0 : i32
    %dma_wait3A_74 = tpu.memref_slice %arg2[%dma_wait3A_72, %dma_wait3A_73] : memref<335872x128xf32, #tpu.memory_space<hbm>> -> memref<128x128xf32, #tpu.memory_space<hbm>>
    tpu.wait_dma2 semaphore(%arg15 : memref<!tpu.dma_semaphore, #tpu.memory_space<semaphore_mem>>) src(%dma_wait3A_74 : memref<128x128xf32, #tpu.memory_space<hbm>>) dst(%arg9 : memref<128x128xf32, #tpu.memory_space<vmem>>)
    %dma_wait3A_75 = arith.constant 0 : i32
    %dma_wait3A_76 = tpu.memref_slice %arg3[%dma_wait3A_75] : memref<335872xf32, #tpu.memory_space<hbm>> -> memref<128xf32, #tpu.memory_space<hbm>>
    %dma_wait3A_77 = arith.constant 0 : i32
    %dma_wait3A_78 = tpu.memref_slice %arg3[%dma_wait3A_77] : memref<335872xf32, #tpu.memory_space<hbm>> -> memref<128xf32, #tpu.memory_space<hbm>>
    tpu.wait_dma2 semaphore(%arg15 : memref<!tpu.dma_semaphore, #tpu.memory_space<semaphore_mem>>) src(%dma_wait3A_78 : memref<128xf32, #tpu.memory_space<hbm>>) dst(%arg11 : memref<128xf32, #tpu.memory_space<vmem>>)
    %dma_wait3A_79 = arith.constant 0 : i32
    %dma_wait3A_80 = tpu.memref_slice %arg4[%dma_wait3A_79] : memref<335872xi32, #tpu.memory_space<hbm>> -> memref<128xi32, #tpu.memory_space<hbm>>
    %dma_wait3A_81 = arith.constant 0 : i32
    %dma_wait3A_82 = tpu.memref_slice %arg4[%dma_wait3A_81] : memref<335872xi32, #tpu.memory_space<hbm>> -> memref<128xi32, #tpu.memory_space<hbm>>
    tpu.wait_dma2 semaphore(%arg16 : memref<!tpu.dma_semaphore, #tpu.memory_space<semaphore_mem>>) src(%dma_wait3A_82 : memref<128xi32, #tpu.memory_space<hbm>>) dst(%arg8 : memref<128xi32, #tpu.memory_space<vmem>>)
    %dma_wait3A_83 = arith.constant 0 : i32
    %dma_wait3A_84 = arith.constant 0 : i32
    %dma_wait3A_85 = tpu.memref_slice %arg2[%dma_wait3A_83, %dma_wait3A_84] : memref<335872x128xf32, #tpu.memory_space<hbm>> -> memref<128x128xf32, #tpu.memory_space<hbm>>
    %dma_wait3A_86 = arith.constant 0 : i32
    %dma_wait3A_87 = arith.constant 0 : i32
    %dma_wait3A_88 = tpu.memref_slice %arg2[%dma_wait3A_86, %dma_wait3A_87] : memref<335872x128xf32, #tpu.memory_space<hbm>> -> memref<128x128xf32, #tpu.memory_space<hbm>>
    tpu.wait_dma2 semaphore(%arg16 : memref<!tpu.dma_semaphore, #tpu.memory_space<semaphore_mem>>) src(%dma_wait3A_88 : memref<128x128xf32, #tpu.memory_space<hbm>>) dst(%arg10 : memref<128x128xf32, #tpu.memory_space<vmem>>)
    %dma_wait3A_89 = arith.constant 0 : i32
    %dma_wait3A_90 = tpu.memref_slice %arg3[%dma_wait3A_89] : memref<335872xf32, #tpu.memory_space<hbm>> -> memref<128xf32, #tpu.memory_space<hbm>>
    %dma_wait3A_91 = arith.constant 0 : i32
    %dma_wait3A_92 = tpu.memref_slice %arg3[%dma_wait3A_91] : memref<335872xf32, #tpu.memory_space<hbm>> -> memref<128xf32, #tpu.memory_space<hbm>>
    tpu.wait_dma2 semaphore(%arg16 : memref<!tpu.dma_semaphore, #tpu.memory_space<semaphore_mem>>) src(%dma_wait3A_92 : memref<128xf32, #tpu.memory_space<hbm>>) dst(%arg12 : memref<128xf32, #tpu.memory_space<vmem>>)
    %barrier3A_93 = arith.constant 0 : index
    tpu.barrier barrier_id(%barrier3A_93)
    "tpu.region"() ({
      %run_scoped3A = tpu.sem_alloc : memref<!tpu.dma_semaphore, #tpu.memory_space<semaphore_mem>>
      %dma_start3A_98 = arith.constant 0 : i32
      %dma_start3A_99 = tpu.memref_slice %arg6[%add3A, %dma_start3A_98] : memref<32x10240xf32, #tpu.memory_space<hbm>> -> memref<1x10240xf32, #tpu.memory_space<hbm>>
      %dma_start3A_100 = tpu.memref_squeeze %dma_start3A_99 : memref<1x10240xf32, #tpu.memory_space<hbm>> -> memref<10240xf32, #tpu.memory_space<hbm>>
      %dma_start3A_101 = arith.constant 0 : i32
      %dma_start3A_102 = tpu.memref_slice %arg6[%add3A, %dma_start3A_101] : memref<32x10240xf32, #tpu.memory_space<hbm>> -> memref<1x10240xf32, #tpu.memory_space<hbm>>
      %dma_start3A_103 = tpu.memref_squeeze %dma_start3A_102 : memref<1x10240xf32, #tpu.memory_space<hbm>> -> memref<10240xf32, #tpu.memory_space<hbm>>
      tpu.enqueue_dma source(%arg13 : memref<10240xf32, #tpu.memory_space<vmem>>) target(%dma_start3A_103 : memref<10240xf32, #tpu.memory_space<hbm>>) target_semaphore(%run_scoped3A : memref<!tpu.dma_semaphore, #tpu.memory_space<semaphore_mem>>)
      %dma_wait3A_104 = arith.constant 0 : i32
      %dma_wait3A_105 = tpu.memref_slice %arg6[%add3A, %dma_wait3A_104] : memref<32x10240xf32, #tpu.memory_space<hbm>> -> memref<1x10240xf32, #tpu.memory_space<hbm>>
      %dma_wait3A_106 = tpu.memref_squeeze %dma_wait3A_105 : memref<1x10240xf32, #tpu.memory_space<hbm>> -> memref<10240xf32, #tpu.memory_space<hbm>>
      %dma_wait3A_107 = arith.constant 0 : i32
      %dma_wait3A_108 = tpu.memref_slice %arg6[%add3A, %dma_wait3A_107] : memref<32x10240xf32, #tpu.memory_space<hbm>> -> memref<1x10240xf32, #tpu.memory_space<hbm>>
      %dma_wait3A_109 = tpu.memref_squeeze %dma_wait3A_108 : memref<1x10240xf32, #tpu.memory_space<hbm>> -> memref<10240xf32, #tpu.memory_space<hbm>>
      tpu.wait_dma2 semaphore(%run_scoped3A : memref<!tpu.dma_semaphore, #tpu.memory_space<semaphore_mem>>) src(%arg13 : memref<10240xf32, #tpu.memory_space<vmem>>) dst(%dma_wait3A_109 : memref<10240xf32, #tpu.memory_space<hbm>>)
      tpu.yield
    }) : () -> ()
    %mul3A_94 = arith.constant 640 : i32
    %mul3A_95 = arith.muli %arg1, %mul3A_94 : i32
    %mul3A_96 = arith.constant 640 : i32
    %mul3A_97 = arith.muli %arg1, %mul3A_96 : i32
    "tpu.region"() ({
      %run_scoped3A = tpu.sem_alloc : memref<!tpu.dma_semaphore, #tpu.memory_space<semaphore_mem>>
      %dma_start3A_98 = arith.constant 0 : i32
      %dma_start3A_99 = arith.constant 0 : i32
      %dma_start3A_100 = tpu.memref_slice %arg5[%arg0, %dma_start3A_98, %dma_start3A_99] : memref<2x10240x128xf32, #tpu.memory_space<hbm>> -> memref<1x10240x128xf32, #tpu.memory_space<hbm>>
      %dma_start3A_101 = tpu.memref_squeeze %dma_start3A_100 : memref<1x10240x128xf32, #tpu.memory_space<hbm>> -> memref<10240x128xf32, #tpu.memory_space<hbm>>
      %dma_start3A_102 = arith.constant 0 : i32
      %dma_start3A_103 = tpu.memref_slice %dma_start3A_101[%mul3A_97, %dma_start3A_102] : memref<10240x128xf32, #tpu.memory_space<hbm>> -> memref<640x128xf32, #tpu.memory_space<hbm>>
      %dma_start3A_104 = arith.constant 0 : i32
      %dma_start3A_105 = tpu.memref_slice %arg14[%mul3A_95, %dma_start3A_104] : memref<10240x128xf32, #tpu.memory_space<vmem_shared>> -> memref<640x128xf32, #tpu.memory_space<vmem_shared>>
      tpu.enqueue_dma source(%dma_start3A_105 : memref<640x128xf32, #tpu.memory_space<vmem_shared>>) target(%dma_start3A_103 : memref<640x128xf32, #tpu.memory_space<hbm>>) target_semaphore(%run_scoped3A : memref<!tpu.dma_semaphore, #tpu.memory_space<semaphore_mem>>)
      %dma_wait3A_106 = arith.constant 0 : i32
      %dma_wait3A_107 = arith.constant 0 : i32
      %dma_wait3A_108 = tpu.memref_slice %arg5[%arg0, %dma_wait3A_106, %dma_wait3A_107] : memref<2x10240x128xf32, #tpu.memory_space<hbm>> -> memref<1x10240x128xf32, #tpu.memory_space<hbm>>
      %dma_wait3A_109 = tpu.memref_squeeze %dma_wait3A_108 : memref<1x10240x128xf32, #tpu.memory_space<hbm>> -> memref<10240x128xf32, #tpu.memory_space<hbm>>
      %dma_wait3A_110 = arith.constant 0 : i32
      %dma_wait3A_111 = tpu.memref_slice %dma_wait3A_109[%mul3A_97, %dma_wait3A_110] : memref<10240x128xf32, #tpu.memory_space<hbm>> -> memref<640x128xf32, #tpu.memory_space<hbm>>
      %dma_wait3A_112 = arith.constant 0 : i32
      %dma_wait3A_113 = tpu.memref_slice %arg14[%mul3A_95, %dma_wait3A_112] : memref<10240x128xf32, #tpu.memory_space<vmem_shared>> -> memref<640x128xf32, #tpu.memory_space<vmem_shared>>
      tpu.wait_dma2 semaphore(%run_scoped3A : memref<!tpu.dma_semaphore, #tpu.memory_space<semaphore_mem>>) src(%dma_wait3A_113 : memref<640x128xf32, #tpu.memory_space<vmem_shared>>) dst(%dma_wait3A_111 : memref<640x128xf32, #tpu.memory_space<hbm>>)
      tpu.yield
    }) : () -> ()
    return
  }
}

#map = affine_map<(d0, d1) -> (0, 0)>
#map1 = affine_map<(d0, d1) -> (0)>
module attributes {stable_mosaic.version = 14 : i64} {
  func.func @sck(%arg0: i32, %arg1: i32, %arg2: memref<10240x128xf32, #tpu.memory_space<hbm>>, %arg3: memref<10240x128xf32, #tpu.memory_space<hbm>>, %arg4: memref<335872xi32, #tpu.memory_space<hbm>>, %arg5: memref<335872xi32, #tpu.memory_space<hbm>>, %arg6: memref<335872x128xf32, #tpu.memory_space<hbm>>, %arg7: memref<335872x128xf32, #tpu.memory_space<hbm>>, %arg8: memref<128xi32, #tpu.memory_space<vmem>>, %arg9: memref<128xi32, #tpu.memory_space<vmem>>, %arg10: memref<128xi32, #tpu.memory_space<vmem>>, %arg11: memref<128xi32, #tpu.memory_space<vmem>>, %arg12: memref<128x128xf32, #tpu.memory_space<vmem>>, %arg13: memref<128x128xf32, #tpu.memory_space<vmem>>, %arg14: memref<128x128xf32, #tpu.memory_space<vmem>>, %arg15: memref<128x128xf32, #tpu.memory_space<vmem>>, %arg16: memref<!tpu.dma_semaphore, #tpu.memory_space<semaphore_mem>>, %arg17: memref<!tpu.dma_semaphore, #tpu.memory_space<semaphore_mem>>, %arg18: memref<!tpu.dma_semaphore, #tpu.memory_space<semaphore_mem>>, %arg19: memref<!tpu.dma_semaphore, #tpu.memory_space<semaphore_mem>>, %arg20: memref<!tpu.dma_semaphore, #tpu.memory_space<semaphore_mem>>, %arg21: memref<!tpu.dma_semaphore, #tpu.memory_space<semaphore_mem>>) attributes {dimension_semantics = [#tpu.dimension_semantics<core_parallel>, #tpu.dimension_semantics<subcore_parallel>], iteration_bounds = array<i64: 2, 16>, scalar_prefetch = 0 : i64, scratch_operands = 14 : i64, tpu.core_type = #tpu.core_type<sc_vector_subcore>, window_params = [{transform_indices = #map}, {transform_indices = #map}, {transform_indices = #map1}, {transform_indices = #map1}, {transform_indices = #map}, {transform_indices = #map}]} {
    %mul3A = arith.constant 16 : i32
    %mul3A_0 = arith.muli %arg0, %mul3A : i32
    %add3A = arith.addi %mul3A_0, %arg1 : i32
    %mul3A_1 = arith.constant 10496 : i32
    %mul3A_2 = arith.muli %add3A, %mul3A_1 : i32
    %min3A = arith.constant 0 : i32
    %min3A_3 = arith.constant 81 : i32
    %min3A_4 = arith.minsi %min3A, %min3A_3 : i32
    %mul3A_5 = arith.constant 128 : i32
    %mul3A_6 = arith.muli %min3A_4, %mul3A_5 : i32
    %add3A_7 = arith.addi %mul3A_2, %mul3A_6 : i32
    %dma_start3A = tpu.memref_slice %arg4[%add3A_7] : memref<335872xi32, #tpu.memory_space<hbm>> -> memref<128xi32, #tpu.memory_space<hbm>>
    %dma_start3A_8 = tpu.memref_slice %arg4[%add3A_7] : memref<335872xi32, #tpu.memory_space<hbm>> -> memref<128xi32, #tpu.memory_space<hbm>>
    tpu.enqueue_dma source(%dma_start3A_8 : memref<128xi32, #tpu.memory_space<hbm>>) target(%arg8 : memref<128xi32, #tpu.memory_space<vmem>>) target_semaphore(%arg16 : memref<!tpu.dma_semaphore, #tpu.memory_space<semaphore_mem>>)
    %dma_start3A_9 = tpu.memref_slice %arg5[%add3A_7] : memref<335872xi32, #tpu.memory_space<hbm>> -> memref<128xi32, #tpu.memory_space<hbm>>
    %dma_start3A_10 = tpu.memref_slice %arg5[%add3A_7] : memref<335872xi32, #tpu.memory_space<hbm>> -> memref<128xi32, #tpu.memory_space<hbm>>
    tpu.enqueue_dma source(%dma_start3A_10 : memref<128xi32, #tpu.memory_space<hbm>>) target(%arg10 : memref<128xi32, #tpu.memory_space<vmem>>) target_semaphore(%arg16 : memref<!tpu.dma_semaphore, #tpu.memory_space<semaphore_mem>>)
    %mul3A_11 = arith.constant 10496 : i32
    %mul3A_12 = arith.muli %add3A, %mul3A_11 : i32
    %min3A_13 = arith.constant 1 : i32
    %min3A_14 = arith.constant 81 : i32
    %min3A_15 = arith.minsi %min3A_13, %min3A_14 : i32
    %mul3A_16 = arith.constant 128 : i32
    %mul3A_17 = arith.muli %min3A_15, %mul3A_16 : i32
    %add3A_18 = arith.addi %mul3A_12, %mul3A_17 : i32
    %dma_start3A_19 = tpu.memref_slice %arg4[%add3A_18] : memref<335872xi32, #tpu.memory_space<hbm>> -> memref<128xi32, #tpu.memory_space<hbm>>
    %dma_start3A_20 = tpu.memref_slice %arg4[%add3A_18] : memref<335872xi32, #tpu.memory_space<hbm>> -> memref<128xi32, #tpu.memory_space<hbm>>
    tpu.enqueue_dma source(%dma_start3A_20 : memref<128xi32, #tpu.memory_space<hbm>>) target(%arg9 : memref<128xi32, #tpu.memory_space<vmem>>) target_semaphore(%arg17 : memref<!tpu.dma_semaphore, #tpu.memory_space<semaphore_mem>>)
    %dma_start3A_21 = tpu.memref_slice %arg5[%add3A_18] : memref<335872xi32, #tpu.memory_space<hbm>> -> memref<128xi32, #tpu.memory_space<hbm>>
    %dma_start3A_22 = tpu.memref_slice %arg5[%add3A_18] : memref<335872xi32, #tpu.memory_space<hbm>> -> memref<128xi32, #tpu.memory_space<hbm>>
    tpu.enqueue_dma source(%dma_start3A_22 : memref<128xi32, #tpu.memory_space<hbm>>) target(%arg11 : memref<128xi32, #tpu.memory_space<vmem>>) target_semaphore(%arg17 : memref<!tpu.dma_semaphore, #tpu.memory_space<semaphore_mem>>)
    %dma_wait3A = arith.constant 0 : i32
    %dma_wait3A_23 = tpu.memref_slice %arg4[%dma_wait3A] : memref<335872xi32, #tpu.memory_space<hbm>> -> memref<128xi32, #tpu.memory_space<hbm>>
    %dma_wait3A_24 = arith.constant 0 : i32
    %dma_wait3A_25 = tpu.memref_slice %arg4[%dma_wait3A_24] : memref<335872xi32, #tpu.memory_space<hbm>> -> memref<128xi32, #tpu.memory_space<hbm>>
    tpu.wait_dma2 semaphore(%arg16 : memref<!tpu.dma_semaphore, #tpu.memory_space<semaphore_mem>>) src(%dma_wait3A_25 : memref<128xi32, #tpu.memory_space<hbm>>) dst(%arg8 : memref<128xi32, #tpu.memory_space<vmem>>)
    %dma_wait3A_26 = arith.constant 0 : i32
    %dma_wait3A_27 = tpu.memref_slice %arg5[%dma_wait3A_26] : memref<335872xi32, #tpu.memory_space<hbm>> -> memref<128xi32, #tpu.memory_space<hbm>>
    %dma_wait3A_28 = arith.constant 0 : i32
    %dma_wait3A_29 = tpu.memref_slice %arg5[%dma_wait3A_28] : memref<335872xi32, #tpu.memory_space<hbm>> -> memref<128xi32, #tpu.memory_space<hbm>>
    tpu.wait_dma2 semaphore(%arg16 : memref<!tpu.dma_semaphore, #tpu.memory_space<semaphore_mem>>) src(%dma_wait3A_29 : memref<128xi32, #tpu.memory_space<hbm>>) dst(%arg10 : memref<128xi32, #tpu.memory_space<vmem>>)
    %dma_start3A_30 = arith.constant 0 : i32
    %dma_start3A_31 = arith.constant 0 : i32
    %dma_start3A_32 = tpu.memref_slice %arg2[%dma_start3A_30, %dma_start3A_31] : memref<10240x128xf32, #tpu.memory_space<hbm>> -> memref<10240x128xf32, #tpu.memory_space<hbm>>
    tpu.enqueue_indirect_dma source(%dma_start3A_32 : memref<10240x128xf32, #tpu.memory_space<hbm>>) target(%arg12 : memref<128x128xf32, #tpu.memory_space<vmem>>) offsets(%arg8 : memref<128xi32, #tpu.memory_space<vmem>>) semaphore(%arg18 : memref<!tpu.dma_semaphore, #tpu.memory_space<semaphore_mem>>)
    %dma_start3A_33 = arith.constant 0 : i32
    %dma_start3A_34 = arith.constant 0 : i32
    %dma_start3A_35 = tpu.memref_slice %arg3[%dma_start3A_33, %dma_start3A_34] : memref<10240x128xf32, #tpu.memory_space<hbm>> -> memref<10240x128xf32, #tpu.memory_space<hbm>>
    tpu.enqueue_indirect_dma source(%dma_start3A_35 : memref<10240x128xf32, #tpu.memory_space<hbm>>) target(%arg14 : memref<128x128xf32, #tpu.memory_space<vmem>>) offsets(%arg10 : memref<128xi32, #tpu.memory_space<vmem>>) semaphore(%arg18 : memref<!tpu.dma_semaphore, #tpu.memory_space<semaphore_mem>>)
    %dma_wait3A_36 = arith.constant 0 : i32
    %dma_wait3A_37 = arith.constant 0 : i32
    %dma_wait3A_38 = tpu.memref_slice %arg2[%dma_wait3A_36, %dma_wait3A_37] : memref<10240x128xf32, #tpu.memory_space<hbm>> -> memref<10240x128xf32, #tpu.memory_space<hbm>>
    tpu.wait_indirect_dma semaphore(%arg18 : memref<!tpu.dma_semaphore, #tpu.memory_space<semaphore_mem>>) src(%dma_wait3A_38 : memref<10240x128xf32, #tpu.memory_space<hbm>>) dst(%arg12 : memref<128x128xf32, #tpu.memory_space<vmem>>)
    %dma_wait3A_39 = arith.constant 0 : i32
    %dma_wait3A_40 = arith.constant 0 : i32
    %dma_wait3A_41 = tpu.memref_slice %arg3[%dma_wait3A_39, %dma_wait3A_40] : memref<10240x128xf32, #tpu.memory_space<hbm>> -> memref<10240x128xf32, #tpu.memory_space<hbm>>
    tpu.wait_indirect_dma semaphore(%arg18 : memref<!tpu.dma_semaphore, #tpu.memory_space<semaphore_mem>>) src(%dma_wait3A_41 : memref<10240x128xf32, #tpu.memory_space<hbm>>) dst(%arg14 : memref<128x128xf32, #tpu.memory_space<vmem>>)
    %dma_wait3A_42 = arith.constant 0 : i32
    %dma_wait3A_43 = tpu.memref_slice %arg4[%dma_wait3A_42] : memref<335872xi32, #tpu.memory_space<hbm>> -> memref<128xi32, #tpu.memory_space<hbm>>
    %dma_wait3A_44 = arith.constant 0 : i32
    %dma_wait3A_45 = tpu.memref_slice %arg4[%dma_wait3A_44] : memref<335872xi32, #tpu.memory_space<hbm>> -> memref<128xi32, #tpu.memory_space<hbm>>
    tpu.wait_dma2 semaphore(%arg17 : memref<!tpu.dma_semaphore, #tpu.memory_space<semaphore_mem>>) src(%dma_wait3A_45 : memref<128xi32, #tpu.memory_space<hbm>>) dst(%arg9 : memref<128xi32, #tpu.memory_space<vmem>>)
    %dma_wait3A_46 = arith.constant 0 : i32
    %dma_wait3A_47 = tpu.memref_slice %arg5[%dma_wait3A_46] : memref<335872xi32, #tpu.memory_space<hbm>> -> memref<128xi32, #tpu.memory_space<hbm>>
    %dma_wait3A_48 = arith.constant 0 : i32
    %dma_wait3A_49 = tpu.memref_slice %arg5[%dma_wait3A_48] : memref<335872xi32, #tpu.memory_space<hbm>> -> memref<128xi32, #tpu.memory_space<hbm>>
    tpu.wait_dma2 semaphore(%arg17 : memref<!tpu.dma_semaphore, #tpu.memory_space<semaphore_mem>>) src(%dma_wait3A_49 : memref<128xi32, #tpu.memory_space<hbm>>) dst(%arg11 : memref<128xi32, #tpu.memory_space<vmem>>)
    %dma_start3A_50 = arith.constant 0 : i32
    %dma_start3A_51 = arith.constant 0 : i32
    %dma_start3A_52 = tpu.memref_slice %arg2[%dma_start3A_50, %dma_start3A_51] : memref<10240x128xf32, #tpu.memory_space<hbm>> -> memref<10240x128xf32, #tpu.memory_space<hbm>>
    tpu.enqueue_indirect_dma source(%dma_start3A_52 : memref<10240x128xf32, #tpu.memory_space<hbm>>) target(%arg13 : memref<128x128xf32, #tpu.memory_space<vmem>>) offsets(%arg9 : memref<128xi32, #tpu.memory_space<vmem>>) semaphore(%arg19 : memref<!tpu.dma_semaphore, #tpu.memory_space<semaphore_mem>>)
    %dma_start3A_53 = arith.constant 0 : i32
    %dma_start3A_54 = arith.constant 0 : i32
    %dma_start3A_55 = tpu.memref_slice %arg3[%dma_start3A_53, %dma_start3A_54] : memref<10240x128xf32, #tpu.memory_space<hbm>> -> memref<10240x128xf32, #tpu.memory_space<hbm>>
    tpu.enqueue_indirect_dma source(%dma_start3A_55 : memref<10240x128xf32, #tpu.memory_space<hbm>>) target(%arg15 : memref<128x128xf32, #tpu.memory_space<vmem>>) offsets(%arg11 : memref<128xi32, #tpu.memory_space<vmem>>) semaphore(%arg19 : memref<!tpu.dma_semaphore, #tpu.memory_space<semaphore_mem>>)
    %mul3A_56 = arith.constant 10496 : i32
    %mul3A_57 = arith.muli %add3A, %mul3A_56 : i32
    %add3A_58 = arith.constant 0 : i32
    %add3A_59 = arith.addi %mul3A_57, %add3A_58 : i32
    %dma_start3A_60 = arith.constant 0 : i32
    %dma_start3A_61 = tpu.memref_slice %arg6[%add3A_59, %dma_start3A_60] : memref<335872x128xf32, #tpu.memory_space<hbm>> -> memref<128x128xf32, #tpu.memory_space<hbm>>
    %dma_start3A_62 = arith.constant 0 : i32
    %dma_start3A_63 = tpu.memref_slice %arg6[%add3A_59, %dma_start3A_62] : memref<335872x128xf32, #tpu.memory_space<hbm>> -> memref<128x128xf32, #tpu.memory_space<hbm>>
    tpu.enqueue_dma source(%arg12 : memref<128x128xf32, #tpu.memory_space<vmem>>) target(%dma_start3A_63 : memref<128x128xf32, #tpu.memory_space<hbm>>) target_semaphore(%arg20 : memref<!tpu.dma_semaphore, #tpu.memory_space<semaphore_mem>>)
    %dma_start3A_64 = arith.constant 0 : i32
    %dma_start3A_65 = tpu.memref_slice %arg7[%add3A_59, %dma_start3A_64] : memref<335872x128xf32, #tpu.memory_space<hbm>> -> memref<128x128xf32, #tpu.memory_space<hbm>>
    %dma_start3A_66 = arith.constant 0 : i32
    %dma_start3A_67 = tpu.memref_slice %arg7[%add3A_59, %dma_start3A_66] : memref<335872x128xf32, #tpu.memory_space<hbm>> -> memref<128x128xf32, #tpu.memory_space<hbm>>
    tpu.enqueue_dma source(%arg14 : memref<128x128xf32, #tpu.memory_space<vmem>>) target(%dma_start3A_67 : memref<128x128xf32, #tpu.memory_space<hbm>>) target_semaphore(%arg20 : memref<!tpu.dma_semaphore, #tpu.memory_space<semaphore_mem>>)
    %mul3A_68 = arith.constant 10496 : i32
    %mul3A_69 = arith.muli %add3A, %mul3A_68 : i32
    %min3A_70 = arith.constant 2 : i32
    %min3A_71 = arith.constant 81 : i32
    %min3A_72 = arith.minsi %min3A_70, %min3A_71 : i32
    %mul3A_73 = arith.constant 128 : i32
    %mul3A_74 = arith.muli %min3A_72, %mul3A_73 : i32
    %add3A_75 = arith.addi %mul3A_69, %mul3A_74 : i32
    %dma_start3A_76 = tpu.memref_slice %arg4[%add3A_75] : memref<335872xi32, #tpu.memory_space<hbm>> -> memref<128xi32, #tpu.memory_space<hbm>>
    %dma_start3A_77 = tpu.memref_slice %arg4[%add3A_75] : memref<335872xi32, #tpu.memory_space<hbm>> -> memref<128xi32, #tpu.memory_space<hbm>>
    tpu.enqueue_dma source(%dma_start3A_77 : memref<128xi32, #tpu.memory_space<hbm>>) target(%arg8 : memref<128xi32, #tpu.memory_space<vmem>>) target_semaphore(%arg16 : memref<!tpu.dma_semaphore, #tpu.memory_space<semaphore_mem>>)
    %dma_start3A_78 = tpu.memref_slice %arg5[%add3A_75] : memref<335872xi32, #tpu.memory_space<hbm>> -> memref<128xi32, #tpu.memory_space<hbm>>
    %dma_start3A_79 = tpu.memref_slice %arg5[%add3A_75] : memref<335872xi32, #tpu.memory_space<hbm>> -> memref<128xi32, #tpu.memory_space<hbm>>
    tpu.enqueue_dma source(%dma_start3A_79 : memref<128xi32, #tpu.memory_space<hbm>>) target(%arg10 : memref<128xi32, #tpu.memory_space<vmem>>) target_semaphore(%arg16 : memref<!tpu.dma_semaphore, #tpu.memory_space<semaphore_mem>>)
    %scan3A = arith.constant 0 : i32
    %scan3A_80 = arith.constant 40 : i32
    %scan3A_81 = arith.addi %scan3A, %scan3A_80 : i32
    %scan3A_82 = arith.constant 1 : i32
    scf.for %scan3A_134 = %scan3A to %scan3A_81 step %scan3A_82  : i32 {
      %mul3A_135 = arith.constant 2 : i32
      %mul3A_136 = arith.muli %scan3A_134, %mul3A_135 : i32
      %add3A_137 = arith.constant 1 : i32
      %add3A_138 = arith.addi %add3A_137, %mul3A_136 : i32
      %add3A_139 = arith.constant 0 : i32
      %add3A_140 = arith.addi %add3A_138, %add3A_139 : i32
      %dma_wait3A_141 = arith.constant 0 : i32
      %dma_wait3A_142 = arith.constant 0 : i32
      %dma_wait3A_143 = tpu.memref_slice %arg2[%dma_wait3A_141, %dma_wait3A_142] : memref<10240x128xf32, #tpu.memory_space<hbm>> -> memref<10240x128xf32, #tpu.memory_space<hbm>>
      tpu.wait_indirect_dma semaphore(%arg19 : memref<!tpu.dma_semaphore, #tpu.memory_space<semaphore_mem>>) src(%dma_wait3A_143 : memref<10240x128xf32, #tpu.memory_space<hbm>>) dst(%arg13 : memref<128x128xf32, #tpu.memory_space<vmem>>)
      %dma_wait3A_144 = arith.constant 0 : i32
      %dma_wait3A_145 = arith.constant 0 : i32
      %dma_wait3A_146 = tpu.memref_slice %arg3[%dma_wait3A_144, %dma_wait3A_145] : memref<10240x128xf32, #tpu.memory_space<hbm>> -> memref<10240x128xf32, #tpu.memory_space<hbm>>
      tpu.wait_indirect_dma semaphore(%arg19 : memref<!tpu.dma_semaphore, #tpu.memory_space<semaphore_mem>>) src(%dma_wait3A_146 : memref<10240x128xf32, #tpu.memory_space<hbm>>) dst(%arg15 : memref<128x128xf32, #tpu.memory_space<vmem>>)
      %dma_wait3A_147 = arith.constant 0 : i32
      %dma_wait3A_148 = tpu.memref_slice %arg4[%dma_wait3A_147] : memref<335872xi32, #tpu.memory_space<hbm>> -> memref<128xi32, #tpu.memory_space<hbm>>
      %dma_wait3A_149 = arith.constant 0 : i32
      %dma_wait3A_150 = tpu.memref_slice %arg4[%dma_wait3A_149] : memref<335872xi32, #tpu.memory_space<hbm>> -> memref<128xi32, #tpu.memory_space<hbm>>
      tpu.wait_dma2 semaphore(%arg16 : memref<!tpu.dma_semaphore, #tpu.memory_space<semaphore_mem>>) src(%dma_wait3A_150 : memref<128xi32, #tpu.memory_space<hbm>>) dst(%arg8 : memref<128xi32, #tpu.memory_space<vmem>>)
      %dma_wait3A_151 = arith.constant 0 : i32
      %dma_wait3A_152 = tpu.memref_slice %arg5[%dma_wait3A_151] : memref<335872xi32, #tpu.memory_space<hbm>> -> memref<128xi32, #tpu.memory_space<hbm>>
      %dma_wait3A_153 = arith.constant 0 : i32
      %dma_wait3A_154 = tpu.memref_slice %arg5[%dma_wait3A_153] : memref<335872xi32, #tpu.memory_space<hbm>> -> memref<128xi32, #tpu.memory_space<hbm>>
      tpu.wait_dma2 semaphore(%arg16 : memref<!tpu.dma_semaphore, #tpu.memory_space<semaphore_mem>>) src(%dma_wait3A_154 : memref<128xi32, #tpu.memory_space<hbm>>) dst(%arg10 : memref<128xi32, #tpu.memory_space<vmem>>)
      %dma_wait3A_155 = arith.constant 0 : i32
      %dma_wait3A_156 = arith.constant 0 : i32
      %dma_wait3A_157 = tpu.memref_slice %arg6[%dma_wait3A_155, %dma_wait3A_156] : memref<335872x128xf32, #tpu.memory_space<hbm>> -> memref<128x128xf32, #tpu.memory_space<hbm>>
      %dma_wait3A_158 = arith.constant 0 : i32
      %dma_wait3A_159 = arith.constant 0 : i32
      %dma_wait3A_160 = tpu.memref_slice %arg6[%dma_wait3A_158, %dma_wait3A_159] : memref<335872x128xf32, #tpu.memory_space<hbm>> -> memref<128x128xf32, #tpu.memory_space<hbm>>
      tpu.wait_dma2 semaphore(%arg20 : memref<!tpu.dma_semaphore, #tpu.memory_space<semaphore_mem>>) src(%arg12 : memref<128x128xf32, #tpu.memory_space<vmem>>) dst(%dma_wait3A_160 : memref<128x128xf32, #tpu.memory_space<hbm>>)
      %dma_wait3A_161 = arith.constant 0 : i32
      %dma_wait3A_162 = arith.constant 0 : i32
      %dma_wait3A_163 = tpu.memref_slice %arg7[%dma_wait3A_161, %dma_wait3A_162] : memref<335872x128xf32, #tpu.memory_space<hbm>> -> memref<128x128xf32, #tpu.memory_space<hbm>>
      %dma_wait3A_164 = arith.constant 0 : i32
      %dma_wait3A_165 = arith.constant 0 : i32
      %dma_wait3A_166 = tpu.memref_slice %arg7[%dma_wait3A_164, %dma_wait3A_165] : memref<335872x128xf32, #tpu.memory_space<hbm>> -> memref<128x128xf32, #tpu.memory_space<hbm>>
      tpu.wait_dma2 semaphore(%arg20 : memref<!tpu.dma_semaphore, #tpu.memory_space<semaphore_mem>>) src(%arg14 : memref<128x128xf32, #tpu.memory_space<vmem>>) dst(%dma_wait3A_166 : memref<128x128xf32, #tpu.memory_space<hbm>>)
      %dma_start3A_167 = arith.constant 0 : i32
      %dma_start3A_168 = arith.constant 0 : i32
      %dma_start3A_169 = tpu.memref_slice %arg2[%dma_start3A_167, %dma_start3A_168] : memref<10240x128xf32, #tpu.memory_space<hbm>> -> memref<10240x128xf32, #tpu.memory_space<hbm>>
      tpu.enqueue_indirect_dma source(%dma_start3A_169 : memref<10240x128xf32, #tpu.memory_space<hbm>>) target(%arg12 : memref<128x128xf32, #tpu.memory_space<vmem>>) offsets(%arg8 : memref<128xi32, #tpu.memory_space<vmem>>) semaphore(%arg18 : memref<!tpu.dma_semaphore, #tpu.memory_space<semaphore_mem>>)
      %dma_start3A_170 = arith.constant 0 : i32
      %dma_start3A_171 = arith.constant 0 : i32
      %dma_start3A_172 = tpu.memref_slice %arg3[%dma_start3A_170, %dma_start3A_171] : memref<10240x128xf32, #tpu.memory_space<hbm>> -> memref<10240x128xf32, #tpu.memory_space<hbm>>
      tpu.enqueue_indirect_dma source(%dma_start3A_172 : memref<10240x128xf32, #tpu.memory_space<hbm>>) target(%arg14 : memref<128x128xf32, #tpu.memory_space<vmem>>) offsets(%arg10 : memref<128xi32, #tpu.memory_space<vmem>>) semaphore(%arg18 : memref<!tpu.dma_semaphore, #tpu.memory_space<semaphore_mem>>)
      %mul3A_173 = arith.constant 10496 : i32
      %mul3A_174 = arith.muli %add3A, %mul3A_173 : i32
      %mul3A_175 = arith.constant 128 : i32
      %mul3A_176 = arith.muli %add3A_140, %mul3A_175 : i32
      %add3A_177 = arith.addi %mul3A_174, %mul3A_176 : i32
      %dma_start3A_178 = arith.constant 0 : i32
      %dma_start3A_179 = tpu.memref_slice %arg6[%add3A_177, %dma_start3A_178] : memref<335872x128xf32, #tpu.memory_space<hbm>> -> memref<128x128xf32, #tpu.memory_space<hbm>>
      %dma_start3A_180 = arith.constant 0 : i32
      %dma_start3A_181 = tpu.memref_slice %arg6[%add3A_177, %dma_start3A_180] : memref<335872x128xf32, #tpu.memory_space<hbm>> -> memref<128x128xf32, #tpu.memory_space<hbm>>
      tpu.enqueue_dma source(%arg13 : memref<128x128xf32, #tpu.memory_space<vmem>>) target(%dma_start3A_181 : memref<128x128xf32, #tpu.memory_space<hbm>>) target_semaphore(%arg21 : memref<!tpu.dma_semaphore, #tpu.memory_space<semaphore_mem>>)
      %dma_start3A_182 = arith.constant 0 : i32
      %dma_start3A_183 = tpu.memref_slice %arg7[%add3A_177, %dma_start3A_182] : memref<335872x128xf32, #tpu.memory_space<hbm>> -> memref<128x128xf32, #tpu.memory_space<hbm>>
      %dma_start3A_184 = arith.constant 0 : i32
      %dma_start3A_185 = tpu.memref_slice %arg7[%add3A_177, %dma_start3A_184] : memref<335872x128xf32, #tpu.memory_space<hbm>> -> memref<128x128xf32, #tpu.memory_space<hbm>>
      tpu.enqueue_dma source(%arg15 : memref<128x128xf32, #tpu.memory_space<vmem>>) target(%dma_start3A_185 : memref<128x128xf32, #tpu.memory_space<hbm>>) target_semaphore(%arg21 : memref<!tpu.dma_semaphore, #tpu.memory_space<semaphore_mem>>)
      %add3A_186 = arith.constant 2 : i32
      %add3A_187 = arith.addi %add3A_140, %add3A_186 : i32
      %mul3A_188 = arith.constant 10496 : i32
      %mul3A_189 = arith.muli %add3A, %mul3A_188 : i32
      %min3A_190 = arith.constant 81 : i32
      %min3A_191 = arith.minsi %add3A_187, %min3A_190 : i32
      %mul3A_192 = arith.constant 128 : i32
      %mul3A_193 = arith.muli %min3A_191, %mul3A_192 : i32
      %add3A_194 = arith.addi %mul3A_189, %mul3A_193 : i32
      %dma_start3A_195 = tpu.memref_slice %arg4[%add3A_194] : memref<335872xi32, #tpu.memory_space<hbm>> -> memref<128xi32, #tpu.memory_space<hbm>>
      %dma_start3A_196 = tpu.memref_slice %arg4[%add3A_194] : memref<335872xi32, #tpu.memory_space<hbm>> -> memref<128xi32, #tpu.memory_space<hbm>>
      tpu.enqueue_dma source(%dma_start3A_196 : memref<128xi32, #tpu.memory_space<hbm>>) target(%arg9 : memref<128xi32, #tpu.memory_space<vmem>>) target_semaphore(%arg17 : memref<!tpu.dma_semaphore, #tpu.memory_space<semaphore_mem>>)
      %dma_start3A_197 = tpu.memref_slice %arg5[%add3A_194] : memref<335872xi32, #tpu.memory_space<hbm>> -> memref<128xi32, #tpu.memory_space<hbm>>
      %dma_start3A_198 = tpu.memref_slice %arg5[%add3A_194] : memref<335872xi32, #tpu.memory_space<hbm>> -> memref<128xi32, #tpu.memory_space<hbm>>
      tpu.enqueue_dma source(%dma_start3A_198 : memref<128xi32, #tpu.memory_space<hbm>>) target(%arg11 : memref<128xi32, #tpu.memory_space<vmem>>) target_semaphore(%arg17 : memref<!tpu.dma_semaphore, #tpu.memory_space<semaphore_mem>>)
      %add3A_199 = arith.constant 1 : i32
      %add3A_200 = arith.addi %add3A_138, %add3A_199 : i32
      %dma_wait3A_201 = arith.constant 0 : i32
      %dma_wait3A_202 = arith.constant 0 : i32
      %dma_wait3A_203 = tpu.memref_slice %arg2[%dma_wait3A_201, %dma_wait3A_202] : memref<10240x128xf32, #tpu.memory_space<hbm>> -> memref<10240x128xf32, #tpu.memory_space<hbm>>
      tpu.wait_indirect_dma semaphore(%arg18 : memref<!tpu.dma_semaphore, #tpu.memory_space<semaphore_mem>>) src(%dma_wait3A_203 : memref<10240x128xf32, #tpu.memory_space<hbm>>) dst(%arg12 : memref<128x128xf32, #tpu.memory_space<vmem>>)
      %dma_wait3A_204 = arith.constant 0 : i32
      %dma_wait3A_205 = arith.constant 0 : i32
      %dma_wait3A_206 = tpu.memref_slice %arg3[%dma_wait3A_204, %dma_wait3A_205] : memref<10240x128xf32, #tpu.memory_space<hbm>> -> memref<10240x128xf32, #tpu.memory_space<hbm>>
      tpu.wait_indirect_dma semaphore(%arg18 : memref<!tpu.dma_semaphore, #tpu.memory_space<semaphore_mem>>) src(%dma_wait3A_206 : memref<10240x128xf32, #tpu.memory_space<hbm>>) dst(%arg14 : memref<128x128xf32, #tpu.memory_space<vmem>>)
      %dma_wait3A_207 = arith.constant 0 : i32
      %dma_wait3A_208 = tpu.memref_slice %arg4[%dma_wait3A_207] : memref<335872xi32, #tpu.memory_space<hbm>> -> memref<128xi32, #tpu.memory_space<hbm>>
      %dma_wait3A_209 = arith.constant 0 : i32
      %dma_wait3A_210 = tpu.memref_slice %arg4[%dma_wait3A_209] : memref<335872xi32, #tpu.memory_space<hbm>> -> memref<128xi32, #tpu.memory_space<hbm>>
      tpu.wait_dma2 semaphore(%arg17 : memref<!tpu.dma_semaphore, #tpu.memory_space<semaphore_mem>>) src(%dma_wait3A_210 : memref<128xi32, #tpu.memory_space<hbm>>) dst(%arg9 : memref<128xi32, #tpu.memory_space<vmem>>)
      %dma_wait3A_211 = arith.constant 0 : i32
      %dma_wait3A_212 = tpu.memref_slice %arg5[%dma_wait3A_211] : memref<335872xi32, #tpu.memory_space<hbm>> -> memref<128xi32, #tpu.memory_space<hbm>>
      %dma_wait3A_213 = arith.constant 0 : i32
      %dma_wait3A_214 = tpu.memref_slice %arg5[%dma_wait3A_213] : memref<335872xi32, #tpu.memory_space<hbm>> -> memref<128xi32, #tpu.memory_space<hbm>>
      tpu.wait_dma2 semaphore(%arg17 : memref<!tpu.dma_semaphore, #tpu.memory_space<semaphore_mem>>) src(%dma_wait3A_214 : memref<128xi32, #tpu.memory_space<hbm>>) dst(%arg11 : memref<128xi32, #tpu.memory_space<vmem>>)
      %dma_wait3A_215 = arith.constant 0 : i32
      %dma_wait3A_216 = arith.constant 0 : i32
      %dma_wait3A_217 = tpu.memref_slice %arg6[%dma_wait3A_215, %dma_wait3A_216] : memref<335872x128xf32, #tpu.memory_space<hbm>> -> memref<128x128xf32, #tpu.memory_space<hbm>>
      %dma_wait3A_218 = arith.constant 0 : i32
      %dma_wait3A_219 = arith.constant 0 : i32
      %dma_wait3A_220 = tpu.memref_slice %arg6[%dma_wait3A_218, %dma_wait3A_219] : memref<335872x128xf32, #tpu.memory_space<hbm>> -> memref<128x128xf32, #tpu.memory_space<hbm>>
      tpu.wait_dma2 semaphore(%arg21 : memref<!tpu.dma_semaphore, #tpu.memory_space<semaphore_mem>>) src(%arg13 : memref<128x128xf32, #tpu.memory_space<vmem>>) dst(%dma_wait3A_220 : memref<128x128xf32, #tpu.memory_space<hbm>>)
      %dma_wait3A_221 = arith.constant 0 : i32
      %dma_wait3A_222 = arith.constant 0 : i32
      %dma_wait3A_223 = tpu.memref_slice %arg7[%dma_wait3A_221, %dma_wait3A_222] : memref<335872x128xf32, #tpu.memory_space<hbm>> -> memref<128x128xf32, #tpu.memory_space<hbm>>
      %dma_wait3A_224 = arith.constant 0 : i32
      %dma_wait3A_225 = arith.constant 0 : i32
      %dma_wait3A_226 = tpu.memref_slice %arg7[%dma_wait3A_224, %dma_wait3A_225] : memref<335872x128xf32, #tpu.memory_space<hbm>> -> memref<128x128xf32, #tpu.memory_space<hbm>>
      tpu.wait_dma2 semaphore(%arg21 : memref<!tpu.dma_semaphore, #tpu.memory_space<semaphore_mem>>) src(%arg15 : memref<128x128xf32, #tpu.memory_space<vmem>>) dst(%dma_wait3A_226 : memref<128x128xf32, #tpu.memory_space<hbm>>)
      %dma_start3A_227 = arith.constant 0 : i32
      %dma_start3A_228 = arith.constant 0 : i32
      %dma_start3A_229 = tpu.memref_slice %arg2[%dma_start3A_227, %dma_start3A_228] : memref<10240x128xf32, #tpu.memory_space<hbm>> -> memref<10240x128xf32, #tpu.memory_space<hbm>>
      tpu.enqueue_indirect_dma source(%dma_start3A_229 : memref<10240x128xf32, #tpu.memory_space<hbm>>) target(%arg13 : memref<128x128xf32, #tpu.memory_space<vmem>>) offsets(%arg9 : memref<128xi32, #tpu.memory_space<vmem>>) semaphore(%arg19 : memref<!tpu.dma_semaphore, #tpu.memory_space<semaphore_mem>>)
      %dma_start3A_230 = arith.constant 0 : i32
      %dma_start3A_231 = arith.constant 0 : i32
      %dma_start3A_232 = tpu.memref_slice %arg3[%dma_start3A_230, %dma_start3A_231] : memref<10240x128xf32, #tpu.memory_space<hbm>> -> memref<10240x128xf32, #tpu.memory_space<hbm>>
      tpu.enqueue_indirect_dma source(%dma_start3A_232 : memref<10240x128xf32, #tpu.memory_space<hbm>>) target(%arg15 : memref<128x128xf32, #tpu.memory_space<vmem>>) offsets(%arg11 : memref<128xi32, #tpu.memory_space<vmem>>) semaphore(%arg19 : memref<!tpu.dma_semaphore, #tpu.memory_space<semaphore_mem>>)
      %mul3A_233 = arith.constant 10496 : i32
      %mul3A_234 = arith.muli %add3A, %mul3A_233 : i32
      %mul3A_235 = arith.constant 128 : i32
      %mul3A_236 = arith.muli %add3A_200, %mul3A_235 : i32
      %add3A_237 = arith.addi %mul3A_234, %mul3A_236 : i32
      %dma_start3A_238 = arith.constant 0 : i32
      %dma_start3A_239 = tpu.memref_slice %arg6[%add3A_237, %dma_start3A_238] : memref<335872x128xf32, #tpu.memory_space<hbm>> -> memref<128x128xf32, #tpu.memory_space<hbm>>
      %dma_start3A_240 = arith.constant 0 : i32
      %dma_start3A_241 = tpu.memref_slice %arg6[%add3A_237, %dma_start3A_240] : memref<335872x128xf32, #tpu.memory_space<hbm>> -> memref<128x128xf32, #tpu.memory_space<hbm>>
      tpu.enqueue_dma source(%arg12 : memref<128x128xf32, #tpu.memory_space<vmem>>) target(%dma_start3A_241 : memref<128x128xf32, #tpu.memory_space<hbm>>) target_semaphore(%arg20 : memref<!tpu.dma_semaphore, #tpu.memory_space<semaphore_mem>>)
      %dma_start3A_242 = arith.constant 0 : i32
      %dma_start3A_243 = tpu.memref_slice %arg7[%add3A_237, %dma_start3A_242] : memref<335872x128xf32, #tpu.memory_space<hbm>> -> memref<128x128xf32, #tpu.memory_space<hbm>>
      %dma_start3A_244 = arith.constant 0 : i32
      %dma_start3A_245 = tpu.memref_slice %arg7[%add3A_237, %dma_start3A_244] : memref<335872x128xf32, #tpu.memory_space<hbm>> -> memref<128x128xf32, #tpu.memory_space<hbm>>
      tpu.enqueue_dma source(%arg14 : memref<128x128xf32, #tpu.memory_space<vmem>>) target(%dma_start3A_245 : memref<128x128xf32, #tpu.memory_space<hbm>>) target_semaphore(%arg20 : memref<!tpu.dma_semaphore, #tpu.memory_space<semaphore_mem>>)
      %add3A_246 = arith.constant 2 : i32
      %add3A_247 = arith.addi %add3A_200, %add3A_246 : i32
      %mul3A_248 = arith.constant 10496 : i32
      %mul3A_249 = arith.muli %add3A, %mul3A_248 : i32
      %min3A_250 = arith.constant 81 : i32
      %min3A_251 = arith.minsi %add3A_247, %min3A_250 : i32
      %mul3A_252 = arith.constant 128 : i32
      %mul3A_253 = arith.muli %min3A_251, %mul3A_252 : i32
      %add3A_254 = arith.addi %mul3A_249, %mul3A_253 : i32
      %dma_start3A_255 = tpu.memref_slice %arg4[%add3A_254] : memref<335872xi32, #tpu.memory_space<hbm>> -> memref<128xi32, #tpu.memory_space<hbm>>
      %dma_start3A_256 = tpu.memref_slice %arg4[%add3A_254] : memref<335872xi32, #tpu.memory_space<hbm>> -> memref<128xi32, #tpu.memory_space<hbm>>
      tpu.enqueue_dma source(%dma_start3A_256 : memref<128xi32, #tpu.memory_space<hbm>>) target(%arg8 : memref<128xi32, #tpu.memory_space<vmem>>) target_semaphore(%arg16 : memref<!tpu.dma_semaphore, #tpu.memory_space<semaphore_mem>>)
      %dma_start3A_257 = tpu.memref_slice %arg5[%add3A_254] : memref<335872xi32, #tpu.memory_space<hbm>> -> memref<128xi32, #tpu.memory_space<hbm>>
      %dma_start3A_258 = tpu.memref_slice %arg5[%add3A_254] : memref<335872xi32, #tpu.memory_space<hbm>> -> memref<128xi32, #tpu.memory_space<hbm>>
      tpu.enqueue_dma source(%dma_start3A_258 : memref<128xi32, #tpu.memory_space<hbm>>) target(%arg10 : memref<128xi32, #tpu.memory_space<vmem>>) target_semaphore(%arg16 : memref<!tpu.dma_semaphore, #tpu.memory_space<semaphore_mem>>)
    }
    %scan3A_83 = arith.constant 40 : i32
    %dma_wait3A_84 = arith.constant 0 : i32
    %dma_wait3A_85 = arith.constant 0 : i32
    %dma_wait3A_86 = tpu.memref_slice %arg2[%dma_wait3A_84, %dma_wait3A_85] : memref<10240x128xf32, #tpu.memory_space<hbm>> -> memref<10240x128xf32, #tpu.memory_space<hbm>>
    tpu.wait_indirect_dma semaphore(%arg19 : memref<!tpu.dma_semaphore, #tpu.memory_space<semaphore_mem>>) src(%dma_wait3A_86 : memref<10240x128xf32, #tpu.memory_space<hbm>>) dst(%arg13 : memref<128x128xf32, #tpu.memory_space<vmem>>)
    %dma_wait3A_87 = arith.constant 0 : i32
    %dma_wait3A_88 = arith.constant 0 : i32
    %dma_wait3A_89 = tpu.memref_slice %arg3[%dma_wait3A_87, %dma_wait3A_88] : memref<10240x128xf32, #tpu.memory_space<hbm>> -> memref<10240x128xf32, #tpu.memory_space<hbm>>
    tpu.wait_indirect_dma semaphore(%arg19 : memref<!tpu.dma_semaphore, #tpu.memory_space<semaphore_mem>>) src(%dma_wait3A_89 : memref<10240x128xf32, #tpu.memory_space<hbm>>) dst(%arg15 : memref<128x128xf32, #tpu.memory_space<vmem>>)
    %dma_wait3A_90 = arith.constant 0 : i32
    %dma_wait3A_91 = arith.constant 0 : i32
    %dma_wait3A_92 = tpu.memref_slice %arg6[%dma_wait3A_90, %dma_wait3A_91] : memref<335872x128xf32, #tpu.memory_space<hbm>> -> memref<128x128xf32, #tpu.memory_space<hbm>>
    %dma_wait3A_93 = arith.constant 0 : i32
    %dma_wait3A_94 = arith.constant 0 : i32
    %dma_wait3A_95 = tpu.memref_slice %arg6[%dma_wait3A_93, %dma_wait3A_94] : memref<335872x128xf32, #tpu.memory_space<hbm>> -> memref<128x128xf32, #tpu.memory_space<hbm>>
    tpu.wait_dma2 semaphore(%arg20 : memref<!tpu.dma_semaphore, #tpu.memory_space<semaphore_mem>>) src(%arg12 : memref<128x128xf32, #tpu.memory_space<vmem>>) dst(%dma_wait3A_95 : memref<128x128xf32, #tpu.memory_space<hbm>>)
    %dma_wait3A_96 = arith.constant 0 : i32
    %dma_wait3A_97 = arith.constant 0 : i32
    %dma_wait3A_98 = tpu.memref_slice %arg7[%dma_wait3A_96, %dma_wait3A_97] : memref<335872x128xf32, #tpu.memory_space<hbm>> -> memref<128x128xf32, #tpu.memory_space<hbm>>
    %dma_wait3A_99 = arith.constant 0 : i32
    %dma_wait3A_100 = arith.constant 0 : i32
    %dma_wait3A_101 = tpu.memref_slice %arg7[%dma_wait3A_99, %dma_wait3A_100] : memref<335872x128xf32, #tpu.memory_space<hbm>> -> memref<128x128xf32, #tpu.memory_space<hbm>>
    tpu.wait_dma2 semaphore(%arg20 : memref<!tpu.dma_semaphore, #tpu.memory_space<semaphore_mem>>) src(%arg14 : memref<128x128xf32, #tpu.memory_space<vmem>>) dst(%dma_wait3A_101 : memref<128x128xf32, #tpu.memory_space<hbm>>)
    %mul3A_102 = arith.constant 10496 : i32
    %mul3A_103 = arith.muli %add3A, %mul3A_102 : i32
    %add3A_104 = arith.constant 10368 : i32
    %add3A_105 = arith.addi %mul3A_103, %add3A_104 : i32
    %dma_start3A_106 = arith.constant 0 : i32
    %dma_start3A_107 = tpu.memref_slice %arg6[%add3A_105, %dma_start3A_106] : memref<335872x128xf32, #tpu.memory_space<hbm>> -> memref<128x128xf32, #tpu.memory_space<hbm>>
    %dma_start3A_108 = arith.constant 0 : i32
    %dma_start3A_109 = tpu.memref_slice %arg6[%add3A_105, %dma_start3A_108] : memref<335872x128xf32, #tpu.memory_space<hbm>> -> memref<128x128xf32, #tpu.memory_space<hbm>>
    tpu.enqueue_dma source(%arg13 : memref<128x128xf32, #tpu.memory_space<vmem>>) target(%dma_start3A_109 : memref<128x128xf32, #tpu.memory_space<hbm>>) target_semaphore(%arg21 : memref<!tpu.dma_semaphore, #tpu.memory_space<semaphore_mem>>)
    %dma_start3A_110 = arith.constant 0 : i32
    %dma_start3A_111 = tpu.memref_slice %arg7[%add3A_105, %dma_start3A_110] : memref<335872x128xf32, #tpu.memory_space<hbm>> -> memref<128x128xf32, #tpu.memory_space<hbm>>
    %dma_start3A_112 = arith.constant 0 : i32
    %dma_start3A_113 = tpu.memref_slice %arg7[%add3A_105, %dma_start3A_112] : memref<335872x128xf32, #tpu.memory_space<hbm>> -> memref<128x128xf32, #tpu.memory_space<hbm>>
    tpu.enqueue_dma source(%arg15 : memref<128x128xf32, #tpu.memory_space<vmem>>) target(%dma_start3A_113 : memref<128x128xf32, #tpu.memory_space<hbm>>) target_semaphore(%arg21 : memref<!tpu.dma_semaphore, #tpu.memory_space<semaphore_mem>>)
    %dma_wait3A_114 = arith.constant 0 : i32
    %dma_wait3A_115 = arith.constant 0 : i32
    %dma_wait3A_116 = tpu.memref_slice %arg6[%dma_wait3A_114, %dma_wait3A_115] : memref<335872x128xf32, #tpu.memory_space<hbm>> -> memref<128x128xf32, #tpu.memory_space<hbm>>
    %dma_wait3A_117 = arith.constant 0 : i32
    %dma_wait3A_118 = arith.constant 0 : i32
    %dma_wait3A_119 = tpu.memref_slice %arg6[%dma_wait3A_117, %dma_wait3A_118] : memref<335872x128xf32, #tpu.memory_space<hbm>> -> memref<128x128xf32, #tpu.memory_space<hbm>>
    tpu.wait_dma2 semaphore(%arg21 : memref<!tpu.dma_semaphore, #tpu.memory_space<semaphore_mem>>) src(%arg13 : memref<128x128xf32, #tpu.memory_space<vmem>>) dst(%dma_wait3A_119 : memref<128x128xf32, #tpu.memory_space<hbm>>)
    %dma_wait3A_120 = arith.constant 0 : i32
    %dma_wait3A_121 = arith.constant 0 : i32
    %dma_wait3A_122 = tpu.memref_slice %arg7[%dma_wait3A_120, %dma_wait3A_121] : memref<335872x128xf32, #tpu.memory_space<hbm>> -> memref<128x128xf32, #tpu.memory_space<hbm>>
    %dma_wait3A_123 = arith.constant 0 : i32
    %dma_wait3A_124 = arith.constant 0 : i32
    %dma_wait3A_125 = tpu.memref_slice %arg7[%dma_wait3A_123, %dma_wait3A_124] : memref<335872x128xf32, #tpu.memory_space<hbm>> -> memref<128x128xf32, #tpu.memory_space<hbm>>
    tpu.wait_dma2 semaphore(%arg21 : memref<!tpu.dma_semaphore, #tpu.memory_space<semaphore_mem>>) src(%arg15 : memref<128x128xf32, #tpu.memory_space<vmem>>) dst(%dma_wait3A_125 : memref<128x128xf32, #tpu.memory_space<hbm>>)
    %dma_wait3A_126 = arith.constant 0 : i32
    %dma_wait3A_127 = tpu.memref_slice %arg4[%dma_wait3A_126] : memref<335872xi32, #tpu.memory_space<hbm>> -> memref<128xi32, #tpu.memory_space<hbm>>
    %dma_wait3A_128 = arith.constant 0 : i32
    %dma_wait3A_129 = tpu.memref_slice %arg4[%dma_wait3A_128] : memref<335872xi32, #tpu.memory_space<hbm>> -> memref<128xi32, #tpu.memory_space<hbm>>
    tpu.wait_dma2 semaphore(%arg16 : memref<!tpu.dma_semaphore, #tpu.memory_space<semaphore_mem>>) src(%dma_wait3A_129 : memref<128xi32, #tpu.memory_space<hbm>>) dst(%arg8 : memref<128xi32, #tpu.memory_space<vmem>>)
    %dma_wait3A_130 = arith.constant 0 : i32
    %dma_wait3A_131 = tpu.memref_slice %arg5[%dma_wait3A_130] : memref<335872xi32, #tpu.memory_space<hbm>> -> memref<128xi32, #tpu.memory_space<hbm>>
    %dma_wait3A_132 = arith.constant 0 : i32
    %dma_wait3A_133 = tpu.memref_slice %arg5[%dma_wait3A_132] : memref<335872xi32, #tpu.memory_space<hbm>> -> memref<128xi32, #tpu.memory_space<hbm>>
    tpu.wait_dma2 semaphore(%arg16 : memref<!tpu.dma_semaphore, #tpu.memory_space<semaphore_mem>>) src(%dma_wait3A_133 : memref<128xi32, #tpu.memory_space<hbm>>) dst(%arg10 : memref<128xi32, #tpu.memory_space<vmem>>)
    return
  }
}

module attributes {stable_mosaic.version = 14 : i64} {
  func.func @body(%arg0: i32, %arg1: memref<2048x128xf32, #tpu.memory_space<vmem>>, %arg2: memref<2048x128xf32, #tpu.memory_space<vmem>>, %arg3: memref<128x1xf32, #tpu.memory_space<vmem>>, %arg4: memref<2048x128xf32, #tpu.memory_space<vmem>>, %arg5: memref<2048xf32, #tpu.memory_space<vmem>>) attributes {dimension_semantics = [#tpu.dimension_semantics<arbitrary>], iteration_bounds = array<i64: 164>, scalar_prefetch = 0 : i64, scratch_operands = 0 : i64, tpu.core_type = #tpu.core_type<tc>, window_params = [{transform_indices = @transform_0, window_bounds = array<i64: 2048, 128>}, {transform_indices = @transform_1, window_bounds = array<i64: 2048, 128>}, {pipeline_mode = #tpu.pipeline_mode<synchronous>, transform_indices = @transform_2, window_bounds = array<i64: 128, 1>}, {transform_indices = @transform_3, window_bounds = array<i64: 2048, 128>}, {transform_indices = @transform_4, window_bounds = array<i64: 2048>}]} {
    %get3A = arith.constant 0 : index
    %get3A_0 = arith.constant 0 : index
    %get3A_1 = vector.load %arg1[%get3A, %get3A_0] : memref<2048x128xf32, #tpu.memory_space<vmem>>, vector<2048x128xf32>
    %get3A_2 = arith.constant 0 : index
    %get3A_3 = arith.constant 0 : index
    %get3A_4 = vector.load %arg2[%get3A_2, %get3A_3] : memref<2048x128xf32, #tpu.memory_space<vmem>>, vector<2048x128xf32>
    %add3A = arith.addf %get3A_1, %get3A_4 : vector<2048x128xf32>
    %ge3A = arith.constant 0.000000e+00 : f32
    %ge3A_5 = vector.broadcast %ge3A : f32 to vector<2048x128xf32>
    %ge3A_6 = arith.cmpf oge, %add3A, %ge3A_5 : vector<2048x128xf32>
    %mul3A = arith.constant 2.000000e-01 : f32
    %mul3A_7 = vector.broadcast %mul3A : f32 to vector<2048x128xf32>
    %mul3A_8 = arith.mulf %mul3A_7, %add3A : vector<2048x128xf32>
    %select_n3A = arith.select %ge3A_6, %add3A, %mul3A_8 : vector<2048x128xi1>, vector<2048x128xf32>
    %get3A_9 = arith.constant 0 : index
    %get3A_10 = arith.constant 0 : index
    %get3A_11 = vector.load %arg3[%get3A_9, %get3A_10] : memref<128x1xf32, #tpu.memory_space<vmem>>, vector<128x1xf32>
    %dot_general3A = arith.constant dense<0.000000e+00> : vector<2048x1xf32>
    %dot_general3A_12 = tpu.matmul %select_n3A, %get3A_11, %dot_general3A {dimension_numbers = #tpu.dot_dimension_numbers<[1], [0], [0], [1], [0, 0, 1, 1], [], []>, transpose_lhs_hint = false} : vector<2048x128xf32>, vector<128x1xf32>, vector<2048x1xf32> -> vector<2048x1xf32>
    %exp3A = math.exp %dot_general3A_12 : vector<2048x1xf32>
    %mul3A_13 = vector.broadcast %exp3A : vector<2048x1xf32> to vector<2048x128xf32>
    %mul3A_14 = arith.mulf %get3A_1, %mul3A_13 : vector<2048x128xf32>
    %swap3A = arith.constant 0 : index
    %swap3A_15 = arith.constant 0 : index
    %swap3A_16 = vector.load %arg4[%swap3A, %swap3A_15] : memref<2048x128xf32, #tpu.memory_space<vmem>>, vector<2048x128xf32>
    tpu.vector_store %arg4[%swap3A, %swap3A_15], %mul3A_14 {strides = array<i32>} : memref<2048x128xf32, #tpu.memory_space<vmem>>, vector<2048x128xf32>,
    %squeeze3A = vector.shape_cast %exp3A : vector<2048x1xf32> to vector<2048xf32>
    %swap3A_17 = arith.constant 0 : index
    %swap3A_18 = vector.load %arg5[%swap3A_17] : memref<2048xf32, #tpu.memory_space<vmem>>, vector<2048xf32>
    tpu.vector_store %arg5[%swap3A_17], %squeeze3A {strides = array<i32>} : memref<2048xf32, #tpu.memory_space<vmem>>, vector<2048xf32>,
    return
  }
  func.func @transform_0(%arg0: i32) -> (i32, i32) {
    %c0_i32 = arith.constant 0 : i32
    %c0_i32_0 = arith.constant 0 : i32
    return %arg0, %c0_i32 : i32, i32
  }
  func.func @transform_1(%arg0: i32) -> (i32, i32) {
    %c0_i32 = arith.constant 0 : i32
    %c0_i32_0 = arith.constant 0 : i32
    return %arg0, %c0_i32 : i32, i32
  }
  func.func @transform_2(%arg0: i32) -> (i32, i32) {
    %c0_i32 = arith.constant 0 : i32
    %c0_i32_0 = arith.constant 0 : i32
    %c0_i32_1 = arith.constant 0 : i32
    return %c0_i32, %c0_i32_0 : i32, i32
  }
  func.func @transform_3(%arg0: i32) -> (i32, i32) {
    %c0_i32 = arith.constant 0 : i32
    %c0_i32_0 = arith.constant 0 : i32
    return %arg0, %c0_i32 : i32, i32
  }
  func.func @transform_4(%arg0: i32) -> i32 {
    %c0_i32 = arith.constant 0 : i32
    return %arg0 : i32
  }
}

module attributes {stable_mosaic.version = 14 : i64} {
  func.func @body(%arg0: i32, %arg1: memref<512x128xf32, #tpu.memory_space<vmem>>, %arg2: memref<128x128xf32, #tpu.memory_space<vmem>>, %arg3: memref<1x128xf32, #tpu.memory_space<vmem>>, %arg4: memref<128x128xf32, #tpu.memory_space<vmem>>, %arg5: memref<1x128xf32, #tpu.memory_space<vmem>>, %arg6: memref<512x128xf32, #tpu.memory_space<vmem>>, %arg7: memref<512x128xf32, #tpu.memory_space<vmem>>) attributes {dimension_semantics = [#tpu.dimension_semantics<arbitrary>], iteration_bounds = array<i64: 20>, scalar_prefetch = 0 : i64, scratch_operands = 0 : i64, tpu.core_type = #tpu.core_type<tc>, window_params = [{transform_indices = @transform_0, window_bounds = array<i64: 512, 128>}, {pipeline_mode = #tpu.pipeline_mode<synchronous>, transform_indices = @transform_1, window_bounds = array<i64: 128, 128>}, {pipeline_mode = #tpu.pipeline_mode<synchronous>, transform_indices = @transform_2, window_bounds = array<i64: 1, 128>}, {pipeline_mode = #tpu.pipeline_mode<synchronous>, transform_indices = @transform_3, window_bounds = array<i64: 128, 128>}, {pipeline_mode = #tpu.pipeline_mode<synchronous>, transform_indices = @transform_4, window_bounds = array<i64: 1, 128>}, {transform_indices = @transform_5, window_bounds = array<i64: 512, 128>}, {transform_indices = @transform_6, window_bounds = array<i64: 512, 128>}]} {
    %get3A = arith.constant 0 : index
    %get3A_0 = arith.constant 0 : index
    %get3A_1 = vector.load %arg1[%get3A, %get3A_0] : memref<512x128xf32, #tpu.memory_space<vmem>>, vector<512x128xf32>
    %get3A_2 = arith.constant 0 : index
    %get3A_3 = arith.constant 0 : index
    %get3A_4 = vector.load %arg2[%get3A_2, %get3A_3] : memref<128x128xf32, #tpu.memory_space<vmem>>, vector<128x128xf32>
    %dot_general3A = arith.constant dense<0.000000e+00> : vector<512x128xf32>
    %dot_general3A_5 = tpu.matmul %get3A_1, %get3A_4, %dot_general3A {dimension_numbers = #tpu.dot_dimension_numbers<[1], [0], [0], [1], [0, 0, 1, 1], [], []>, transpose_lhs_hint = false} : vector<512x128xf32>, vector<128x128xf32>, vector<512x128xf32> -> vector<512x128xf32>
    %get3A_6 = arith.constant 0 : index
    %get3A_7 = arith.constant 0 : index
    %get3A_8 = vector.load %arg3[%get3A_6, %get3A_7] : memref<1x128xf32, #tpu.memory_space<vmem>>, vector<1x128xf32>
    %add3A = vector.broadcast %get3A_8 : vector<1x128xf32> to vector<512x128xf32>
    %add3A_9 = arith.addf %dot_general3A_5, %add3A : vector<512x128xf32>
    %swap3A = arith.constant 0 : index
    %swap3A_10 = arith.constant 0 : index
    %swap3A_11 = vector.load %arg6[%swap3A, %swap3A_10] : memref<512x128xf32, #tpu.memory_space<vmem>>, vector<512x128xf32>
    tpu.vector_store %arg6[%swap3A, %swap3A_10], %add3A_9 {strides = array<i32>} : memref<512x128xf32, #tpu.memory_space<vmem>>, vector<512x128xf32>,
    %get3A_12 = arith.constant 0 : index
    %get3A_13 = arith.constant 0 : index
    %get3A_14 = vector.load %arg4[%get3A_12, %get3A_13] : memref<128x128xf32, #tpu.memory_space<vmem>>, vector<128x128xf32>
    %dot_general3A_15 = arith.constant dense<0.000000e+00> : vector<512x128xf32>
    %dot_general3A_16 = tpu.matmul %get3A_1, %get3A_14, %dot_general3A_15 {dimension_numbers = #tpu.dot_dimension_numbers<[1], [0], [0], [1], [0, 0, 1, 1], [], []>, transpose_lhs_hint = false} : vector<512x128xf32>, vector<128x128xf32>, vector<512x128xf32> -> vector<512x128xf32>
    %get3A_17 = arith.constant 0 : index
    %get3A_18 = arith.constant 0 : index
    %get3A_19 = vector.load %arg5[%get3A_17, %get3A_18] : memref<1x128xf32, #tpu.memory_space<vmem>>, vector<1x128xf32>
    %add3A_20 = vector.broadcast %get3A_19 : vector<1x128xf32> to vector<512x128xf32>
    %add3A_21 = arith.addf %dot_general3A_16, %add3A_20 : vector<512x128xf32>
    %swap3A_22 = arith.constant 0 : index
    %swap3A_23 = arith.constant 0 : index
    %swap3A_24 = vector.load %arg7[%swap3A_22, %swap3A_23] : memref<512x128xf32, #tpu.memory_space<vmem>>, vector<512x128xf32>
    tpu.vector_store %arg7[%swap3A_22, %swap3A_23], %add3A_21 {strides = array<i32>} : memref<512x128xf32, #tpu.memory_space<vmem>>, vector<512x128xf32>,
    return
  }
  func.func @transform_0(%arg0: i32) -> (i32, i32) {
    %c0_i32 = arith.constant 0 : i32
    %c0_i32_0 = arith.constant 0 : i32
    return %arg0, %c0_i32 : i32, i32
  }
  func.func @transform_1(%arg0: i32) -> (i32, i32) {
    %c0_i32 = arith.constant 0 : i32
    %c0_i32_0 = arith.constant 0 : i32
    %c0_i32_1 = arith.constant 0 : i32
    return %c0_i32, %c0_i32_0 : i32, i32
  }
  func.func @transform_2(%arg0: i32) -> (i32, i32) {
    %c0_i32 = arith.constant 0 : i32
    %c0_i32_0 = arith.constant 0 : i32
    %c0_i32_1 = arith.constant 0 : i32
    return %c0_i32, %c0_i32_0 : i32, i32
  }
  func.func @transform_3(%arg0: i32) -> (i32, i32) {
    %c0_i32 = arith.constant 0 : i32
    %c0_i32_0 = arith.constant 0 : i32
    %c0_i32_1 = arith.constant 0 : i32
    return %c0_i32, %c0_i32_0 : i32, i32
  }
  func.func @transform_4(%arg0: i32) -> (i32, i32) {
    %c0_i32 = arith.constant 0 : i32
    %c0_i32_0 = arith.constant 0 : i32
    %c0_i32_1 = arith.constant 0 : i32
    return %c0_i32, %c0_i32_0 : i32, i32
  }
  func.func @transform_5(%arg0: i32) -> (i32, i32) {
    %c0_i32 = arith.constant 0 : i32
    %c0_i32_0 = arith.constant 0 : i32
    return %arg0, %c0_i32 : i32, i32
  }
  func.func @transform_6(%arg0: i32) -> (i32, i32) {
    %c0_i32 = arith.constant 0 : i32
    %c0_i32_0 = arith.constant 0 : i32
    return %arg0, %c0_i32 : i32, i32
  }
}

module attributes {stable_mosaic.version = 14 : i64} {
  func.func @body(%arg0: i32, %arg1: memref<2x512x128xf32, #tpu.memory_space<vmem>>, %arg2: memref<32x512xf32, #tpu.memory_space<vmem>>, %arg3: memref<1x128xf32, #tpu.memory_space<vmem>>, %arg4: memref<128x128xf32, #tpu.memory_space<vmem>>, %arg5: memref<1x128xf32, #tpu.memory_space<vmem>>, %arg6: memref<128x128xf32, #tpu.memory_space<vmem>>, %arg7: memref<1x128xf32, #tpu.memory_space<vmem>>, %arg8: memref<512x128xf32, #tpu.memory_space<vmem>>, %arg9: memref<512x128xf32, #tpu.memory_space<vmem>>) attributes {dimension_semantics = [#tpu.dimension_semantics<arbitrary>], iteration_bounds = array<i64: 20>, scalar_prefetch = 0 : i64, scratch_operands = 0 : i64, tpu.core_type = #tpu.core_type<tc>, window_params = [{transform_indices = @transform_0, window_bounds = array<i64: 2, 512, 128>}, {transform_indices = @transform_1, window_bounds = array<i64: 32, 512>}, {pipeline_mode = #tpu.pipeline_mode<synchronous>, transform_indices = @transform_2, window_bounds = array<i64: 1, 128>}, {pipeline_mode = #tpu.pipeline_mode<synchronous>, transform_indices = @transform_3, window_bounds = array<i64: 128, 128>}, {pipeline_mode = #tpu.pipeline_mode<synchronous>, transform_indices = @transform_4, window_bounds = array<i64: 1, 128>}, {pipeline_mode = #tpu.pipeline_mode<synchronous>, transform_indices = @transform_5, window_bounds = array<i64: 128, 128>}, {pipeline_mode = #tpu.pipeline_mode<synchronous>, transform_indices = @transform_6, window_bounds = array<i64: 1, 128>}, {transform_indices = @transform_7, window_bounds = array<i64: 512, 128>}, {transform_indices = @transform_8, window_bounds = array<i64: 512, 128>}]} {
    %get3A = arith.constant 0 : index
    %get3A_0 = arith.constant 0 : index
    %get3A_1 = arith.constant 0 : index
    %get3A_2 = vector.load %arg1[%get3A, %get3A_0, %get3A_1] : memref<2x512x128xf32, #tpu.memory_space<vmem>>, vector<1x512x128xf32>
    %get3A_3 = vector.shape_cast %get3A_2 : vector<1x512x128xf32> to vector<512x128xf32>
    %get3A_4 = arith.constant 1 : index
    %get3A_5 = arith.constant 0 : index
    %get3A_6 = arith.constant 0 : index
    %get3A_7 = vector.load %arg1[%get3A_4, %get3A_5, %get3A_6] : memref<2x512x128xf32, #tpu.memory_space<vmem>>, vector<1x512x128xf32>
    %get3A_8 = vector.shape_cast %get3A_7 : vector<1x512x128xf32> to vector<512x128xf32>
    %add3A = arith.addf %get3A_3, %get3A_8 : vector<512x128xf32>
    %get3A_9 = arith.constant 0 : index
    %get3A_10 = arith.constant 0 : index
    %get3A_11 = vector.load %arg2[%get3A_9, %get3A_10] : memref<32x512xf32, #tpu.memory_space<vmem>>, vector<32x512xf32>
    %reduce_sum3A = arith.constant dense<0.000000e+00> : vector<512xf32>
    %reduce_sum3A_12 = vector.multi_reduction <add>, %get3A_11, %reduce_sum3A [0] : vector<32x512xf32> to vector<512xf32>
    %max3A = arith.constant 1.000000e-30 : f32
    %max3A_13 = vector.broadcast %max3A : f32 to vector<512xf32>
    %max3A_14 = arith.maximumf %reduce_sum3A_12, %max3A_13 : vector<512xf32>
    %broadcast_in_dim3A = vector.shape_cast %max3A_14 : vector<512xf32> to vector<512x1xf32>
    %div3A = vector.broadcast %broadcast_in_dim3A : vector<512x1xf32> to vector<512x128xf32>
    %div3A_15 = arith.divf %add3A, %div3A : vector<512x128xf32>
    %get3A_16 = arith.constant 0 : index
    %get3A_17 = arith.constant 0 : index
    %get3A_18 = vector.load %arg3[%get3A_16, %get3A_17] : memref<1x128xf32, #tpu.memory_space<vmem>>, vector<1x128xf32>
    %add3A_19 = vector.broadcast %get3A_18 : vector<1x128xf32> to vector<512x128xf32>
    %add3A_20 = arith.addf %div3A_15, %add3A_19 : vector<512x128xf32>
    %max3A_21 = arith.constant 0.000000e+00 : f32
    %max3A_22 = vector.broadcast %max3A_21 : f32 to vector<512x128xf32>
    %max3A_23 = arith.maximumf %add3A_20, %max3A_22 : vector<512x128xf32>
    %get3A_24 = arith.constant 0 : index
    %get3A_25 = arith.constant 0 : index
    %get3A_26 = vector.load %arg4[%get3A_24, %get3A_25] : memref<128x128xf32, #tpu.memory_space<vmem>>, vector<128x128xf32>
    %dot_general3A = arith.constant dense<0.000000e+00> : vector<512x128xf32>
    %dot_general3A_27 = tpu.matmul %max3A_23, %get3A_26, %dot_general3A {dimension_numbers = #tpu.dot_dimension_numbers<[1], [0], [0], [1], [0, 0, 1, 1], [], []>, transpose_lhs_hint = false} : vector<512x128xf32>, vector<128x128xf32>, vector<512x128xf32> -> vector<512x128xf32>
    %get3A_28 = arith.constant 0 : index
    %get3A_29 = arith.constant 0 : index
    %get3A_30 = vector.load %arg5[%get3A_28, %get3A_29] : memref<1x128xf32, #tpu.memory_space<vmem>>, vector<1x128xf32>
    %add3A_31 = vector.broadcast %get3A_30 : vector<1x128xf32> to vector<512x128xf32>
    %add3A_32 = arith.addf %dot_general3A_27, %add3A_31 : vector<512x128xf32>
    %swap3A = arith.constant 0 : index
    %swap3A_33 = arith.constant 0 : index
    %swap3A_34 = vector.load %arg8[%swap3A, %swap3A_33] : memref<512x128xf32, #tpu.memory_space<vmem>>, vector<512x128xf32>
    tpu.vector_store %arg8[%swap3A, %swap3A_33], %add3A_32 {strides = array<i32>} : memref<512x128xf32, #tpu.memory_space<vmem>>, vector<512x128xf32>,
    %get3A_35 = arith.constant 0 : index
    %get3A_36 = arith.constant 0 : index
    %get3A_37 = vector.load %arg6[%get3A_35, %get3A_36] : memref<128x128xf32, #tpu.memory_space<vmem>>, vector<128x128xf32>
    %dot_general3A_38 = arith.constant dense<0.000000e+00> : vector<512x128xf32>
    %dot_general3A_39 = tpu.matmul %max3A_23, %get3A_37, %dot_general3A_38 {dimension_numbers = #tpu.dot_dimension_numbers<[1], [0], [0], [1], [0, 0, 1, 1], [], []>, transpose_lhs_hint = false} : vector<512x128xf32>, vector<128x128xf32>, vector<512x128xf32> -> vector<512x128xf32>
    %get3A_40 = arith.constant 0 : index
    %get3A_41 = arith.constant 0 : index
    %get3A_42 = vector.load %arg7[%get3A_40, %get3A_41] : memref<1x128xf32, #tpu.memory_space<vmem>>, vector<1x128xf32>
    %add3A_43 = vector.broadcast %get3A_42 : vector<1x128xf32> to vector<512x128xf32>
    %add3A_44 = arith.addf %dot_general3A_39, %add3A_43 : vector<512x128xf32>
    %swap3A_45 = arith.constant 0 : index
    %swap3A_46 = arith.constant 0 : index
    %swap3A_47 = vector.load %arg9[%swap3A_45, %swap3A_46] : memref<512x128xf32, #tpu.memory_space<vmem>>, vector<512x128xf32>
    tpu.vector_store %arg9[%swap3A_45, %swap3A_46], %add3A_44 {strides = array<i32>} : memref<512x128xf32, #tpu.memory_space<vmem>>, vector<512x128xf32>,
    return
  }
  func.func @transform_0(%arg0: i32) -> (i32, i32, i32) {
    %c0_i32 = arith.constant 0 : i32
    %c0_i32_0 = arith.constant 0 : i32
    %c0_i32_1 = arith.constant 0 : i32
    return %c0_i32, %arg0, %c0_i32_0 : i32, i32, i32
  }
  func.func @transform_1(%arg0: i32) -> (i32, i32) {
    %c0_i32 = arith.constant 0 : i32
    %c0_i32_0 = arith.constant 0 : i32
    return %c0_i32, %arg0 : i32, i32
  }
  func.func @transform_2(%arg0: i32) -> (i32, i32) {
    %c0_i32 = arith.constant 0 : i32
    %c0_i32_0 = arith.constant 0 : i32
    %c0_i32_1 = arith.constant 0 : i32
    return %c0_i32, %c0_i32_0 : i32, i32
  }
  func.func @transform_3(%arg0: i32) -> (i32, i32) {
    %c0_i32 = arith.constant 0 : i32
    %c0_i32_0 = arith.constant 0 : i32
    %c0_i32_1 = arith.constant 0 : i32
    return %c0_i32, %c0_i32_0 : i32, i32
  }
  func.func @transform_4(%arg0: i32) -> (i32, i32) {
    %c0_i32 = arith.constant 0 : i32
    %c0_i32_0 = arith.constant 0 : i32
    %c0_i32_1 = arith.constant 0 : i32
    return %c0_i32, %c0_i32_0 : i32, i32
  }
  func.func @transform_5(%arg0: i32) -> (i32, i32) {
    %c0_i32 = arith.constant 0 : i32
    %c0_i32_0 = arith.constant 0 : i32
    %c0_i32_1 = arith.constant 0 : i32
    return %c0_i32, %c0_i32_0 : i32, i32
  }
  func.func @transform_6(%arg0: i32) -> (i32, i32) {
    %c0_i32 = arith.constant 0 : i32
    %c0_i32_0 = arith.constant 0 : i32
    %c0_i32_1 = arith.constant 0 : i32
    return %c0_i32, %c0_i32_0 : i32, i32
  }
  func.func @transform_7(%arg0: i32) -> (i32, i32) {
    %c0_i32 = arith.constant 0 : i32
    %c0_i32_0 = arith.constant 0 : i32
    return %arg0, %c0_i32 : i32, i32
  }
  func.func @transform_8(%arg0: i32) -> (i32, i32) {
    %c0_i32 = arith.constant 0 : i32
    %c0_i32_0 = arith.constant 0 : i32
    return %arg0, %c0_i32 : i32, i32
  }
}

module attributes {stable_mosaic.version = 14 : i64} {
  func.func @body(%arg0: i32, %arg1: memref<2x512x128xf32, #tpu.memory_space<vmem>>, %arg2: memref<32x512xf32, #tpu.memory_space<vmem>>, %arg3: memref<1x128xf32, #tpu.memory_space<vmem>>, %arg4: memref<512x128xf32, #tpu.memory_space<vmem>>) attributes {dimension_semantics = [#tpu.dimension_semantics<arbitrary>], iteration_bounds = array<i64: 20>, scalar_prefetch = 0 : i64, scratch_operands = 0 : i64, tpu.core_type = #tpu.core_type<tc>, window_params = [{transform_indices = @transform_0, window_bounds = array<i64: 2, 512, 128>}, {transform_indices = @transform_1, window_bounds = array<i64: 32, 512>}, {pipeline_mode = #tpu.pipeline_mode<synchronous>, transform_indices = @transform_2, window_bounds = array<i64: 1, 128>}, {transform_indices = @transform_3, window_bounds = array<i64: 512, 128>}]} {
    %get3A = arith.constant 0 : index
    %get3A_0 = arith.constant 0 : index
    %get3A_1 = arith.constant 0 : index
    %get3A_2 = vector.load %arg1[%get3A, %get3A_0, %get3A_1] : memref<2x512x128xf32, #tpu.memory_space<vmem>>, vector<1x512x128xf32>
    %get3A_3 = vector.shape_cast %get3A_2 : vector<1x512x128xf32> to vector<512x128xf32>
    %get3A_4 = arith.constant 1 : index
    %get3A_5 = arith.constant 0 : index
    %get3A_6 = arith.constant 0 : index
    %get3A_7 = vector.load %arg1[%get3A_4, %get3A_5, %get3A_6] : memref<2x512x128xf32, #tpu.memory_space<vmem>>, vector<1x512x128xf32>
    %get3A_8 = vector.shape_cast %get3A_7 : vector<1x512x128xf32> to vector<512x128xf32>
    %add3A = arith.addf %get3A_3, %get3A_8 : vector<512x128xf32>
    %get3A_9 = arith.constant 0 : index
    %get3A_10 = arith.constant 0 : index
    %get3A_11 = vector.load %arg2[%get3A_9, %get3A_10] : memref<32x512xf32, #tpu.memory_space<vmem>>, vector<32x512xf32>
    %reduce_sum3A = arith.constant dense<0.000000e+00> : vector<512xf32>
    %reduce_sum3A_12 = vector.multi_reduction <add>, %get3A_11, %reduce_sum3A [0] : vector<32x512xf32> to vector<512xf32>
    %max3A = arith.constant 1.000000e-30 : f32
    %max3A_13 = vector.broadcast %max3A : f32 to vector<512xf32>
    %max3A_14 = arith.maximumf %reduce_sum3A_12, %max3A_13 : vector<512xf32>
    %broadcast_in_dim3A = vector.shape_cast %max3A_14 : vector<512xf32> to vector<512x1xf32>
    %div3A = vector.broadcast %broadcast_in_dim3A : vector<512x1xf32> to vector<512x128xf32>
    %div3A_15 = arith.divf %add3A, %div3A : vector<512x128xf32>
    %get3A_16 = arith.constant 0 : index
    %get3A_17 = arith.constant 0 : index
    %get3A_18 = vector.load %arg3[%get3A_16, %get3A_17] : memref<1x128xf32, #tpu.memory_space<vmem>>, vector<1x128xf32>
    %add3A_19 = vector.broadcast %get3A_18 : vector<1x128xf32> to vector<512x128xf32>
    %add3A_20 = arith.addf %div3A_15, %add3A_19 : vector<512x128xf32>
    %swap3A = arith.constant 0 : index
    %swap3A_21 = arith.constant 0 : index
    %swap3A_22 = vector.load %arg4[%swap3A, %swap3A_21] : memref<512x128xf32, #tpu.memory_space<vmem>>, vector<512x128xf32>
    tpu.vector_store %arg4[%swap3A, %swap3A_21], %add3A_20 {strides = array<i32>} : memref<512x128xf32, #tpu.memory_space<vmem>>, vector<512x128xf32>,
    return
  }
  func.func @transform_0(%arg0: i32) -> (i32, i32, i32) {
    %c0_i32 = arith.constant 0 : i32
    %c0_i32_0 = arith.constant 0 : i32
    %c0_i32_1 = arith.constant 0 : i32
    return %c0_i32, %arg0, %c0_i32_0 : i32, i32, i32
  }
  func.func @transform_1(%arg0: i32) -> (i32, i32) {
    %c0_i32 = arith.constant 0 : i32
    %c0_i32_0 = arith.constant 0 : i32
    return %c0_i32, %arg0 : i32, i32
  }
  func.func @transform_2(%arg0: i32) -> (i32, i32) {
    %c0_i32 = arith.constant 0 : i32
    %c0_i32_0 = arith.constant 0 : i32
    %c0_i32_1 = arith.constant 0 : i32
    return %c0_i32, %c0_i32_0 : i32, i32
  }
  func.func @transform_3(%arg0: i32) -> (i32, i32) {
    %c0_i32 = arith.constant 0 : i32
    %c0_i32_0 = arith.constant 0 : i32
    return %arg0, %c0_i32 : i32, i32
  }
}

</mosaic_0001>

<sc_bundles>
// kernel: kernel.11.cloned.1.call-start
scs
__scs_entry_jumppad:
0x0: {  	(pc) =	sbr.rel $0x88, $3  }
0x1: {  	(tag) =	ssettag $0x0;
	lr =	simm.s32 $0x1  }
0x2: {  	[smem:$0x3F93] =	sst lr;
	_ =	strace $0xD0000000  }
0x3: {  	_ = 	snop  }
0x4: {  	_ = 	snop  }
0x5: {  	_ = 	snop  }
0x6: {  	_ = 	snop  }
0x7: {  	_ = 	snop  }
__scs_overlays_trampoline_lowered:
0x8: {  	[smem:$0x3FA2] =	sst s0  }
0x9: {  	[smem:$0x3FA3] =	sst s1  }
0xa: {  	[smem:$0x3FA4] =	sst s2  }
0xb: {  	[smem:$0x3FA5] =	sst s3  }
0xc: {  	[smem:$0x3FA6] =	sst s4  }
0xd: {  	[smem:$0x3FA7] =	sst s5  }
0xe: {  	[smem:$0x3FA8] =	sst s6  }
0xf: {  	[smem:$0x3FA9] =	sst s7  }
0x10: {  	[smem:$0x3FAA] =	sst s8  }
0x11: {  	[smem:$0x3FAB] =	sst s9;
	s0 =	simm.s32 @!p0 $0x0  }
0x12: {  	s1 =	sld [smem:$0x3F91];
	s0 =	simm.s32 @p0 $0x1  }
0x13: {  	[smem:$0x3FAC] =	sst s0;
	s0 =	simm.s32 @!p1 $0x0  }
0x14: {  	s2 =	sld [smem:$0x3F90];
	s0 =	simm.s32 @p1 $0x1  }
0x15: {  	[smem:$0x3FAD] =	sst s0;
	s0 =	simm.s32 @!p2 $0x0  }
0x16: {  	s3 =	sld [smem:$0x3FDB];
	s0 =	simm.s32 @p2 $0x1  }
0x17: {  	s4 =	simm.s32 $0x1BF5;
	[smem:$0x3FAF] =	sst s0  }
0x18: {  	s0 =	sld [smem:$0x3F92];
	_ =	swait.ge [sflag:s4], $0x0  }
0x19: {  	s7 =	sld [smem:$0x3F93]  }
0x1a: {  	s8 =	sadd.s32 $0xFFFFE003, lr  }
0x1b: {  	s9 =	sadd.s32 $0xFFFFFEF7, lr;
	s5 =	simm.s32 $0xFFFFFFFF;
	p2 =	slt.u32 s8, $0xFFFFF086  }
0x1c: {  	p1 =	slt.u32 s9, $0xF7A;
	s5 =	simm.s32 @!p2 $0x0  }
0x1d: {  	s5 =	simm.s32 @p1 $0x1;
	p0 =	seq.s32 s7, s2  }
0x1e: {  	s7 =	smul.u32 @!p0 $0xF7A, s2;
	p2 =	seq.s32 @!p0 s5, $0x0  }
0x1f: {  	s9 =	smul.u32 $0xF7A, s1;
	s8 =	simm.s32 @!p0 $0x1BF5;
	p2 =	por !p2, p0  }
0x20: {  	[sflag:s8] =	ssyncset.s32 @!p0 $0xFFFFF086;
	s6 =	sadd.s32 @!p0 s3, s7;
	s7 =	simm.s32 @!p0 $0x108  }
0x21: {  	s3 =	sadd.s32 s3, s9;
	s6 =	sadd.s32 @!p0 $0x88, s6;
	s7 =	simm.s32 @p2 $0x1082  }
0x22: {  	[simem:s7], [sflag:s8] =	dma.local @!p0 [hbm:s6], $0xF7A  }
0x23: {  	s9 =	sor.u32 $0xD0000000, s2;
	s6 =	simm.s32 $0x108;
	_ =	swait.ge @!p0 [sflag:s8], $0x0  }
0x24: {  	s3 =	sadd.s32 $0x88, s3;
	s6 =	simm.s32 @!p1 $0x1082;
	[sflag:s4] =	ssyncset.s32 $0xFFFFF086  }
0x25: {  	[simem:s6], [sflag:s4] =	dma.local [hbm:s3], $0xF7A  }
0x26: {  	[smem:$0x3F93] =	sst s1;
	(tag) =	ssettag s2;
	_ =	strace s9  }
0x27: {  	s1 =	sld [smem:$0x3FA3]  }
0x28: {  	s2 =	sld [smem:$0x3FA4]  }
0x29: {  	s4 =	sld [smem:$0x3FA6]  }
0x2a: {  	p0 =	seq.s32 s5, $0x0;
	s5 =	sld [smem:$0x3FA7]  }
0x2b: {  	s6 =	sld [smem:$0x3FA8]  }
0x2c: {  	s7 =	sld [smem:$0x3FA9]  }
0x2d: {  	s3 =	simm.s32 $0x108;
	s8 =	sld [smem:$0x3FAA]  }
0x2e: {  	s3 =	simm.s32 @!p0 $0x1082;
	s9 =	sld [smem:$0x3FAB]  }
0x2f: {  	lr =	sadd.s32 s0, s3;
	s0 =	sld [smem:$0x3FA2]  }
0x30: {  	s3 =	sld [smem:$0x3FA5]  }
0x31: {  	[smem:$0x3FAE] =	sst s10  }
0x32: {  	s10 =	sld [smem:$0x3FAC];
	_ =	sdelay $0x3  }
0x33: {  	p0 =	seq.s32 s10, $0x1;
	s10 =	sld [smem:$0x3FAE];
	_ =	sdelay $0x3  }
0x34: {  	[smem:$0x3FAE] =	sst s10  }
0x35: {  	s10 =	sld [smem:$0x3FAD];
	_ =	sdelay $0x3  }
0x36: {  	p1 =	seq.s32 s10, $0x1;
	s10 =	sld [smem:$0x3FAE];
	_ =	sdelay $0x3  }
0x37: {  	[smem:$0x3FAE] =	sst s10  }
0x38: {  	s10 =	sld [smem:$0x3FAF]  }
0x39: {  	_ = 	snop;
	(pc) =	sbr.ind lr, $3  }
0x3a: {  	_ = 	snop  }
0x3b: {  	_ = 	snop  }
0x3c: {  	p2 =	seq.s32 s10, $0x1;
	s10 =	sld [smem:$0x3FAE]  }
0x3d: {  	_ =	shalt  }
0x3e: {  	_ =	shalt  }
0x3f: {  	_ =	shalt  }
0x40: {  	_ =	shalt  }
0x41: {  	_ =	shalt  }
0x42: {  	_ =	shalt  }
0x43: {  	_ =	shalt  }
0x44: {  	_ =	shalt  }
0x45: {  	_ =	shalt  }
0x46: {  	_ =	shalt  }
0x47: {  	_ =	shalt  }
0x48: {  	_ =	shalt  }
0x49: {  	_ =	shalt  }
0x4a: {  	_ =	shalt  }
0x4b: {  	_ =	shalt  }
0x4c: {  	_ =	shalt  }
0x4d: {  	_ =	shalt  }
0x4e: {  	_ =	shalt  }
0x4f: {  	_ =	shalt  }
0x50: {  	_ =	shalt  }
0x51: {  	_ =	shalt  }
0x52: {  	_ =	shalt  }
0x53: {  	_ =	shalt  }
0x54: {  	_ =	shalt  }
0x55: {  	_ =	shalt  }
0x56: {  	_ =	shalt  }
0x57: {  	_ =	shalt  }
0x58: {  	_ =	shalt  }
0x59: {  	_ =	shalt  }
0x5a: {  	_ =	shalt  }
0x5b: {  	_ =	shalt  }
0x5c: {  	_ =	shalt  }
0x5d: {  	_ =	shalt  }
0x5e: {  	_ =	shalt  }
0x5f: {  	_ =	shalt  }
0x60: {  	_ =	shalt  }
0x61: {  	_ =	shalt  }
0x62: {  	_ =	shalt  }
0x63: {  	_ =	shalt  }
0x64: {  	_ =	shalt  }
0x65: {  	_ =	shalt  }
0x66: {  	_ =	shalt  }
0x67: {  	_ =	shalt  }
0x68: {  	_ =	shalt  }
0x69: {  	_ =	shalt  }
0x6a: {  	_ =	shalt  }
0x6b: {  	_ =	shalt  }
0x6c: {  	_ =	shalt  }
0x6d: {  	_ =	shalt  }
0x6e: {  	_ =	shalt  }
0x6f: {  	_ =	shalt  }
0x70: {  	_ =	shalt  }
0x71: {  	_ =	shalt  }
0x72: {  	_ =	shalt  }
0x73: {  	_ =	shalt  }
0x74: {  	_ =	shalt  }
0x75: {  	_ =	shalt  }
0x76: {  	_ =	shalt  }
0x77: {  	_ =	shalt  }
0x78: {  	_ =	shalt  }
0x79: {  	_ =	shalt  }
0x7a: {  	_ =	shalt  }
0x7b: {  	_ =	shalt  }
0x7c: {  	_ =	shalt  }
0x7d: {  	_ =	shalt  }
0x7e: {  	_ =	shalt  }
0x7f: {  	_ =	shalt  }
0x80: {  	_ =	shalt  }
0x81: {  	_ =	shalt  }
0x82: {  	_ =	shalt  }
0x83: {  	_ =	shalt  }
0x84: {  	_ =	shalt  }
0x85: {  	_ =	shalt  }
0x86: {  	_ =	shalt  }
0x87: {  	_ =	shalt  }
.Lfunc_end0:
.L_simem_size_0:
called_computation_lowered:
.L_overlay_start_0:
0x88: {  	s2 =	sld [smem:$0x3FD9]  }
0x89: {  	s3 =	sld [smem:$0x3FFE];
	_ =	sdelay $0x1  }
0x8a: {  	s1 =	srdreg.scid  }
0x8b: {  	s0 =	sand.u32 $0x1, s1  }
0x8c: {  	s17 =	sshll.u32 s0, $0xA;
	s2 =	sadd.s32 s3, s2  }
0x8d: {  	s2 =	sadd.s32 s2, s17  }
0x8e: {  	[smem:$0x3FBA] =	sst s2  }
0x8f: {  	_ = 	snop  }
0x90: {  	s2 =	sld [smem:$0x3FD0];
	(tm) =	ssettm $0x1  }
0x91: {  	s18 =	sld [smem:$0x3FFB];
	_ =	sdelay $0x3  }
0x92: {  	_ =	strace s18  }
0x93: {  	s3 =	sld [smem:$0x3FFC];
	_ =	sdelay $0x3  }
0x94: {  	_ =	strace s3  }
0x95: {  	s3 =	sld [smem:$0x3FFD];
	_ =	sdelay $0x3  }
0x96: {  	_ =	strace s3  }
0x97: {  	_ =	strace $0x8FFFFFFF  }
0x98: {  	s19 =	sld [smem:$0x3FDB];
	_ =	sdelay $0x1  }
0x99: {  	s4 =	simm.s32 $_scs_section_size  }
0x9a: {  	s5 =	simm.s32 $_size__tile_overlayer_lowered;
	s6 =	simm.s32 $_tile_overlayer_lowered  }
0x9b: {  	s22 =	simm.s32 $0x1BFF;
	s21 =	sshll.u32 s6, $0x1;
	s3 =	sadd.s32 s4, s19  }
0x9c: {  	s7 =	simm.s32 $0x0;
	s20 =	sshll.u32 s5, $0x1;
	s5 =	sadd.s32 s21, s3  }
0x9d: {  	[timem:s7], [sflag:s22] =	dma.local [hbm:s5], s20  }
0x9e: {  	_ =	swait.ge [sflag:s22], s20  }
0x9f: {  	s4 =	ssub.s32 $0x0, s20;
	[sflag:s22] =	ssyncset.done $0x0  }
0xa0: {  	[sflag:s22] =	ssyncadd.s32 s4;
	_ =	sdelay $0x1  }
0xa1: {  	s23 =	simm.s32 $0x1B8B  }
0xa2: {  	_ =	swait.ge [sflag:s23], $0x1  }
0xa3: {  	[sflag:s23] =	ssyncset.done $0x0  }
0xa4: {  	s25 =	simm.s32 $0x1B8E;
	s24 =	sld [smem:$0x3FFE];
	[sflag:s23] =	ssyncadd.s32 $0xFFFFFFFF  }
0xa5: {  	s26 =	simm.s32 $execute0_lowered;
	[smem:$0x3FD2] =	sst s25  }
0xa6: {  	s5 =	sshll.u32 s26, $0x1;
	_ =	strace $0x80000046;
	[dreg:$0x1] =	wrdreg $0xFFFFFFFF  }
0xa7: {  	s28 =	simm.s32 $_size_execute0_lowered;
	s3 =	sadd.s32 s3, s5;
	[dreg:$0x0] =	wrdreg $0x0  }
0xa8: {  	s5 =	sshll.u32 s28, $0x1;
	[dreg:$0x2] =	wrdreg s3  }
0xa9: {  	[dreg:$0x3] =	wrdreg s5  }
0xaa: {  	[dreg:$0x4] =	wrdreg $0xC0  }
0xab: {  	_ =	task [dreg:s7], $0x5FFFF  }
0xac: {  	[dreg:$0x1] =	wrdreg $0xFFFFFFFF  }
0xad: {  	[dreg:$0x0] =	wrdreg $0x60  }
0xae: {  	[dreg:$0x2] =	wrdreg s24  }
0xaf: {  	[dreg:$0x3] =	wrdreg s2  }
0xb0: {  	[dreg:$0x4] =	wrdreg $0x9  }
0xb1: {  	_ =	task.clear_ibuf [dreg:s7], $0x5FFFF;
	_ =	strace $0x90000046  }
0xb2: {  	s29 =	simm.s32 $0x9;
	_ =	strace $0x80000048  }
0xb3: {  	_ =	swait.ge [sflag:s29], $0x1  }
0xb4: {  	[sflag:s29] =	ssyncadd.s32 $0xFFFFFFFF  }
0xb5: {  	_ =	strace $0x90000048  }
0xb6: {  	_ =	sfence  }
0xb7: {  	s30 =	sld [smem:$0x0];
	_ =	sdelay $0x2  }
0xb8: {  	s31 =	sshll.u32 s1, $0xD;
	s1 =	sshrl.u32 s1, $0x2  }
0xb9: {  	s3 =	sand.u32 $0x4000, s31;
	s1 =	sadd.s32 s1, s30  }
0xba: {  	s0 =	sor.u32 s3, s0;
	s1 =	sshll.u32 s1, $0x11  }
0xbb: {  	s0 =	sor.u32 s1, s0  }
0xbc: {  	s0 =	sadd.s32 $0x8F2B, s0  }
0xbd: {  	[sflag:s0] =	ssyncadd.remote.s32 $0x1  }
0xbe: {  	_ =	sfence.sel $0xFFFF  }
0xbf: {  	[dreg:$0x0] =	wrdreg $0xFFFFFFFF;
	(pc) =	sbr.abs _section_cstart, $3  }
0xc0: {  	[dreg:$0x1] =	wrdreg $0xFFFFFFFF  }
0xc1: {  	_ =	task.clear_ibuf [dreg:s7], $0x2FFFF;
	_ =	strace $0x9FFFFFFF  }
0xc2: {  	(tm) =	ssettm $0x7FFFFFFF  }
0xc3: {  	_ =	shalt  }
tec
execute0_lowered:
.L_overlay_start_1:
0x0: {  	(tag) =	ssettag $0x1  }
0x1: {  	s0 =	rddreg [dreg:$0x0]  }
0x2: {  	s1 =	rddreg [dreg:$0x1]  }
0x3: {  	s2 =	srdreg.scid;
	s3 =	simm.s32 $0x0;
	s14 =	stileid.u32  }
0x4: {  	s28 =	simm.s32 $0x2;
	s29 =	simm.s32 $0x4200;
	s30 =	simm.s32 $0xC200  }
0x5: {  	s31 =	simm.s32 $0x4;
	s2 =	sand.u32 $0x1, s2;
	[smem:$0x7FF] =	sst s3  }
0x6: {  	s4 =	sadd.s32 $0xF200, s0;
	s25 =	smul.u32 $0x29000, s14;
	s5 =	sshll.u32 s2, $0x4  }
0x7: {  	s6 =	sadd.s32 $0x4E00, s0;
	s21 =	smul.u32 $0x29000, s2;
	s7 =	sor.u32 s14, s5  }
0x8: {  	s10 =	sadd.s32 $0x5F200, s0;
	_ =	strace $0x80000047;
	s13 =	smul.u32 $0x29000, s7  }
0x9: {  	s8 =	ssub.s32 $0x2, s2;
	s2 =	smul.u32 $0x290000, s2;
	s5 =	sadd.s32 $0x37200, s0  }
0xa: {  	s0 =	sadd.s32 $0x57F200, s0;
	s9 =	smul.u32 $0x2900, s7;
	s18 =	sadd.s32 s10, s13  }
0xb: {  	s11 =	sshrl.u32 s8, $0x1;
	s19 =	sadd.s32 s0, s13;
	[dreg:$0xa] =	wrdreg s18  }
0xc: {  	s26 =	sshrl.u32 s9, $0x3;
	s9 =	sadd.s32 $0x200, s9;
	[dreg:$0xb] =	wrdreg s19  }
0xd: {  	s8 =	ssub.s32 s8, s11;
	s12 =	sadd.s32 s1, s26;
	[dreg:$0x3] =	wrdreg s9  }
0xe: {  	s16 =	sor.u32 $0x10, s26;
	s15 =	sadd.s32 s6, s26;
	[dreg:$0x6] =	wrdreg s12  }
0xf: {  	s7 =	smul.u32 $0x148000, s7;
	[dreg:$0x7] =	wrdreg s15;
	s17 =	sadd.s32 s1, s16  }
0x10: {  	s11 =	sadd.s32 $0x20, s26;
	s12 =	sadd.s32 s6, s16;
	[dreg:$0x8] =	wrdreg s17  }
0x11: {  	s7 =	sshrl.u32 s7, $0x3;
	s20 =	sadd.s32 s1, s11;
	[dreg:$0x9] =	wrdreg s12  }
0x12: {  	s7 =	sadd.s32 $0x28800, s7;
	s11 =	sadd.s32 s6, s11;
	[dreg:$0xc] =	wrdreg s20  }
0x13: {  	s26 =	sadd.s32 s2, s10;
	s22 =	sadd.s32 s10, s7;
	[dreg:$0xd] =	wrdreg s11  }
0x14: {  	s16 =	smul.u32 $0x2900, s14;
	[dreg:$0xe] =	wrdreg s22;
	s17 =	smax.u32 s8, $0x1  }
0x15: {  	s8 =	sadd.s32 s25, s26;
	s20 =	simm.s32 $0x100;
	s22 =	simm.s32 $0x180  }
0x16: {  	s26 =	simm.s32 $0x3;
	s23 =	sadd.s32 s16, s21;
	s16 =	sadd.s32 s0, s7  }
0x17: {  	s0 =	sadd.s32 s2, s0;
	[dreg:$0x4] =	wrdreg s8;
	s21 =	simm.s32 $0x80  }
0x18: {  	s2 =	simm.s32 $0x6;
	s24 =	sadd.s32 $0x180, s23;
	s0 =	sadd.s32 s25, s0  }
0x19: {  	s23 =	simm.s32 $0x1;
	s25 =	simm.s32 $0x8200;
	s7 =	sshrl.u32 s24, $0x3  }
0x1a: {  	[dreg:$0x5] =	wrdreg s0;
	s24 =	simm.s32 $0x200;
	s0 =	simm.s32 $0x5  }
0x1b: {  	s9 =	sadd.s32 s7, s6;
	s10 =	sadd.s32 s7, s1;
	s7 =	simm.s32 $0x0  }
.LBB2_1:
0x1c: {  	s8 =	rddreg [dreg:$0x6]  }
0x1d: {  	[tilespmem:s3], [sflag:$0x1] =	stream.linear.gather [hbm4b:s8+s3], $0x80, $0x38;
	[tilespmem:$0x10200] =	vst v63  }
0x1e: {  	s12 =	rddreg [dreg:$0x7]  }
0x1f: {  	[tilespmem:s20], [sflag:$0x1] =	stream.linear.gather [hbm4b:s12+s3], $0x80, $0x38;
	[tilespmem:$0x10200] =	vst v63  }
0x20: {  	s13 =	rddreg [dreg:$0x8]  }
0x21: {  	[tilespmem:s21], [sflag:$0x2] =	stream.linear.gather [hbm4b:s13+s3], $0x80, $0x38;
	[tilespmem:$0x10200] =	vst v63  }
0x22: {  	s14 =	rddreg [dreg:$0x9]  }
0x23: {  	[tilespmem:s22], [sflag:$0x2] =	stream.linear.gather [hbm4b:s14+s3], $0x80, $0x38;
	[tilespmem:$0x10200] =	vst v63  }
0x24: {  	_ =	swait.ge [sflag:s23], $0x80  }
0x25: {  	[sflag:s23] =	ssyncset.done $0x0  }
0x26: {  	[sflag:s23] =	ssyncadd.s32 $0xFFFFFF80  }
0x27: {  	_ =	swait.ge [sflag:s23], $0x80  }
0x28: {  	[sflag:s23] =	ssyncset.done $0x0  }
0x29: {  	[sflag:s23] =	ssyncadd.s32 $0xFFFFFF80  }
0x2a: {  	[tilespmem:s24], [sflag:$0x3] =	stream.indirect.gather [hbm4b:s4+s21], $0x80, s3, s21, $0xb8;
	[tilespmem:$0x10200] =	vst v63  }
0x2b: {  	_ = 	snop  }
0x2c: {  	[tilespmem:s25], [sflag:$0x3] =	stream.indirect.gather [hbm4b:s5+s21], $0x80, s20, s21, $0xb8;
	[tilespmem:$0x10200] =	vst v63  }
0x2d: {  	_ =	swait.ge [sflag:s26], $0x4000  }
0x2e: {  	[sflag:s26] =	ssyncset.done $0x0  }
0x2f: {  	[sflag:s26] =	ssyncadd.s32 $0xFFFFC000  }
0x30: {  	_ =	swait.ge [sflag:s26], $0x4000  }
0x31: {  	[sflag:s26] =	ssyncset.done $0x0  }
0x32: {  	[sflag:s26] =	ssyncadd.s32 $0xFFFFC000  }
0x33: {  	_ =	swait.ge [sflag:s28], $0x80  }
0x34: {  	[sflag:s28] =	ssyncset.done $0x0  }
0x35: {  	[sflag:s28] =	ssyncadd.s32 $0xFFFFFF80  }
0x36: {  	_ =	swait.ge [sflag:s28], $0x80  }
0x37: {  	[sflag:s28] =	ssyncset.done $0x0  }
0x38: {  	[sflag:s28] =	ssyncadd.s32 $0xFFFFFF80  }
0x39: {  	[tilespmem:s29], [sflag:$0x4] =	stream.indirect.gather [hbm4b:s4+s21], $0x80, s21, s21, $0xb8;
	[tilespmem:$0x10200] =	vst v63  }
0x3a: {  	_ = 	snop  }
0x3b: {  	[tilespmem:s30], [sflag:$0x4] =	stream.indirect.gather [hbm4b:s5+s21], $0x80, s22, s21, $0xb8;
	[tilespmem:$0x10200] =	vst v63  }
0x3c: {  	s15 =	rddreg [dreg:$0xa]  }
0x3d: {  	[hbm4b:s15+s3] =	stream.linear.scatter [tilespmem:s24], [sflag:$0x5], $0x4000, $0x38;
	[tilespmem:$0x10200] =	vst v63  }
0x3e: {  	s18 =	rddreg [dreg:$0xb]  }
0x3f: {  	[hbm4b:s18+s3] =	stream.linear.scatter [tilespmem:s25], [sflag:$0x5], $0x4000, $0x38;
	[tilespmem:$0x10200] =	vst v63  }
0x40: {  	s19 =	rddreg [dreg:$0xc]  }
0x41: {  	[tilespmem:s3], [sflag:$0x1] =	stream.linear.gather [hbm4b:s19+s3], $0x80, $0x38;
	[tilespmem:$0x10200] =	vst v63  }
0x42: {  	s11 =	rddreg [dreg:$0xd]  }
0x43: {  	[tilespmem:s20], [sflag:$0x1] =	stream.linear.gather [hbm4b:s11+s3], $0x80, $0x38;
	[tilespmem:$0x10200] =	vst v63  }
0x44: {  	_ =	swait.ge [sflag:s31], $0x4000  }
0x45: {  	[sflag:s31] =	ssyncset.done $0x0  }
0x46: {  	[sflag:s31] =	ssyncadd.s32 $0xFFFFC000  }
0x47: {  	_ =	swait.ge [sflag:s31], $0x4000  }
0x48: {  	[sflag:s31] =	ssyncset.done $0x0  }
0x49: {  	[sflag:s31] =	ssyncadd.s32 $0xFFFFC000  }
0x4a: {  	_ =	swait.ge [sflag:s23], $0x80  }
0x4b: {  	[sflag:s23] =	ssyncset.done $0x0  }
0x4c: {  	[sflag:s23] =	ssyncadd.s32 $0xFFFFFF80  }
0x4d: {  	_ =	swait.ge [sflag:s23], $0x80  }
0x4e: {  	[sflag:s23] =	ssyncset.done $0x0  }
0x4f: {  	[sflag:s23] =	ssyncadd.s32 $0xFFFFFF80  }
0x50: {  	_ =	swait.ge [sflag:s0], $0x4000  }
0x51: {  	[sflag:s0] =	ssyncset.done $0x0  }
0x52: {  	[sflag:s0] =	ssyncadd.s32 $0xFFFFC000  }
0x53: {  	_ =	swait.ge [sflag:s0], $0x4000  }
0x54: {  	[sflag:s0] =	ssyncset.done $0x0  }
0x55: {  	s12 =	rddreg [dreg:$0x4];
	[sflag:s0] =	ssyncadd.s32 $0xFFFFC000  }
0x56: {  	[tilespmem:s24], [sflag:$0x3] =	stream.indirect.gather [hbm4b:s4+s21], $0x80, s3, s21, $0xb8;
	[tilespmem:$0x10200] =	vst v63  }
0x57: {  	s11 =	rddreg [dreg:$0x5];
	s8 =	sadd.s32 $0x0, s12  }
0x58: {  	[tilespmem:s25], [sflag:$0x3] =	stream.indirect.gather [hbm4b:s5+s21], $0x80, s20, s21, $0xb8;
	[tilespmem:$0x10200] =	vst v63  }
0x59: {  	s11 =	sadd.s32 $0x0, s11;
	s12 =	sadd.s32 $0x800, s8  }
0x5a: {  	[hbm4b:s12+s3] =	stream.linear.scatter [tilespmem:s29], [sflag:$0x6], $0x4000, $0x38;
	[tilespmem:$0x10200] =	vst v63  }
0x5b: {  	s13 =	sadd.s32 $0x800, s11  }
0x5c: {  	[hbm4b:s13+s3] =	stream.linear.scatter [tilespmem:s30], [sflag:$0x6], $0x4000, $0x38;
	[tilespmem:$0x10200] =	vst v63  }
0x5d: {  	_ = 	snop  }
0x5e: {  	[tilespmem:s21], [sflag:$0x2] =	stream.linear.gather [hbm4b:s10+s3], $0x80, $0x38;
	[tilespmem:$0x10200] =	vst v63  }
0x5f: {  	_ = 	snop  }
0x60: {  	[tilespmem:s22], [sflag:$0x2] =	stream.linear.gather [hbm4b:s9+s3], $0x80, $0x38;
	[tilespmem:$0x10200] =	vst v63  }
0x61: {  	_ =	swait.ge [sflag:s26], $0x4000  }
0x62: {  	[sflag:s26] =	ssyncset.done $0x0  }
0x63: {  	[sflag:s26] =	ssyncadd.s32 $0xFFFFC000  }
0x64: {  	_ =	swait.ge [sflag:s26], $0x4000  }
0x65: {  	[sflag:s26] =	ssyncset.done $0x0  }
0x66: {  	[sflag:s26] =	ssyncadd.s32 $0xFFFFC000  }
0x67: {  	_ =	swait.ge [sflag:s28], $0x80  }
0x68: {  	[sflag:s28] =	ssyncset.done $0x0  }
0x69: {  	[sflag:s28] =	ssyncadd.s32 $0xFFFFFF80  }
0x6a: {  	_ =	swait.ge [sflag:s28], $0x80  }
0x6b: {  	[sflag:s28] =	ssyncset.done $0x0  }
0x6c: {  	[sflag:s28] =	ssyncadd.s32 $0xFFFFFF80  }
0x6d: {  	_ =	swait.ge [sflag:s2], $0x4000  }
0x6e: {  	[sflag:s2] =	ssyncset.done $0x0  }
0x6f: {  	[sflag:s2] =	ssyncadd.s32 $0xFFFFC000  }
0x70: {  	_ =	swait.ge [sflag:s2], $0x4000  }
0x71: {  	[sflag:s2] =	ssyncset.done $0x0  }
0x72: {  	s18 =	smin.u32 s3, $0x4D;
	[sflag:s2] =	ssyncadd.s32 $0xFFFFC000  }
0x73: {  	[tilespmem:s29], [sflag:$0x4] =	stream.indirect.gather [hbm4b:s4+s21], $0x80, s21, s21, $0xb8;
	[tilespmem:$0x10200] =	vst v63  }
0x74: {  	s18 =	sshll.u32 s18, $0x7;
	s14 =	rddreg [dreg:$0x3]  }
0x75: {  	[tilespmem:s30], [sflag:$0x4] =	stream.indirect.gather [hbm4b:s5+s21], $0x80, s22, s21, $0xb8;
	[tilespmem:$0x10200] =	vst v63  }
0x76: {  	s8 =	sadd.s32 $0x1000, s8;
	s12 =	sadd.s32 s18, s14  }
0x77: {  	[hbm4b:s8+s3] =	stream.linear.scatter [tilespmem:s24], [sflag:$0x5], $0x4000, $0x38;
	[tilespmem:$0x10200] =	vst v63  }
0x78: {  	s15 =	sadd.s32 $0x1000, s11;
	s18 =	sshrl.u32 s12, $0x3  }
0x79: {  	[hbm4b:s15+s3] =	stream.linear.scatter [tilespmem:s25], [sflag:$0x5], $0x4000, $0x38;
	[tilespmem:$0x10200] =	vst v63  }
0x7a: {  	s11 =	simm.s32 $0x0;
	s19 =	sadd.s32 s1, s18;
	s12 =	sadd.s32 s6, s18  }
0x7b: {  	[tilespmem:s3], [sflag:$0x1] =	stream.linear.gather [hbm4b:s19+s3], $0x80, $0x38;
	[tilespmem:$0x10200] =	vst v63  }
0x7c: {  	s18 =	smov.u32 s9;
	s8 =	simm.s32 $0x1000;
	s19 =	smov.u32 s10  }
.LBB2_2:
0x7d: {  	[tilespmem:s20], [sflag:$0x1] =	stream.linear.gather [hbm4b:s12+s3], $0x80, $0x38;
	[tilespmem:$0x10200] =	vst v63  }
0x7e: {  	_ =	swait.ge [sflag:s31], $0x4000  }
0x7f: {  	[sflag:s31] =	ssyncset.done $0x0  }
0x80: {  	[sflag:s31] =	ssyncadd.s32 $0xFFFFC000  }
0x81: {  	_ =	swait.ge [sflag:s31], $0x4000  }
0x82: {  	[sflag:s31] =	ssyncset.done $0x0  }
0x83: {  	[sflag:s31] =	ssyncadd.s32 $0xFFFFC000  }
0x84: {  	_ =	swait.ge [sflag:s23], $0x80  }
0x85: {  	[sflag:s23] =	ssyncset.done $0x0  }
0x86: {  	[sflag:s23] =	ssyncadd.s32 $0xFFFFFF80  }
0x87: {  	_ =	swait.ge [sflag:s23], $0x80  }
0x88: {  	[sflag:s23] =	ssyncset.done $0x0  }
0x89: {  	[sflag:s23] =	ssyncadd.s32 $0xFFFFFF80  }
0x8a: {  	_ =	swait.ge [sflag:s0], $0x4000  }
0x8b: {  	[sflag:s0] =	ssyncset.done $0x0  }
0x8c: {  	[sflag:s0] =	ssyncadd.s32 $0xFFFFC000  }
0x8d: {  	_ =	swait.ge [sflag:s0], $0x4000  }
0x8e: {  	[sflag:s0] =	ssyncset.done $0x0  }
0x8f: {  	s13 =	smov.u32 s8;
	s15 =	rddreg [dreg:$0x4];
	[sflag:s0] =	ssyncadd.s32 $0xFFFFC000  }
0x90: {  	[tilespmem:s24], [sflag:$0x3] =	stream.indirect.gather [hbm4b:s4+s21], $0x80, s3, s21, $0xb8;
	[tilespmem:$0x10200] =	vst v63  }
0x91: {  	s14 =	rddreg [dreg:$0x5];
	s12 =	sadd.s32 s13, s15  }
0x92: {  	[tilespmem:s25], [sflag:$0x3] =	stream.indirect.gather [hbm4b:s5+s21], $0x80, s20, s21, $0xb8;
	[tilespmem:$0x10200] =	vst v63  }
0x93: {  	s13 =	sadd.s32 s13, s14;
	s15 =	sadd.s32 $0x800, s12  }
0x94: {  	[hbm4b:s15+s3] =	stream.linear.scatter [tilespmem:s29], [sflag:$0x6], $0x4000, $0x38;
	[tilespmem:$0x10200] =	vst v63  }
0x95: {  	s14 =	sadd.s32 $0x800, s13  }
0x96: {  	[hbm4b:s14+s3] =	stream.linear.scatter [tilespmem:s30], [sflag:$0x6], $0x4000, $0x38;
	[tilespmem:$0x10200] =	vst v63  }
0x97: {  	s19 =	sadd.s32 $0x20, s19  }
0x98: {  	[tilespmem:s21], [sflag:$0x2] =	stream.linear.gather [hbm4b:s19+s3], $0x80, $0x38;
	[tilespmem:$0x10200] =	vst v63  }
0x99: {  	s18 =	sadd.s32 $0x20, s18  }
0x9a: {  	[tilespmem:s22], [sflag:$0x2] =	stream.linear.gather [hbm4b:s18+s3], $0x80, $0x38;
	[tilespmem:$0x10200] =	vst v63  }
0x9b: {  	_ =	swait.ge [sflag:s26], $0x4000  }
0x9c: {  	[sflag:s26] =	ssyncset.done $0x0  }
0x9d: {  	[sflag:s26] =	ssyncadd.s32 $0xFFFFC000  }
0x9e: {  	_ =	swait.ge [sflag:s26], $0x4000  }
0x9f: {  	[sflag:s26] =	ssyncset.done $0x0  }
0xa0: {  	[sflag:s26] =	ssyncadd.s32 $0xFFFFC000  }
0xa1: {  	_ =	swait.ge [sflag:s28], $0x80  }
0xa2: {  	[sflag:s28] =	ssyncset.done $0x0  }
0xa3: {  	[sflag:s28] =	ssyncadd.s32 $0xFFFFFF80  }
0xa4: {  	_ =	swait.ge [sflag:s28], $0x80  }
0xa5: {  	[sflag:s28] =	ssyncset.done $0x0  }
0xa6: {  	[sflag:s28] =	ssyncadd.s32 $0xFFFFFF80  }
0xa7: {  	_ =	swait.ge [sflag:s2], $0x4000  }
0xa8: {  	[sflag:s2] =	ssyncset.done $0x0  }
0xa9: {  	[sflag:s2] =	ssyncadd.s32 $0xFFFFC000  }
0xaa: {  	_ =	swait.ge [sflag:s2], $0x4000  }
0xab: {  	[sflag:s2] =	ssyncset.done $0x0  }
0xac: {  	s11 =	sadd.s32 $0x2, s11;
	[sflag:s2] =	ssyncadd.s32 $0xFFFFC000  }
0xad: {  	[tilespmem:s29], [sflag:$0x4] =	stream.indirect.gather [hbm4b:s4+s21], $0x80, s21, s21, $0xb8;
	[tilespmem:$0x10200] =	vst v63  }
0xae: {  	p0 =	sne.s32 s8, $0x27000;
	s15 =	smin.u32 s11, $0x4D  }
0xaf: {  	[tilespmem:s30], [sflag:$0x4] =	stream.indirect.gather [hbm4b:s5+s21], $0x80, s22, s21, $0xb8;
	[tilespmem:$0x10200] =	vst v63  }
0xb0: {  	s12 =	sadd.s32 $0x1000, s12;
	s15 =	sshll.u32 s15, $0x7;
	s14 =	rddreg [dreg:$0x3]  }
0xb1: {  	[hbm4b:s12+s3] =	stream.linear.scatter [tilespmem:s24], [sflag:$0x5], $0x4000, $0x38;
	[tilespmem:$0x10200] =	vst v63  }
.Ltmp0:
0xb2: {  	s14 =	sadd.s32 s15, s14;
	(pc) =	sbr.rel @p0 .LBB2_2-.Ltmp0, $4  }
0xb3: {  	s13 =	sadd.s32 $0x1000, s13;
	s14 =	sshrl.u32 s14, $0x3  }
0xb4: {  	[hbm4b:s13+s3] =	stream.linear.scatter [tilespmem:s25], [sflag:$0x5], $0x4000, $0x38;
	[tilespmem:$0x10200] =	vst v63  }
0xb5: {  	s8 =	sadd.s32 $0x1000, s8;
	s15 =	sadd.s32 s1, s14;
	s12 =	sadd.s32 s6, s14  }
0xb6: {  	[tilespmem:s3], [sflag:$0x1] =	stream.linear.gather [hbm4b:s15+s3], $0x80, $0x38;
	[tilespmem:$0x10200] =	vst v63  }
0xb7: {  	[tilespmem:s20], [sflag:$0x1] =	stream.linear.gather [hbm4b:s12+s3], $0x80, $0x38;
	[tilespmem:$0x10200] =	vst v63  }
0xb8: {  	_ =	swait.ge [sflag:s31], $0x4000  }
0xb9: {  	[sflag:s31] =	ssyncset.done $0x0  }
0xba: {  	[sflag:s31] =	ssyncadd.s32 $0xFFFFC000  }
0xbb: {  	_ =	swait.ge [sflag:s31], $0x4000  }
0xbc: {  	[sflag:s31] =	ssyncset.done $0x0  }
0xbd: {  	[sflag:s31] =	ssyncadd.s32 $0xFFFFC000  }
0xbe: {  	_ =	swait.ge [sflag:s0], $0x4000  }
0xbf: {  	[sflag:s0] =	ssyncset.done $0x0  }
0xc0: {  	[sflag:s0] =	ssyncadd.s32 $0xFFFFC000  }
0xc1: {  	_ =	swait.ge [sflag:s0], $0x4000  }
0xc2: {  	[sflag:s0] =	ssyncset.done $0x0  }
0xc3: {  	s8 =	rddreg [dreg:$0xe];
	[sflag:s0] =	ssyncadd.s32 $0xFFFFC000  }
0xc4: {  	[hbm4b:s8+s3] =	stream.linear.scatter [tilespmem:s29], [sflag:$0x6], $0x4000, $0x38;
	[tilespmem:$0x10200] =	vst v63  }
0xc5: {  	_ = 	snop  }
0xc6: {  	[hbm4b:s16+s3] =	stream.linear.scatter [tilespmem:s30], [sflag:$0x6], $0x4000, $0x38;
	[tilespmem:$0x10200] =	vst v63  }
0xc7: {  	_ =	swait.ge [sflag:s2], $0x4000  }
0xc8: {  	[sflag:s2] =	ssyncset.done $0x0  }
0xc9: {  	[sflag:s2] =	ssyncadd.s32 $0xFFFFC000  }
0xca: {  	_ =	swait.ge [sflag:s2], $0x4000  }
0xcb: {  	[sflag:s2] =	ssyncset.done $0x0  }
0xcc: {  	s7 =	sadd.s32 $0x1, s7;
	[sflag:s2] =	ssyncadd.s32 $0xFFFFC000  }
0xcd: {  	p0 =	sne.s32 s7, s17;
	_ =	swait.ge [sflag:s23], $0x80  }
.Ltmp1:
0xce: {  	[sflag:s23] =	ssyncset.done $0x0;
	(pc) =	sbr.rel @p0 .LBB2_1-.Ltmp1, $4  }
0xcf: {  	[sflag:s23] =	ssyncadd.s32 $0xFFFFFF80  }
0xd0: {  	_ =	swait.ge [sflag:s23], $0x80  }
0xd1: {  	[sflag:s23] =	ssyncset.done $0x0  }
0xd2: {  	[sflag:s23] =	ssyncadd.s32 $0xFFFFFF80  }
0xd3: {  	_ =	sfence.sel $0x180000  }
0xd4: {  	[bflag:$0x0] =	sbarrier.arrive $0xFFFF  }
0xd5: {  	_ =	strace $0x90000047  }
0xd6: {  	s0 =	stileid.u32;
	[bflag:$0x2] =	sbarrier.arrive $0xFFFF  }
0xd7: {  	p0 =	sne.s32 s0, $0x0;
	s0 =	rddreg [dreg:$0x2]  }
0xd8: {  	s0 =	sadd.s32 @!p0 $0x100000, s0  }
0xd9: {  	[sflag:s0] =	ssyncadd.tile.s32 @!p0 $0x1;
	_ =	shalt  }
.Lfunc_end2:
_tile_overlayer_lowered:
.L_overlay_start_2:
0xda: {  	(tag) =	ssettag $0x2  }
0xdb: {  	s0 =	rddreg [dreg:$0x0];
	s2 =	stileid.u32  }
0xdc: {  	s1 =	rddreg [dreg:$0x1];
	p0 =	sne.s32 s2, $0x0  }
0xdd: {  	s3 =	rddreg [dreg:$0x2];
	[bflag:$0x3] =	sbarrier.arrive $0xFFFF;
	s2 =	simm.s32 @!p0 $0x1C07  }
0xde: {  	[timem:s3], [sflag:s2] =	dma.local @!p0 [hbm:s0], s1  }
0xdf: {  	s0 =	simm.s32 @!p0 $0x7  }
0xe0: {  	_ =	swait.ge @!p0 [sflag:s0], s1  }
0xe1: {  	s1 =	ssub.s32 @!p0 $0x0, s1;
	[sflag:s0] =	ssyncset.done @!p0 $0x0  }
0xe2: {  	[sflag:s0] =	ssyncadd.s32 @!p0 s1  }
0xe3: {  	[bflag:$0x3] =	sbarrier.arrive $0xFFFF  }
0xe4: {  	_ =	shalt  }

// kernel: kernel.14.cloned.1.call-start
scs
__scs_entry_jumppad:
0x0: {  	(pc) =	sbr.rel $0x88, $3  }
0x1: {  	(tag) =	ssettag $0x0;
	lr =	simm.s32 $0x1  }
0x2: {  	[smem:$0x3F93] =	sst lr;
	_ =	strace $0xD0000000  }
0x3: {  	_ = 	snop  }
0x4: {  	_ = 	snop  }
0x5: {  	_ = 	snop  }
0x6: {  	_ = 	snop  }
0x7: {  	_ = 	snop  }
__scs_overlays_trampoline_lowered:
0x8: {  	[smem:$0x3FA2] =	sst s0  }
0x9: {  	[smem:$0x3FA3] =	sst s1  }
0xa: {  	[smem:$0x3FA4] =	sst s2  }
0xb: {  	[smem:$0x3FA5] =	sst s3  }
0xc: {  	[smem:$0x3FA6] =	sst s4  }
0xd: {  	[smem:$0x3FA7] =	sst s5  }
0xe: {  	[smem:$0x3FA8] =	sst s6  }
0xf: {  	[smem:$0x3FA9] =	sst s7  }
0x10: {  	[smem:$0x3FAA] =	sst s8  }
0x11: {  	[smem:$0x3FAB] =	sst s9;
	s0 =	simm.s32 @!p0 $0x0  }
0x12: {  	s1 =	sld [smem:$0x3F91];
	s0 =	simm.s32 @p0 $0x1  }
0x13: {  	[smem:$0x3FAC] =	sst s0;
	s0 =	simm.s32 @!p1 $0x0  }
0x14: {  	s2 =	sld [smem:$0x3F90];
	s0 =	simm.s32 @p1 $0x1  }
0x15: {  	[smem:$0x3FAD] =	sst s0;
	s0 =	simm.s32 @!p2 $0x0  }
0x16: {  	s3 =	sld [smem:$0x3FDB];
	s0 =	simm.s32 @p2 $0x1  }
0x17: {  	s4 =	simm.s32 $0x1BF5;
	[smem:$0x3FAF] =	sst s0  }
0x18: {  	s0 =	sld [smem:$0x3F92];
	_ =	swait.ge [sflag:s4], $0x0  }
0x19: {  	s7 =	sld [smem:$0x3F93]  }
0x1a: {  	s8 =	sadd.s32 $0xFFFFE003, lr  }
0x1b: {  	s9 =	sadd.s32 $0xFFFFFEF7, lr;
	s5 =	simm.s32 $0xFFFFFFFF;
	p2 =	slt.u32 s8, $0xFFFFF086  }
0x1c: {  	p1 =	slt.u32 s9, $0xF7A;
	s5 =	simm.s32 @!p2 $0x0  }
0x1d: {  	s5 =	simm.s32 @p1 $0x1;
	p0 =	seq.s32 s7, s2  }
0x1e: {  	s7 =	smul.u32 @!p0 $0xF7A, s2;
	p2 =	seq.s32 @!p0 s5, $0x0  }
0x1f: {  	s9 =	smul.u32 $0xF7A, s1;
	s8 =	simm.s32 @!p0 $0x1BF5;
	p2 =	por !p2, p0  }
0x20: {  	[sflag:s8] =	ssyncset.s32 @!p0 $0xFFFFF086;
	s6 =	sadd.s32 @!p0 s3, s7;
	s7 =	simm.s32 @!p0 $0x108  }
0x21: {  	s3 =	sadd.s32 s3, s9;
	s6 =	sadd.s32 @!p0 $0x88, s6;
	s7 =	simm.s32 @p2 $0x1082  }
0x22: {  	[simem:s7], [sflag:s8] =	dma.local @!p0 [hbm:s6], $0xF7A  }
0x23: {  	s9 =	sor.u32 $0xD0000000, s2;
	s6 =	simm.s32 $0x108;
	_ =	swait.ge @!p0 [sflag:s8], $0x0  }
0x24: {  	s3 =	sadd.s32 $0x88, s3;
	s6 =	simm.s32 @!p1 $0x1082;
	[sflag:s4] =	ssyncset.s32 $0xFFFFF086  }
0x25: {  	[simem:s6], [sflag:s4] =	dma.local [hbm:s3], $0xF7A  }
0x26: {  	[smem:$0x3F93] =	sst s1;
	(tag) =	ssettag s2;
	_ =	strace s9  }
0x27: {  	s1 =	sld [smem:$0x3FA3]  }
0x28: {  	s2 =	sld [smem:$0x3FA4]  }
0x29: {  	s4 =	sld [smem:$0x3FA6]  }
0x2a: {  	p0 =	seq.s32 s5, $0x0;
	s5 =	sld [smem:$0x3FA7]  }
0x2b: {  	s6 =	sld [smem:$0x3FA8]  }
0x2c: {  	s7 =	sld [smem:$0x3FA9]  }
0x2d: {  	s3 =	simm.s32 $0x108;
	s8 =	sld [smem:$0x3FAA]  }
0x2e: {  	s3 =	simm.s32 @!p0 $0x1082;
	s9 =	sld [smem:$0x3FAB]  }
0x2f: {  	lr =	sadd.s32 s0, s3;
	s0 =	sld [smem:$0x3FA2]  }
0x30: {  	s3 =	sld [smem:$0x3FA5]  }
0x31: {  	[smem:$0x3FAE] =	sst s10  }
0x32: {  	s10 =	sld [smem:$0x3FAC];
	_ =	sdelay $0x3  }
0x33: {  	p0 =	seq.s32 s10, $0x1;
	s10 =	sld [smem:$0x3FAE];
	_ =	sdelay $0x3  }
0x34: {  	[smem:$0x3FAE] =	sst s10  }
0x35: {  	s10 =	sld [smem:$0x3FAD];
	_ =	sdelay $0x3  }
0x36: {  	p1 =	seq.s32 s10, $0x1;
	s10 =	sld [smem:$0x3FAE];
	_ =	sdelay $0x3  }
0x37: {  	[smem:$0x3FAE] =	sst s10  }
0x38: {  	s10 =	sld [smem:$0x3FAF]  }
0x39: {  	_ = 	snop;
	(pc) =	sbr.ind lr, $3  }
0x3a: {  	_ = 	snop  }
0x3b: {  	_ = 	snop  }
0x3c: {  	p2 =	seq.s32 s10, $0x1;
	s10 =	sld [smem:$0x3FAE]  }
0x3d: {  	_ =	shalt  }
0x3e: {  	_ =	shalt  }
0x3f: {  	_ =	shalt  }
0x40: {  	_ =	shalt  }
0x41: {  	_ =	shalt  }
0x42: {  	_ =	shalt  }
0x43: {  	_ =	shalt  }
0x44: {  	_ =	shalt  }
0x45: {  	_ =	shalt  }
0x46: {  	_ =	shalt  }
0x47: {  	_ =	shalt  }
0x48: {  	_ =	shalt  }
0x49: {  	_ =	shalt  }
0x4a: {  	_ =	shalt  }
0x4b: {  	_ =	shalt  }
0x4c: {  	_ =	shalt  }
0x4d: {  	_ =	shalt  }
0x4e: {  	_ =	shalt  }
0x4f: {  	_ =	shalt  }
0x50: {  	_ =	shalt  }
0x51: {  	_ =	shalt  }
0x52: {  	_ =	shalt  }
0x53: {  	_ =	shalt  }
0x54: {  	_ =	shalt  }
0x55: {  	_ =	shalt  }
0x56: {  	_ =	shalt  }
0x57: {  	_ =	shalt  }
0x58: {  	_ =	shalt  }
0x59: {  	_ =	shalt  }
0x5a: {  	_ =	shalt  }
0x5b: {  	_ =	shalt  }
0x5c: {  	_ =	shalt  }
0x5d: {  	_ =	shalt  }
0x5e: {  	_ =	shalt  }
0x5f: {  	_ =	shalt  }
0x60: {  	_ =	shalt  }
0x61: {  	_ =	shalt  }
0x62: {  	_ =	shalt  }
0x63: {  	_ =	shalt  }
0x64: {  	_ =	shalt  }
0x65: {  	_ =	shalt  }
0x66: {  	_ =	shalt  }
0x67: {  	_ =	shalt  }
0x68: {  	_ =	shalt  }
0x69: {  	_ =	shalt  }
0x6a: {  	_ =	shalt  }
0x6b: {  	_ =	shalt  }
0x6c: {  	_ =	shalt  }
0x6d: {  	_ =	shalt  }
0x6e: {  	_ =	shalt  }
0x6f: {  	_ =	shalt  }
0x70: {  	_ =	shalt  }
0x71: {  	_ =	shalt  }
0x72: {  	_ =	shalt  }
0x73: {  	_ =	shalt  }
0x74: {  	_ =	shalt  }
0x75: {  	_ =	shalt  }
0x76: {  	_ =	shalt  }
0x77: {  	_ =	shalt  }
0x78: {  	_ =	shalt  }
0x79: {  	_ =	shalt  }
0x7a: {  	_ =	shalt  }
0x7b: {  	_ =	shalt  }
0x7c: {  	_ =	shalt  }
0x7d: {  	_ =	shalt  }
0x7e: {  	_ =	shalt  }
0x7f: {  	_ =	shalt  }
0x80: {  	_ =	shalt  }
0x81: {  	_ =	shalt  }
0x82: {  	_ =	shalt  }
0x83: {  	_ =	shalt  }
0x84: {  	_ =	shalt  }
0x85: {  	_ =	shalt  }
0x86: {  	_ =	shalt  }
0x87: {  	_ =	shalt  }
.Lfunc_end0:
.L_simem_size_0:
called_computation.1_lowered:
.L_overlay_start_0:
0x88: {  	s2 =	sld [smem:$0x3FD9]  }
0x89: {  	s3 =	sld [smem:$0x3FFE];
	_ =	sdelay $0x1  }
0x8a: {  	s1 =	srdreg.scid  }
0x8b: {  	s0 =	sand.u32 $0x1, s1  }
0x8c: {  	s16 =	sshll.u32 s0, $0xA;
	s2 =	sadd.s32 s3, s2  }
0x8d: {  	s2 =	sadd.s32 s2, s16  }
0x8e: {  	[smem:$0x3FBA] =	sst s2  }
0x8f: {  	_ = 	snop  }
0x90: {  	(tm) =	ssettm $0x1  }
0x91: {  	s17 =	sld [smem:$0x3FFB];
	_ =	sdelay $0x3  }
0x92: {  	_ =	strace s17  }
0x93: {  	s2 =	sld [smem:$0x3FFC];
	_ =	sdelay $0x3  }
0x94: {  	_ =	strace s2  }
0x95: {  	s2 =	sld [smem:$0x3FFD];
	_ =	sdelay $0x3  }
0x96: {  	_ =	strace s2  }
0x97: {  	_ =	strace $0x8FFFFFFF  }
0x98: {  	s18 =	sld [smem:$0x3FDB];
	_ =	sdelay $0x1  }
0x99: {  	s19 =	simm.s32 $_scs_section_size  }
0x9a: {  	s4 =	simm.s32 $_size__tile_overlayer_lowered;
	s5 =	simm.s32 $_tile_overlayer_lowered  }
0x9b: {  	s22 =	simm.s32 $0x1BFF;
	s21 =	sshll.u32 s5, $0x1;
	s2 =	sadd.s32 s19, s18  }
0x9c: {  	s6 =	simm.s32 $0x0;
	s20 =	sshll.u32 s4, $0x1;
	s4 =	sadd.s32 s21, s2  }
0x9d: {  	[timem:s6], [sflag:s22] =	dma.local [hbm:s4], s20  }
0x9e: {  	_ =	swait.ge [sflag:s22], s20  }
0x9f: {  	s3 =	ssub.s32 $0x0, s20;
	[sflag:s22] =	ssyncset.done $0x0  }
0xa0: {  	[sflag:s22] =	ssyncadd.s32 s3;
	_ =	sdelay $0x1  }
0xa1: {  	s23 =	simm.s32 $0x1B8B  }
0xa2: {  	_ =	swait.ge [sflag:s23], $0x1  }
0xa3: {  	[sflag:s23] =	ssyncset.done $0x0  }
0xa4: {  	s25 =	simm.s32 $0x1B8E;
	s24 =	sld [smem:$0x3FFE];
	[sflag:s23] =	ssyncadd.s32 $0xFFFFFFFF  }
0xa5: {  	s26 =	simm.s32 $execute0_lowered;
	[smem:$0x3FD2] =	sst s25  }
0xa6: {  	s4 =	sshll.u32 s26, $0x1;
	_ =	strace $0x80000049;
	[dreg:$0x1] =	wrdreg $0xFFFFFFFF  }
0xa7: {  	s28 =	simm.s32 $_size_execute0_lowered;
	s2 =	sadd.s32 s2, s4;
	[dreg:$0x0] =	wrdreg $0x0  }
0xa8: {  	s4 =	sshll.u32 s28, $0x1;
	[dreg:$0x2] =	wrdreg s2  }
0xa9: {  	[dreg:$0x3] =	wrdreg s4  }
0xaa: {  	[dreg:$0x4] =	wrdreg $0xC0  }
0xab: {  	_ =	task [dreg:s6], $0x5FFFF  }
0xac: {  	[dreg:$0x1] =	wrdreg $0xFFFFFFFF  }
0xad: {  	[dreg:$0x0] =	wrdreg $0x60  }
0xae: {  	[dreg:$0x2] =	wrdreg s24  }
0xaf: {  	[dreg:$0x3] =	wrdreg $0xAA000  }
0xb0: {  	[dreg:$0x4] =	wrdreg $0x9  }
0xb1: {  	_ =	task.clear_ibuf [dreg:s6], $0x5FFFF;
	_ =	strace $0x90000049  }
0xb2: {  	s29 =	simm.s32 $0x9;
	_ =	strace $0x8000004B  }
0xb3: {  	_ =	swait.ge [sflag:s29], $0x1  }
0xb4: {  	[sflag:s29] =	ssyncadd.s32 $0xFFFFFFFF  }
0xb5: {  	_ =	strace $0x9000004B  }
0xb6: {  	_ =	sfence  }
0xb7: {  	s30 =	sld [smem:$0x0];
	_ =	sdelay $0x2  }
0xb8: {  	s31 =	sshll.u32 s1, $0xD;
	s1 =	sshrl.u32 s1, $0x2  }
0xb9: {  	s3 =	sand.u32 $0x4000, s31;
	s1 =	sadd.s32 s1, s30  }
0xba: {  	s0 =	sor.u32 s3, s0;
	s1 =	sshll.u32 s1, $0x11  }
0xbb: {  	s0 =	sor.u32 s1, s0  }
0xbc: {  	s0 =	sadd.s32 $0x8F2B, s0  }
0xbd: {  	[sflag:s0] =	ssyncadd.remote.s32 $0x1  }
0xbe: {  	_ =	sfence.sel $0xFFFF  }
0xbf: {  	[dreg:$0x0] =	wrdreg $0xFFFFFFFF;
	(pc) =	sbr.abs _section_cstart, $3  }
0xc0: {  	[dreg:$0x1] =	wrdreg $0xFFFFFFFF  }
0xc1: {  	_ =	task.clear_ibuf [dreg:s6], $0x2FFFF;
	_ =	strace $0x9FFFFFFF  }
0xc2: {  	(tm) =	ssettm $0x7FFFFFFF  }
0xc3: {  	_ =	shalt  }
tec
execute0_lowered:
.L_overlay_start_1:
0x0: {  	(tag) =	ssettag $0x1  }
0x1: {  	s0 =	rddreg [dreg:$0x0]  }
0x2: {  	s1 =	rddreg [dreg:$0x1]  }
0x3: {  	s2 =	srdreg.scid;
	s3 =	simm.s32 $0x0;
	s21 =	stileid.u32  }
0x4: {  	s28 =	simm.s32 $0x8180;
	s29 =	simm.s32 $0x1;
	s30 =	simm.s32 $0x8200  }
0x5: {  	s31 =	simm.s32 $0x2;
	s2 =	sand.u32 $0x1, s2;
	s11 =	smul.u32 $0x50000, s21  }
0x6: {  	[smem:$0x7FF] =	sst s3;
	s6 =	sshll.u32 s21, $0x7;
	s26 =	smul.u32 $0x2800, s21  }
0x7: {  	s4 =	sshll.u32 s2, $0x4;
	_ =	strace $0x8000004A;
	s7 =	smul.u32 $0x28000, s2  }
0x8: {  	s10 =	sand.u32 $0x380, s6;
	s6 =	sadd.s32 $0x4E00, s0;
	s2 =	ssub.s32 $0x2, s2  }
0x9: {  	s8 =	sor.u32 s21, s4;
	s4 =	sadd.s32 $0xA9F200, s0;
	s18 =	sshrl.u32 s2, $0x1  }
0xa: {  	s17 =	sshrl.u32 s11, $0x2;
	s2 =	ssub.s32 s2, s18;
	s18 =	smul.u32 $0x2900, s8  }
0xb: {  	s21 =	simm.s32 $0x100;
	s5 =	sshrl.u32 s8, $0x3;
	s8 =	smul.u32 $0x29000, s8  }
0xc: {  	s20 =	sadd.s32 s7, s0;
	s9 =	smul.u32 $0x14000, s5;
	s5 =	sadd.s32 $0xF200, s0  }
0xd: {  	s25 =	sadd.s32 $0x19600, s20;
	s20 =	smax.u32 s2, $0x1;
	s2 =	simm.s32 $0x0  }
0xe: {  	s14 =	sshrl.u32 s18, $0x3;
	s13 =	sadd.s32 s4, s8;
	s24 =	sadd.s32 $0x100, s18  }
0xf: {  	s16 =	sor.u32 s10, s9;
	s12 =	sadd.s32 s6, s14;
	s14 =	sadd.s32 s5, s14  }
0x10: {  	[dreg:$0x3] =	wrdreg s24;
	s24 =	sadd.s32 s26, s25;
	s25 =	simm.s32 $0x80  }
0x11: {  	s26 =	simm.s32 $0x4100;
	s7 =	sshrl.u32 s16, $0x3;
	s16 =	sor.u32 $0x80, s18  }
0x12: {  	s18 =	sadd.s32 $0x180, s18;
	s0 =	sadd.s32 s7, s0;
	s7 =	sadd.s32 s17, s1  }
0x13: {  	s23 =	sshrl.u32 s16, $0x3;
	s16 =	sshll.u32 s16, $0x4;
	s9 =	sadd.s32 $0x4000, s7  }
0x14: {  	s19 =	sadd.s32 $0x8000, s7;
	s22 =	sadd.s32 $0xC000, s7;
	s11 =	sadd.s32 $0x10000, s7  }
0x15: {  	s15 =	sadd.s32 s6, s23;
	s16 =	sadd.s32 s4, s16;
	[dreg:$0x4] =	wrdreg s9  }
0x16: {  	s17 =	sadd.s32 s5, s23;
	s23 =	simm.s32 $0x8100;
	[dreg:$0x5] =	wrdreg s19  }
0x17: {  	v0 =	vimm.f32 $0.0e+00;
	[dreg:$0x6] =	wrdreg s22;
	s19 =	sadd.s32 $0x69600, s0;
	s22 =	simm.s32 $0x3  }
.LBB2_1:
0x18: {  	s0 =	simm.s32 $0x0;
	s8 =	simm.s32 $0x200  }
.LBB2_2:
0x19: {  	p0 =	sne.s32 s8, $0xFE00;
	[tilespmem:s0+$0x170] =	vst v0  }
0x1a: {  	[tilespmem:s0+$0x100] =	vst v0  }
0x1b: {  	[tilespmem:s0+$0x110] =	vst v0  }
.Ltmp0:
0x1c: {  	[tilespmem:s0+$0x120] =	vst v0;
	(pc) =	sbr.rel @p0 .LBB2_2-.Ltmp0, $4  }
0x1d: {  	[tilespmem:s0+$0x130] =	vst v0  }
0x1e: {  	[tilespmem:s0+$0x140] =	vst v0  }
0x1f: {  	[tilespmem:s0+$0x150] =	vst v0  }
0x20: {  	[tilespmem:s0+$0x160] =	vst v0;
	s0 =	sshra.s32 s8, $0x2;
	s8 =	sadd.s32 $0x200, s8  }
0x21: {  	[tilespmem:s0+$0x170] =	vst v0  }
0x22: {  	[tilespmem:s0+$0x100] =	vst v0  }
0x23: {  	[tilespmem:s0+$0x110] =	vst v0  }
0x24: {  	[tilespmem:s0+$0x120] =	vst v0  }
0x25: {  	[tilespmem:s0+$0x130] =	vst v0  }
0x26: {  	[tilespmem:s0+$0x140] =	vst v0  }
0x27: {  	[tilespmem:s0+$0x150] =	vst v0  }
0x28: {  	[tilespmem:s0+$0x160] =	vst v0;
	s0 =	simm.s32 $0x40;
	s8 =	simm.s32 $0x0  }
.LBB2_4:
0x29: {  	p0 =	sne.s32 s0, $0x9FC0;
	[tilespmem:s8+$0x8200] =	vst v0;
	s8 =	smov.u32 s0;
	s0 =	sadd.s32 $0x40, s0  }
.Ltmp1:
0x2a: {  	(pc) =	sbr.rel @p0 .LBB2_4-.Ltmp1, $2  }
0x2b: {  	_ =	sdelay $0x2  }
0x2c: {  	s8 =	sshra.s32 s8, $0x2  }
0x2d: {  	[tilespmem:s8+$0x8200] =	vst v0  }
0x2e: {  	[spmem:s7] =	stream.linear.scatter [tilespmem:s21], [sflag:$0x3], $0x4000, $0x38;
	[tilespmem:$0x1EA00] =	vst v63  }
0x2f: {  	_ =	swait.ge [sflag:s22], $0x4000  }
0x30: {  	[sflag:s22] =	ssyncset.done $0x0  }
0x31: {  	s0 =	rddreg [dreg:$0x4];
	[sflag:s22] =	ssyncadd.s32 $0xFFFFC000  }
0x32: {  	[spmem:s0] =	stream.linear.scatter [tilespmem:s21], [sflag:$0x3], $0x4000, $0x38;
	[tilespmem:$0x1EA00] =	vst v63  }
0x33: {  	_ =	swait.ge [sflag:s22], $0x4000  }
0x34: {  	[sflag:s22] =	ssyncset.done $0x0  }
0x35: {  	s9 =	rddreg [dreg:$0x5];
	[sflag:s22] =	ssyncadd.s32 $0xFFFFC000  }
0x36: {  	[spmem:s9] =	stream.linear.scatter [tilespmem:s21], [sflag:$0x3], $0x4000, $0x38;
	[tilespmem:$0x1EA00] =	vst v63  }
0x37: {  	_ =	swait.ge [sflag:s22], $0x4000  }
0x38: {  	[sflag:s22] =	ssyncset.done $0x0  }
0x39: {  	s10 =	rddreg [dreg:$0x6];
	[sflag:s22] =	ssyncadd.s32 $0xFFFFC000  }
0x3a: {  	[spmem:s10] =	stream.linear.scatter [tilespmem:s21], [sflag:$0x3], $0x4000, $0x38;
	[tilespmem:$0x1EA00] =	vst v63  }
0x3b: {  	_ =	swait.ge [sflag:s22], $0x4000  }
0x3c: {  	[sflag:s22] =	ssyncset.done $0x0  }
0x3d: {  	[sflag:s22] =	ssyncadd.s32 $0xFFFFC000  }
0x3e: {  	[spmem:s11] =	stream.linear.scatter [tilespmem:s21], [sflag:$0x3], $0x4000, $0x38;
	[tilespmem:$0x1EA00] =	vst v63  }
0x3f: {  	_ =	swait.ge [sflag:s22], $0x4000  }
0x40: {  	[sflag:s22] =	ssyncset.done $0x0  }
0x41: {  	s0 =	simm.s32 $0x0;
	[sflag:s22] =	ssyncadd.s32 $0xFFFFC000  }
0x42: {  	[tilespmem:s0], [sflag:$0x1] =	stream.linear.gather [hbm4b:s12+s0], $0x80, $0x38;
	[tilespmem:$0x1EA00] =	vst v63  }
0x43: {  	_ = 	snop  }
0x44: {  	[tilespmem:s21], [sflag:$0x1] =	stream.linear.gather [hbm4b:s13+s0], $0x4000, $0x38;
	[tilespmem:$0x1EA00] =	vst v63  }
0x45: {  	_ = 	snop  }
0x46: {  	[tilespmem:s23], [sflag:$0x1] =	stream.linear.gather [hbm4b:s14+s0], $0x80, $0x38;
	[tilespmem:$0x1EA00] =	vst v63  }
0x47: {  	_ = 	snop  }
0x48: {  	[tilespmem:s25], [sflag:$0x2] =	stream.linear.gather [hbm4b:s15+s0], $0x80, $0x38;
	[tilespmem:$0x1EA00] =	vst v63  }
0x49: {  	_ = 	snop  }
0x4a: {  	[tilespmem:s26], [sflag:$0x2] =	stream.linear.gather [hbm4b:s16+s0], $0x4000, $0x38;
	[tilespmem:$0x1EA00] =	vst v63  }
0x4b: {  	_ = 	snop  }
0x4c: {  	[tilespmem:s28], [sflag:$0x2] =	stream.linear.gather [hbm4b:s17+s0], $0x80, $0x38;
	[tilespmem:$0x1EA00] =	vst v63  }
0x4d: {  	[bflag:$0x0] =	sbarrier.arrive $0xFFFF  }
.LBB2_6:
0x4e: {  	_ =	swait.ge [sflag:s29], $0x80  }
0x4f: {  	[sflag:s29] =	ssyncset.done $0x0  }
0x50: {  	[sflag:s29] =	ssyncadd.s32 $0xFFFFFF80  }
0x51: {  	_ =	swait.ge [sflag:s29], $0x4000  }
0x52: {  	[sflag:s29] =	ssyncset.done $0x0  }
0x53: {  	[sflag:s29] =	ssyncadd.s32 $0xFFFFC000  }
0x54: {  	_ =	swait.ge [sflag:s29], $0x80  }
0x55: {  	[sflag:s29] =	ssyncset.done $0x0  }
0x56: {  	[sflag:s29] =	ssyncadd.s32 $0xFFFFFF80  }
0x57: {  	v1 =	vld [tilespmem:$0x0];
	_ =	sdelay $0x2  }
0x58: {  	v2 =	vld [tilespmem:$0x8100];
	_ =	sdelay $0x4  }
0x59: {  	[tilespmem:v1+s30+$0x0] =	vst.idx.add.f32.msk $0xffff, v2  }
0x5a: {  	v1 =	vld [tilespmem:$0x10];
	_ =	sdelay $0x2  }
0x5b: {  	v2 =	vld [tilespmem:$0x8110];
	_ =	sdelay $0x4  }
0x5c: {  	[tilespmem:v1+s30+$0x0] =	vst.idx.add.f32.msk $0xffff, v2  }
0x5d: {  	v1 =	vld [tilespmem:$0x20];
	_ =	sdelay $0x2  }
0x5e: {  	v2 =	vld [tilespmem:$0x8120];
	_ =	sdelay $0x4  }
0x5f: {  	[tilespmem:v1+s30+$0x0] =	vst.idx.add.f32.msk $0xffff, v2  }
0x60: {  	v1 =	vld [tilespmem:$0x30];
	_ =	sdelay $0x2  }
0x61: {  	v2 =	vld [tilespmem:$0x8130];
	_ =	sdelay $0x4  }
0x62: {  	[tilespmem:v1+s30+$0x0] =	vst.idx.add.f32.msk $0xffff, v2  }
0x63: {  	v1 =	vld [tilespmem:$0x40];
	_ =	sdelay $0x2  }
0x64: {  	v2 =	vld [tilespmem:$0x8140];
	_ =	sdelay $0x4  }
0x65: {  	[tilespmem:v1+s30+$0x0] =	vst.idx.add.f32.msk $0xffff, v2  }
0x66: {  	v1 =	vld [tilespmem:$0x50];
	_ =	sdelay $0x2  }
0x67: {  	v2 =	vld [tilespmem:$0x8150];
	_ =	sdelay $0x4  }
0x68: {  	[tilespmem:v1+s30+$0x0] =	vst.idx.add.f32.msk $0xffff, v2  }
0x69: {  	v1 =	vld [tilespmem:$0x60];
	_ =	sdelay $0x2  }
0x6a: {  	v2 =	vld [tilespmem:$0x8160];
	_ =	sdelay $0x4  }
0x6b: {  	[tilespmem:v1+s30+$0x0] =	vst.idx.add.f32.msk $0xffff, v2  }
0x6c: {  	v1 =	vld [tilespmem:$0x70];
	_ =	sdelay $0x2  }
0x6d: {  	v2 =	vld [tilespmem:$0x8170];
	_ =	sdelay $0x4  }
0x6e: {  	[tilespmem:v1+s30+$0x0] =	vst.idx.add.f32.msk $0xffff, v2  }
0x6f: {  	[spmem:s1] =	stream.indirect.scatter.add.f32 [tilespmem:s21], [sflag:$0x3], $0x80, s3, s25, $0xb8;
	[tilespmem:$0x1EA00] =	vst v63  }
0x70: {  	s9 =	smin.u32 s0, $0x4F;
	_ =	swait.ge [sflag:s22], $0x4000  }
0x71: {  	s9 =	sshll.u32 s9, $0x7;
	s8 =	rddreg [dreg:$0x3]  }
0x72: {  	s8 =	sadd.s32 s9, s8  }
0x73: {  	[sflag:s22] =	ssyncset.done $0x0;
	s9 =	sshrl.u32 s8, $0x3  }
0x74: {  	[sflag:s22] =	ssyncadd.s32 $0xFFFFC000;
	s8 =	sshll.u32 s8, $0x4;
	s10 =	sadd.s32 s6, s9  }
0x75: {  	[tilespmem:s3], [sflag:$0x1] =	stream.linear.gather [hbm4b:s10+s3], $0x80, $0x38;
	[tilespmem:$0x1EA00] =	vst v63  }
0x76: {  	s8 =	sadd.s32 s4, s8  }
0x77: {  	[tilespmem:s21], [sflag:$0x1] =	stream.linear.gather [hbm4b:s8+s3], $0x4000, $0x38;
	[tilespmem:$0x1EA00] =	vst v63  }
0x78: {  	s10 =	sadd.s32 s5, s9  }
0x79: {  	[tilespmem:s23], [sflag:$0x1] =	stream.linear.gather [hbm4b:s10+s3], $0x80, $0x38;
	[tilespmem:$0x1EA00] =	vst v63  }
0x7a: {  	_ =	swait.ge [sflag:s31], $0x80  }
0x7b: {  	[sflag:s31] =	ssyncset.done $0x0  }
0x7c: {  	[sflag:s31] =	ssyncadd.s32 $0xFFFFFF80  }
0x7d: {  	_ =	swait.ge [sflag:s31], $0x4000  }
0x7e: {  	[sflag:s31] =	ssyncset.done $0x0  }
0x7f: {  	[sflag:s31] =	ssyncadd.s32 $0xFFFFC000  }
0x80: {  	_ =	swait.ge [sflag:s31], $0x80  }
0x81: {  	[sflag:s31] =	ssyncset.done $0x0  }
0x82: {  	[sflag:s31] =	ssyncadd.s32 $0xFFFFFF80  }
0x83: {  	v1 =	vld [tilespmem:$0x80];
	_ =	sdelay $0x2  }
0x84: {  	v2 =	vld [tilespmem:$0x8180];
	_ =	sdelay $0x4  }
0x85: {  	[tilespmem:v1+s30+$0x0] =	vst.idx.add.f32.msk $0xffff, v2  }
0x86: {  	v1 =	vld [tilespmem:$0x90];
	_ =	sdelay $0x2  }
0x87: {  	v2 =	vld [tilespmem:$0x8190];
	_ =	sdelay $0x4  }
0x88: {  	[tilespmem:v1+s30+$0x0] =	vst.idx.add.f32.msk $0xffff, v2  }
0x89: {  	v1 =	vld [tilespmem:$0xA0];
	_ =	sdelay $0x2  }
0x8a: {  	v2 =	vld [tilespmem:$0x81A0];
	_ =	sdelay $0x4  }
0x8b: {  	[tilespmem:v1+s30+$0x0] =	vst.idx.add.f32.msk $0xffff, v2  }
0x8c: {  	v1 =	vld [tilespmem:$0xB0];
	_ =	sdelay $0x2  }
0x8d: {  	v2 =	vld [tilespmem:$0x81B0];
	_ =	sdelay $0x4  }
0x8e: {  	[tilespmem:v1+s30+$0x0] =	vst.idx.add.f32.msk $0xffff, v2  }
0x8f: {  	v1 =	vld [tilespmem:$0xC0];
	_ =	sdelay $0x2  }
0x90: {  	v2 =	vld [tilespmem:$0x81C0];
	_ =	sdelay $0x4  }
0x91: {  	[tilespmem:v1+s30+$0x0] =	vst.idx.add.f32.msk $0xffff, v2  }
0x92: {  	v1 =	vld [tilespmem:$0xD0];
	_ =	sdelay $0x2  }
0x93: {  	v2 =	vld [tilespmem:$0x81D0];
	_ =	sdelay $0x4  }
0x94: {  	[tilespmem:v1+s30+$0x0] =	vst.idx.add.f32.msk $0xffff, v2  }
0x95: {  	v1 =	vld [tilespmem:$0xE0];
	_ =	sdelay $0x2  }
0x96: {  	v2 =	vld [tilespmem:$0x81E0];
	_ =	sdelay $0x4  }
0x97: {  	[tilespmem:v1+s30+$0x0] =	vst.idx.add.f32.msk $0xffff, v2  }
0x98: {  	v1 =	vld [tilespmem:$0xF0];
	_ =	sdelay $0x2  }
0x99: {  	v2 =	vld [tilespmem:$0x81F0];
	_ =	sdelay $0x3  }
0x9a: {  	s9 =	smin.u32 s0, $0x4E  }
0x9b: {  	s8 =	sshll.u32 s9, $0x7;
	[tilespmem:v1+s30+$0x0] =	vst.idx.add.f32.msk $0xffff, v2  }
0x9c: {  	[spmem:s1] =	stream.indirect.scatter.add.f32 [tilespmem:s26], [sflag:$0x3], $0x80, s25, s25, $0xb8;
	[tilespmem:$0x1EA00] =	vst v63  }
0x9d: {  	s8 =	sadd.s32 s8, s18;
	_ =	swait.ge [sflag:s22], $0x4000  }
0x9e: {  	s9 =	sshrl.u32 s8, $0x3;
	[sflag:s22] =	ssyncset.done $0x0  }
0x9f: {  	p0 =	sne.s32 s0, $0x50;
	s10 =	sadd.s32 s6, s9;
	[sflag:s22] =	ssyncadd.s32 $0xFFFFC000  }
0xa0: {  	[tilespmem:s25], [sflag:$0x2] =	stream.linear.gather [hbm4b:s10+s3], $0x80, $0x38;
	[tilespmem:$0x1EA00] =	vst v63  }
.Ltmp2:
0xa1: {  	s8 =	sshll.u32 s8, $0x4;
	(pc) =	sbr.rel @p0 .LBB2_6-.Ltmp2, $4  }
0xa2: {  	s8 =	sadd.s32 s4, s8  }
0xa3: {  	[tilespmem:s26], [sflag:$0x2] =	stream.linear.gather [hbm4b:s8+s3], $0x4000, $0x38;
	[tilespmem:$0x1EA00] =	vst v63  }
0xa4: {  	s0 =	sadd.s32 $0x2, s0;
	s10 =	sadd.s32 s5, s9  }
0xa5: {  	[tilespmem:s28], [sflag:$0x2] =	stream.linear.gather [hbm4b:s10+s3], $0x80, $0x38;
	[tilespmem:$0x1EA00] =	vst v63  }
0xa6: {  	_ =	swait.ge [sflag:s29], $0x80  }
0xa7: {  	[sflag:s29] =	ssyncset.done $0x0  }
0xa8: {  	[sflag:s29] =	ssyncadd.s32 $0xFFFFFF80  }
0xa9: {  	_ =	swait.ge [sflag:s29], $0x4000  }
0xaa: {  	[sflag:s29] =	ssyncset.done $0x0  }
0xab: {  	[sflag:s29] =	ssyncadd.s32 $0xFFFFC000  }
0xac: {  	_ =	swait.ge [sflag:s29], $0x80  }
0xad: {  	[sflag:s29] =	ssyncset.done $0x0  }
0xae: {  	[sflag:s29] =	ssyncadd.s32 $0xFFFFFF80  }
0xaf: {  	_ =	swait.ge [sflag:s31], $0x80  }
0xb0: {  	[sflag:s31] =	ssyncset.done $0x0  }
0xb1: {  	[sflag:s31] =	ssyncadd.s32 $0xFFFFFF80  }
0xb2: {  	_ =	swait.ge [sflag:s31], $0x4000  }
0xb3: {  	[sflag:s31] =	ssyncset.done $0x0  }
0xb4: {  	[sflag:s31] =	ssyncadd.s32 $0xFFFFC000  }
0xb5: {  	_ =	swait.ge [sflag:s31], $0x80  }
0xb6: {  	[sflag:s31] =	ssyncset.done $0x0  }
0xb7: {  	[sflag:s31] =	ssyncadd.s32 $0xFFFFFF80  }
0xb8: {  	s0 =	simm.s32 $0x400;
	s10 =	stileid.u32;
	[bflag:$0x0] =	sbarrier.arrive $0xFFFF  }
0xb9: {  	[hbm4b:s19+s25] =	stream.strided.scatter [tilespmem:s30], [sflag:$0x3], $0x2800, s0, s25, $0x38;
	[tilespmem:$0x1EA00] =	vst v63  }
0xba: {  	s8 =	sshrl.u32 s7, $0x3;
	s2 =	sadd.s32 $0x1, s2;
	_ =	swait.ge [sflag:s22], $0x2800  }
0xbb: {  	p0 =	sne.s32 s2, s20;
	s0 =	sshll.u32 s10, $0x6;
	[sflag:s22] =	ssyncset.done $0x0  }
.Ltmp3:
0xbc: {  	s0 =	sor.u32 $0x1C03, s0;
	[sflag:s22] =	ssyncadd.s32 $0xFFFFD800;
	(pc) =	sbr.rel @p0 .LBB2_1-.Ltmp3, $4  }
0xbd: {  	[hbm:s24], [sflag:s0] =	dma.local [spmem:s8], $0x2800  }
0xbe: {  	_ =	swait.ge [sflag:s22], $0x2800  }
0xbf: {  	[sflag:s22] =	ssyncset.done $0x0  }
0xc0: {  	[sflag:s22] =	ssyncadd.s32 $0xFFFFD800  }
0xc1: {  	_ =	sfence.sel $0x180000  }
0xc2: {  	[bflag:$0x0] =	sbarrier.arrive $0xFFFF  }
0xc3: {  	_ =	strace $0x9000004A  }
0xc4: {  	s0 =	stileid.u32;
	[bflag:$0x2] =	sbarrier.arrive $0xFFFF  }
0xc5: {  	p0 =	sne.s32 s0, $0x0;
	s0 =	rddreg [dreg:$0x2]  }
0xc6: {  	s0 =	sadd.s32 @!p0 $0x100000, s0  }
0xc7: {  	[sflag:s0] =	ssyncadd.tile.s32 @!p0 $0x1;
	_ =	shalt  }
.Lfunc_end2:
_tile_overlayer_lowered:
.L_overlay_start_2:
0xc8: {  	(tag) =	ssettag $0x2  }
0xc9: {  	s0 =	rddreg [dreg:$0x0];
	s2 =	stileid.u32  }
0xca: {  	s1 =	rddreg [dreg:$0x1];
	p0 =	sne.s32 s2, $0x0  }
0xcb: {  	s3 =	rddreg [dreg:$0x2];
	[bflag:$0x3] =	sbarrier.arrive $0xFFFF;
	s2 =	simm.s32 @!p0 $0x1C03  }
0xcc: {  	[timem:s3], [sflag:s2] =	dma.local @!p0 [hbm:s0], s1  }
0xcd: {  	s0 =	simm.s32 @!p0 $0x3  }
0xce: {  	_ =	swait.ge @!p0 [sflag:s0], s1  }
0xcf: {  	s1 =	ssub.s32 @!p0 $0x0, s1;
	[sflag:s0] =	ssyncset.done @!p0 $0x0  }
0xd0: {  	[sflag:s0] =	ssyncadd.s32 @!p0 s1  }
0xd1: {  	[bflag:$0x3] =	sbarrier.arrive $0xFFFF  }
0xd2: {  	_ =	shalt  }

// kernel: kernel.17.cloned.1.call-start
scs
__scs_entry_jumppad:
0x0: {  	(pc) =	sbr.rel $0x88, $3  }
0x1: {  	(tag) =	ssettag $0x0;
	lr =	simm.s32 $0x1  }
0x2: {  	[smem:$0x3F93] =	sst lr;
	_ =	strace $0xD0000000  }
0x3: {  	_ = 	snop  }
0x4: {  	_ = 	snop  }
0x5: {  	_ = 	snop  }
0x6: {  	_ = 	snop  }
0x7: {  	_ = 	snop  }
__scs_overlays_trampoline_lowered:
0x8: {  	[smem:$0x3FA2] =	sst s0  }
0x9: {  	[smem:$0x3FA3] =	sst s1  }
0xa: {  	[smem:$0x3FA4] =	sst s2  }
0xb: {  	[smem:$0x3FA5] =	sst s3  }
0xc: {  	[smem:$0x3FA6] =	sst s4  }
0xd: {  	[smem:$0x3FA7] =	sst s5  }
0xe: {  	[smem:$0x3FA8] =	sst s6  }
0xf: {  	[smem:$0x3FA9] =	sst s7  }
0x10: {  	[smem:$0x3FAA] =	sst s8  }
0x11: {  	[smem:$0x3FAB] =	sst s9;
	s0 =	simm.s32 @!p0 $0x0  }
0x12: {  	s1 =	sld [smem:$0x3F91];
	s0 =	simm.s32 @p0 $0x1  }
0x13: {  	[smem:$0x3FAC] =	sst s0;
	s0 =	simm.s32 @!p1 $0x0  }
0x14: {  	s2 =	sld [smem:$0x3F90];
	s0 =	simm.s32 @p1 $0x1  }
0x15: {  	[smem:$0x3FAD] =	sst s0;
	s0 =	simm.s32 @!p2 $0x0  }
0x16: {  	s3 =	sld [smem:$0x3FDB];
	s0 =	simm.s32 @p2 $0x1  }
0x17: {  	s4 =	simm.s32 $0x1BF5;
	[smem:$0x3FAF] =	sst s0  }
0x18: {  	s0 =	sld [smem:$0x3F92];
	_ =	swait.ge [sflag:s4], $0x0  }
0x19: {  	s7 =	sld [smem:$0x3F93]  }
0x1a: {  	s8 =	sadd.s32 $0xFFFFE003, lr  }
0x1b: {  	s9 =	sadd.s32 $0xFFFFFEF7, lr;
	s5 =	simm.s32 $0xFFFFFFFF;
	p2 =	slt.u32 s8, $0xFFFFF086  }
0x1c: {  	p1 =	slt.u32 s9, $0xF7A;
	s5 =	simm.s32 @!p2 $0x0  }
0x1d: {  	s5 =	simm.s32 @p1 $0x1;
	p0 =	seq.s32 s7, s2  }
0x1e: {  	s7 =	smul.u32 @!p0 $0xF7A, s2;
	p2 =	seq.s32 @!p0 s5, $0x0  }
0x1f: {  	s9 =	smul.u32 $0xF7A, s1;
	s8 =	simm.s32 @!p0 $0x1BF5;
	p2 =	por !p2, p0  }
0x20: {  	[sflag:s8] =	ssyncset.s32 @!p0 $0xFFFFF086;
	s6 =	sadd.s32 @!p0 s3, s7;
	s7 =	simm.s32 @!p0 $0x108  }
0x21: {  	s3 =	sadd.s32 s3, s9;
	s6 =	sadd.s32 @!p0 $0x88, s6;
	s7 =	simm.s32 @p2 $0x1082  }
0x22: {  	[simem:s7], [sflag:s8] =	dma.local @!p0 [hbm:s6], $0xF7A  }
0x23: {  	s9 =	sor.u32 $0xD0000000, s2;
	s6 =	simm.s32 $0x108;
	_ =	swait.ge @!p0 [sflag:s8], $0x0  }
0x24: {  	s3 =	sadd.s32 $0x88, s3;
	s6 =	simm.s32 @!p1 $0x1082;
	[sflag:s4] =	ssyncset.s32 $0xFFFFF086  }
0x25: {  	[simem:s6], [sflag:s4] =	dma.local [hbm:s3], $0xF7A  }
0x26: {  	[smem:$0x3F93] =	sst s1;
	(tag) =	ssettag s2;
	_ =	strace s9  }
0x27: {  	s1 =	sld [smem:$0x3FA3]  }
0x28: {  	s2 =	sld [smem:$0x3FA4]  }
0x29: {  	s4 =	sld [smem:$0x3FA6]  }
0x2a: {  	p0 =	seq.s32 s5, $0x0;
	s5 =	sld [smem:$0x3FA7]  }
0x2b: {  	s6 =	sld [smem:$0x3FA8]  }
0x2c: {  	s7 =	sld [smem:$0x3FA9]  }
0x2d: {  	s3 =	simm.s32 $0x108;
	s8 =	sld [smem:$0x3FAA]  }
0x2e: {  	s3 =	simm.s32 @!p0 $0x1082;
	s9 =	sld [smem:$0x3FAB]  }
0x2f: {  	lr =	sadd.s32 s0, s3;
	s0 =	sld [smem:$0x3FA2]  }
0x30: {  	s3 =	sld [smem:$0x3FA5]  }
0x31: {  	[smem:$0x3FAE] =	sst s10  }
0x32: {  	s10 =	sld [smem:$0x3FAC];
	_ =	sdelay $0x3  }
0x33: {  	p0 =	seq.s32 s10, $0x1;
	s10 =	sld [smem:$0x3FAE];
	_ =	sdelay $0x3  }
0x34: {  	[smem:$0x3FAE] =	sst s10  }
0x35: {  	s10 =	sld [smem:$0x3FAD];
	_ =	sdelay $0x3  }
0x36: {  	p1 =	seq.s32 s10, $0x1;
	s10 =	sld [smem:$0x3FAE];
	_ =	sdelay $0x3  }
0x37: {  	[smem:$0x3FAE] =	sst s10  }
0x38: {  	s10 =	sld [smem:$0x3FAF]  }
0x39: {  	_ = 	snop;
	(pc) =	sbr.ind lr, $3  }
0x3a: {  	_ = 	snop  }
0x3b: {  	_ = 	snop  }
0x3c: {  	p2 =	seq.s32 s10, $0x1;
	s10 =	sld [smem:$0x3FAE]  }
0x3d: {  	_ =	shalt  }
0x3e: {  	_ =	shalt  }
0x3f: {  	_ =	shalt  }
0x40: {  	_ =	shalt  }
0x41: {  	_ =	shalt  }
0x42: {  	_ =	shalt  }
0x43: {  	_ =	shalt  }
0x44: {  	_ =	shalt  }
0x45: {  	_ =	shalt  }
0x46: {  	_ =	shalt  }
0x47: {  	_ =	shalt  }
0x48: {  	_ =	shalt  }
0x49: {  	_ =	shalt  }
0x4a: {  	_ =	shalt  }
0x4b: {  	_ =	shalt  }
0x4c: {  	_ =	shalt  }
0x4d: {  	_ =	shalt  }
0x4e: {  	_ =	shalt  }
0x4f: {  	_ =	shalt  }
0x50: {  	_ =	shalt  }
0x51: {  	_ =	shalt  }
0x52: {  	_ =	shalt  }
0x53: {  	_ =	shalt  }
0x54: {  	_ =	shalt  }
0x55: {  	_ =	shalt  }
0x56: {  	_ =	shalt  }
0x57: {  	_ =	shalt  }
0x58: {  	_ =	shalt  }
0x59: {  	_ =	shalt  }
0x5a: {  	_ =	shalt  }
0x5b: {  	_ =	shalt  }
0x5c: {  	_ =	shalt  }
0x5d: {  	_ =	shalt  }
0x5e: {  	_ =	shalt  }
0x5f: {  	_ =	shalt  }
0x60: {  	_ =	shalt  }
0x61: {  	_ =	shalt  }
0x62: {  	_ =	shalt  }
0x63: {  	_ =	shalt  }
0x64: {  	_ =	shalt  }
0x65: {  	_ =	shalt  }
0x66: {  	_ =	shalt  }
0x67: {  	_ =	shalt  }
0x68: {  	_ =	shalt  }
0x69: {  	_ =	shalt  }
0x6a: {  	_ =	shalt  }
0x6b: {  	_ =	shalt  }
0x6c: {  	_ =	shalt  }
0x6d: {  	_ =	shalt  }
0x6e: {  	_ =	shalt  }
0x6f: {  	_ =	shalt  }
0x70: {  	_ =	shalt  }
0x71: {  	_ =	shalt  }
0x72: {  	_ =	shalt  }
0x73: {  	_ =	shalt  }
0x74: {  	_ =	shalt  }
0x75: {  	_ =	shalt  }
0x76: {  	_ =	shalt  }
0x77: {  	_ =	shalt  }
0x78: {  	_ =	shalt  }
0x79: {  	_ =	shalt  }
0x7a: {  	_ =	shalt  }
0x7b: {  	_ =	shalt  }
0x7c: {  	_ =	shalt  }
0x7d: {  	_ =	shalt  }
0x7e: {  	_ =	shalt  }
0x7f: {  	_ =	shalt  }
0x80: {  	_ =	shalt  }
0x81: {  	_ =	shalt  }
0x82: {  	_ =	shalt  }
0x83: {  	_ =	shalt  }
0x84: {  	_ =	shalt  }
0x85: {  	_ =	shalt  }
0x86: {  	_ =	shalt  }
0x87: {  	_ =	shalt  }
.Lfunc_end0:
.L_simem_size_0:
called_computation.2_lowered:
.L_overlay_start_0:
0x88: {  	s2 =	sld [smem:$0x3FD9]  }
0x89: {  	s3 =	sld [smem:$0x3FFE];
	_ =	sdelay $0x1  }
0x8a: {  	s1 =	srdreg.scid  }
0x8b: {  	s0 =	sand.u32 $0x1, s1  }
0x8c: {  	s17 =	sshll.u32 s0, $0xA;
	s2 =	sadd.s32 s3, s2  }
0x8d: {  	s2 =	sadd.s32 s2, s17  }
0x8e: {  	[smem:$0x3FBA] =	sst s2  }
0x8f: {  	_ = 	snop  }
0x90: {  	s2 =	sld [smem:$0x3FD0];
	(tm) =	ssettm $0x1  }
0x91: {  	s18 =	sld [smem:$0x3FFB];
	_ =	sdelay $0x3  }
0x92: {  	_ =	strace s18  }
0x93: {  	s3 =	sld [smem:$0x3FFC];
	_ =	sdelay $0x3  }
0x94: {  	_ =	strace s3  }
0x95: {  	s3 =	sld [smem:$0x3FFD];
	_ =	sdelay $0x3  }
0x96: {  	_ =	strace s3  }
0x97: {  	_ =	strace $0x8FFFFFFF  }
0x98: {  	s19 =	sld [smem:$0x3FDB];
	_ =	sdelay $0x1  }
0x99: {  	s4 =	simm.s32 $_scs_section_size  }
0x9a: {  	s5 =	simm.s32 $_size__tile_overlayer_lowered;
	s6 =	simm.s32 $_tile_overlayer_lowered  }
0x9b: {  	s22 =	simm.s32 $0x1BFF;
	s21 =	sshll.u32 s6, $0x1;
	s3 =	sadd.s32 s4, s19  }
0x9c: {  	s7 =	simm.s32 $0x0;
	s20 =	sshll.u32 s5, $0x1;
	s5 =	sadd.s32 s21, s3  }
0x9d: {  	[timem:s7], [sflag:s22] =	dma.local [hbm:s5], s20  }
0x9e: {  	_ =	swait.ge [sflag:s22], s20  }
0x9f: {  	s4 =	ssub.s32 $0x0, s20;
	[sflag:s22] =	ssyncset.done $0x0  }
0xa0: {  	[sflag:s22] =	ssyncadd.s32 s4;
	_ =	sdelay $0x1  }
0xa1: {  	s23 =	simm.s32 $0x1B8B  }
0xa2: {  	_ =	swait.ge [sflag:s23], $0x1  }
0xa3: {  	[sflag:s23] =	ssyncset.done $0x0  }
0xa4: {  	s25 =	simm.s32 $0x1B8E;
	s24 =	sld [smem:$0x3FFE];
	[sflag:s23] =	ssyncadd.s32 $0xFFFFFFFF  }
0xa5: {  	s26 =	simm.s32 $execute0_lowered;
	[smem:$0x3FD2] =	sst s25  }
0xa6: {  	s5 =	sshll.u32 s26, $0x1;
	_ =	strace $0x8000004C;
	[dreg:$0x1] =	wrdreg $0xFFFFFFFF  }
0xa7: {  	s28 =	simm.s32 $_size_execute0_lowered;
	s3 =	sadd.s32 s3, s5;
	[dreg:$0x0] =	wrdreg $0x0  }
0xa8: {  	s5 =	sshll.u32 s28, $0x1;
	[dreg:$0x2] =	wrdreg s3  }
0xa9: {  	[dreg:$0x3] =	wrdreg s5  }
0xaa: {  	[dreg:$0x4] =	wrdreg $0xC0  }
0xab: {  	_ =	task [dreg:s7], $0x5FFFF  }
0xac: {  	[dreg:$0x1] =	wrdreg $0xFFFFFFFF  }
0xad: {  	[dreg:$0x0] =	wrdreg $0x60  }
0xae: {  	[dreg:$0x2] =	wrdreg s24  }
0xaf: {  	[dreg:$0x3] =	wrdreg s2  }
0xb0: {  	[dreg:$0x4] =	wrdreg $0x9  }
0xb1: {  	_ =	task.clear_ibuf [dreg:s7], $0x5FFFF;
	_ =	strace $0x9000004C  }
0xb2: {  	s29 =	simm.s32 $0x9;
	_ =	strace $0x8000004E  }
0xb3: {  	_ =	swait.ge [sflag:s29], $0x1  }
0xb4: {  	[sflag:s29] =	ssyncadd.s32 $0xFFFFFFFF  }
0xb5: {  	_ =	strace $0x9000004E  }
0xb6: {  	_ =	sfence  }
0xb7: {  	s30 =	sld [smem:$0x0];
	_ =	sdelay $0x2  }
0xb8: {  	s31 =	sshll.u32 s1, $0xD;
	s1 =	sshrl.u32 s1, $0x2  }
0xb9: {  	s3 =	sand.u32 $0x4000, s31;
	s1 =	sadd.s32 s1, s30  }
0xba: {  	s0 =	sor.u32 s3, s0;
	s1 =	sshll.u32 s1, $0x11  }
0xbb: {  	s0 =	sor.u32 s1, s0  }
0xbc: {  	s0 =	sadd.s32 $0x8F2B, s0  }
0xbd: {  	[sflag:s0] =	ssyncadd.remote.s32 $0x1  }
0xbe: {  	_ =	sfence.sel $0xFFFF  }
0xbf: {  	[dreg:$0x0] =	wrdreg $0xFFFFFFFF;
	(pc) =	sbr.abs _section_cstart, $3  }
0xc0: {  	[dreg:$0x1] =	wrdreg $0xFFFFFFFF  }
0xc1: {  	_ =	task.clear_ibuf [dreg:s7], $0x2FFFF;
	_ =	strace $0x9FFFFFFF  }
0xc2: {  	(tm) =	ssettm $0x7FFFFFFF  }
0xc3: {  	_ =	shalt  }
tec
execute0_lowered:
.L_overlay_start_1:
0x0: {  	(tag) =	ssettag $0x1  }
0x1: {  	s0 =	rddreg [dreg:$0x0]  }
0x2: {  	s1 =	rddreg [dreg:$0x1]  }
0x3: {  	s2 =	srdreg.scid;
	s3 =	simm.s32 $0x0;
	s14 =	stileid.u32  }
0x4: {  	s28 =	simm.s32 $0x2;
	s29 =	simm.s32 $0x4200;
	s30 =	simm.s32 $0xC200  }
0x5: {  	s31 =	simm.s32 $0x4;
	s2 =	sand.u32 $0x1, s2;
	[smem:$0x7FF] =	sst s3  }
0x6: {  	s4 =	sadd.s32 $0xF200, s0;
	s25 =	smul.u32 $0x29000, s14;
	s5 =	sshll.u32 s2, $0x4  }
0x7: {  	s6 =	sadd.s32 $0x4E00, s0;
	s21 =	smul.u32 $0x29000, s2;
	s7 =	sor.u32 s14, s5  }
0x8: {  	s10 =	sadd.s32 $0x5F200, s0;
	_ =	strace $0x8000004D;
	s13 =	smul.u32 $0x29000, s7  }
0x9: {  	s8 =	ssub.s32 $0x2, s2;
	s2 =	smul.u32 $0x290000, s2;
	s5 =	sadd.s32 $0x37200, s0  }
0xa: {  	s0 =	sadd.s32 $0x57F200, s0;
	s9 =	smul.u32 $0x2900, s7;
	s18 =	sadd.s32 s10, s13  }
0xb: {  	s11 =	sshrl.u32 s8, $0x1;
	s19 =	sadd.s32 s0, s13;
	[dreg:$0xa] =	wrdreg s18  }
0xc: {  	s26 =	sshrl.u32 s9, $0x3;
	s9 =	sadd.s32 $0x200, s9;
	[dreg:$0xb] =	wrdreg s19  }
0xd: {  	s8 =	ssub.s32 s8, s11;
	s12 =	sadd.s32 s1, s26;
	[dreg:$0x3] =	wrdreg s9  }
0xe: {  	s16 =	sor.u32 $0x10, s26;
	s15 =	sadd.s32 s6, s26;
	[dreg:$0x6] =	wrdreg s12  }
0xf: {  	s7 =	smul.u32 $0x148000, s7;
	[dreg:$0x7] =	wrdreg s15;
	s17 =	sadd.s32 s1, s16  }
0x10: {  	s11 =	sadd.s32 $0x20, s26;
	s12 =	sadd.s32 s6, s16;
	[dreg:$0x8] =	wrdreg s17  }
0x11: {  	s7 =	sshrl.u32 s7, $0x3;
	s20 =	sadd.s32 s1, s11;
	[dreg:$0x9] =	wrdreg s12  }
0x12: {  	s7 =	sadd.s32 $0x28800, s7;
	s11 =	sadd.s32 s6, s11;
	[dreg:$0xc] =	wrdreg s20  }
0x13: {  	s26 =	sadd.s32 s2, s10;
	s22 =	sadd.s32 s10, s7;
	[dreg:$0xd] =	wrdreg s11  }
0x14: {  	s16 =	smul.u32 $0x2900, s14;
	[dreg:$0xe] =	wrdreg s22;
	s17 =	smax.u32 s8, $0x1  }
0x15: {  	s8 =	sadd.s32 s25, s26;
	s20 =	simm.s32 $0x100;
	s22 =	simm.s32 $0x180  }
0x16: {  	s26 =	simm.s32 $0x3;
	s23 =	sadd.s32 s16, s21;
	s16 =	sadd.s32 s0, s7  }
0x17: {  	s0 =	sadd.s32 s2, s0;
	[dreg:$0x4] =	wrdreg s8;
	s21 =	simm.s32 $0x80  }
0x18: {  	s2 =	simm.s32 $0x6;
	s24 =	sadd.s32 $0x180, s23;
	s0 =	sadd.s32 s25, s0  }
0x19: {  	s23 =	simm.s32 $0x1;
	s25 =	simm.s32 $0x8200;
	s7 =	sshrl.u32 s24, $0x3  }
0x1a: {  	[dreg:$0x5] =	wrdreg s0;
	s24 =	simm.s32 $0x200;
	s0 =	simm.s32 $0x5  }
0x1b: {  	s9 =	sadd.s32 s7, s6;
	s10 =	sadd.s32 s7, s1;
	s7 =	simm.s32 $0x0  }
.LBB2_1:
0x1c: {  	s8 =	rddreg [dreg:$0x6]  }
0x1d: {  	[tilespmem:s3], [sflag:$0x1] =	stream.linear.gather [hbm4b:s8+s3], $0x80, $0x38;
	[tilespmem:$0x10200] =	vst v63  }
0x1e: {  	s12 =	rddreg [dreg:$0x7]  }
0x1f: {  	[tilespmem:s20], [sflag:$0x1] =	stream.linear.gather [hbm4b:s12+s3], $0x80, $0x38;
	[tilespmem:$0x10200] =	vst v63  }
0x20: {  	s13 =	rddreg [dreg:$0x8]  }
0x21: {  	[tilespmem:s21], [sflag:$0x2] =	stream.linear.gather [hbm4b:s13+s3], $0x80, $0x38;
	[tilespmem:$0x10200] =	vst v63  }
0x22: {  	s14 =	rddreg [dreg:$0x9]  }
0x23: {  	[tilespmem:s22], [sflag:$0x2] =	stream.linear.gather [hbm4b:s14+s3], $0x80, $0x38;
	[tilespmem:$0x10200] =	vst v63  }
0x24: {  	_ =	swait.ge [sflag:s23], $0x80  }
0x25: {  	[sflag:s23] =	ssyncset.done $0x0  }
0x26: {  	[sflag:s23] =	ssyncadd.s32 $0xFFFFFF80  }
0x27: {  	_ =	swait.ge [sflag:s23], $0x80  }
0x28: {  	[sflag:s23] =	ssyncset.done $0x0  }
0x29: {  	[sflag:s23] =	ssyncadd.s32 $0xFFFFFF80  }
0x2a: {  	[tilespmem:s24], [sflag:$0x3] =	stream.indirect.gather [hbm4b:s4+s21], $0x80, s3, s21, $0xb8;
	[tilespmem:$0x10200] =	vst v63  }
0x2b: {  	_ = 	snop  }
0x2c: {  	[tilespmem:s25], [sflag:$0x3] =	stream.indirect.gather [hbm4b:s5+s21], $0x80, s20, s21, $0xb8;
	[tilespmem:$0x10200] =	vst v63  }
0x2d: {  	_ =	swait.ge [sflag:s26], $0x4000  }
0x2e: {  	[sflag:s26] =	ssyncset.done $0x0  }
0x2f: {  	[sflag:s26] =	ssyncadd.s32 $0xFFFFC000  }
0x30: {  	_ =	swait.ge [sflag:s26], $0x4000  }
0x31: {  	[sflag:s26] =	ssyncset.done $0x0  }
0x32: {  	[sflag:s26] =	ssyncadd.s32 $0xFFFFC000  }
0x33: {  	_ =	swait.ge [sflag:s28], $0x80  }
0x34: {  	[sflag:s28] =	ssyncset.done $0x0  }
0x35: {  	[sflag:s28] =	ssyncadd.s32 $0xFFFFFF80  }
0x36: {  	_ =	swait.ge [sflag:s28], $0x80  }
0x37: {  	[sflag:s28] =	ssyncset.done $0x0  }
0x38: {  	[sflag:s28] =	ssyncadd.s32 $0xFFFFFF80  }
0x39: {  	[tilespmem:s29], [sflag:$0x4] =	stream.indirect.gather [hbm4b:s4+s21], $0x80, s21, s21, $0xb8;
	[tilespmem:$0x10200] =	vst v63  }
0x3a: {  	_ = 	snop  }
0x3b: {  	[tilespmem:s30], [sflag:$0x4] =	stream.indirect.gather [hbm4b:s5+s21], $0x80, s22, s21, $0xb8;
	[tilespmem:$0x10200] =	vst v63  }
0x3c: {  	s15 =	rddreg [dreg:$0xa]  }
0x3d: {  	[hbm4b:s15+s3] =	stream.linear.scatter [tilespmem:s24], [sflag:$0x5], $0x4000, $0x38;
	[tilespmem:$0x10200] =	vst v63  }
0x3e: {  	s18 =	rddreg [dreg:$0xb]  }
0x3f: {  	[hbm4b:s18+s3] =	stream.linear.scatter [tilespmem:s25], [sflag:$0x5], $0x4000, $0x38;
	[tilespmem:$0x10200] =	vst v63  }
0x40: {  	s19 =	rddreg [dreg:$0xc]  }
0x41: {  	[tilespmem:s3], [sflag:$0x1] =	stream.linear.gather [hbm4b:s19+s3], $0x80, $0x38;
	[tilespmem:$0x10200] =	vst v63  }
0x42: {  	s11 =	rddreg [dreg:$0xd]  }
0x43: {  	[tilespmem:s20], [sflag:$0x1] =	stream.linear.gather [hbm4b:s11+s3], $0x80, $0x38;
	[tilespmem:$0x10200] =	vst v63  }
0x44: {  	_ =	swait.ge [sflag:s31], $0x4000  }
0x45: {  	[sflag:s31] =	ssyncset.done $0x0  }
0x46: {  	[sflag:s31] =	ssyncadd.s32 $0xFFFFC000  }
0x47: {  	_ =	swait.ge [sflag:s31], $0x4000  }
0x48: {  	[sflag:s31] =	ssyncset.done $0x0  }
0x49: {  	[sflag:s31] =	ssyncadd.s32 $0xFFFFC000  }
0x4a: {  	_ =	swait.ge [sflag:s23], $0x80  }
0x4b: {  	[sflag:s23] =	ssyncset.done $0x0  }
0x4c: {  	[sflag:s23] =	ssyncadd.s32 $0xFFFFFF80  }
0x4d: {  	_ =	swait.ge [sflag:s23], $0x80  }
0x4e: {  	[sflag:s23] =	ssyncset.done $0x0  }
0x4f: {  	[sflag:s23] =	ssyncadd.s32 $0xFFFFFF80  }
0x50: {  	_ =	swait.ge [sflag:s0], $0x4000  }
0x51: {  	[sflag:s0] =	ssyncset.done $0x0  }
0x52: {  	[sflag:s0] =	ssyncadd.s32 $0xFFFFC000  }
0x53: {  	_ =	swait.ge [sflag:s0], $0x4000  }
0x54: {  	[sflag:s0] =	ssyncset.done $0x0  }
0x55: {  	s12 =	rddreg [dreg:$0x4];
	[sflag:s0] =	ssyncadd.s32 $0xFFFFC000  }
0x56: {  	[tilespmem:s24], [sflag:$0x3] =	stream.indirect.gather [hbm4b:s4+s21], $0x80, s3, s21, $0xb8;
	[tilespmem:$0x10200] =	vst v63  }
0x57: {  	s11 =	rddreg [dreg:$0x5];
	s8 =	sadd.s32 $0x0, s12  }
0x58: {  	[tilespmem:s25], [sflag:$0x3] =	stream.indirect.gather [hbm4b:s5+s21], $0x80, s20, s21, $0xb8;
	[tilespmem:$0x10200] =	vst v63  }
0x59: {  	s11 =	sadd.s32 $0x0, s11;
	s12 =	sadd.s32 $0x800, s8  }
0x5a: {  	[hbm4b:s12+s3] =	stream.linear.scatter [tilespmem:s29], [sflag:$0x6], $0x4000, $0x38;
	[tilespmem:$0x10200] =	vst v63  }
0x5b: {  	s13 =	sadd.s32 $0x800, s11  }
0x5c: {  	[hbm4b:s13+s3] =	stream.linear.scatter [tilespmem:s30], [sflag:$0x6], $0x4000, $0x38;
	[tilespmem:$0x10200] =	vst v63  }
0x5d: {  	_ = 	snop  }
0x5e: {  	[tilespmem:s21], [sflag:$0x2] =	stream.linear.gather [hbm4b:s10+s3], $0x80, $0x38;
	[tilespmem:$0x10200] =	vst v63  }
0x5f: {  	_ = 	snop  }
0x60: {  	[tilespmem:s22], [sflag:$0x2] =	stream.linear.gather [hbm4b:s9+s3], $0x80, $0x38;
	[tilespmem:$0x10200] =	vst v63  }
0x61: {  	_ =	swait.ge [sflag:s26], $0x4000  }
0x62: {  	[sflag:s26] =	ssyncset.done $0x0  }
0x63: {  	[sflag:s26] =	ssyncadd.s32 $0xFFFFC000  }
0x64: {  	_ =	swait.ge [sflag:s26], $0x4000  }
0x65: {  	[sflag:s26] =	ssyncset.done $0x0  }
0x66: {  	[sflag:s26] =	ssyncadd.s32 $0xFFFFC000  }
0x67: {  	_ =	swait.ge [sflag:s28], $0x80  }
0x68: {  	[sflag:s28] =	ssyncset.done $0x0  }
0x69: {  	[sflag:s28] =	ssyncadd.s32 $0xFFFFFF80  }
0x6a: {  	_ =	swait.ge [sflag:s28], $0x80  }
0x6b: {  	[sflag:s28] =	ssyncset.done $0x0  }
0x6c: {  	[sflag:s28] =	ssyncadd.s32 $0xFFFFFF80  }
0x6d: {  	_ =	swait.ge [sflag:s2], $0x4000  }
0x6e: {  	[sflag:s2] =	ssyncset.done $0x0  }
0x6f: {  	[sflag:s2] =	ssyncadd.s32 $0xFFFFC000  }
0x70: {  	_ =	swait.ge [sflag:s2], $0x4000  }
0x71: {  	[sflag:s2] =	ssyncset.done $0x0  }
0x72: {  	s18 =	smin.u32 s3, $0x4D;
	[sflag:s2] =	ssyncadd.s32 $0xFFFFC000  }
0x73: {  	[tilespmem:s29], [sflag:$0x4] =	stream.indirect.gather [hbm4b:s4+s21], $0x80, s21, s21, $0xb8;
	[tilespmem:$0x10200] =	vst v63  }
0x74: {  	s18 =	sshll.u32 s18, $0x7;
	s14 =	rddreg [dreg:$0x3]  }
0x75: {  	[tilespmem:s30], [sflag:$0x4] =	stream.indirect.gather [hbm4b:s5+s21], $0x80, s22, s21, $0xb8;
	[tilespmem:$0x10200] =	vst v63  }
0x76: {  	s8 =	sadd.s32 $0x1000, s8;
	s12 =	sadd.s32 s18, s14  }
0x77: {  	[hbm4b:s8+s3] =	stream.linear.scatter [tilespmem:s24], [sflag:$0x5], $0x4000, $0x38;
	[tilespmem:$0x10200] =	vst v63  }
0x78: {  	s15 =	sadd.s32 $0x1000, s11;
	s18 =	sshrl.u32 s12, $0x3  }
0x79: {  	[hbm4b:s15+s3] =	stream.linear.scatter [tilespmem:s25], [sflag:$0x5], $0x4000, $0x38;
	[tilespmem:$0x10200] =	vst v63  }
0x7a: {  	s11 =	simm.s32 $0x0;
	s19 =	sadd.s32 s1, s18;
	s12 =	sadd.s32 s6, s18  }
0x7b: {  	[tilespmem:s3], [sflag:$0x1] =	stream.linear.gather [hbm4b:s19+s3], $0x80, $0x38;
	[tilespmem:$0x10200] =	vst v63  }
0x7c: {  	s18 =	smov.u32 s9;
	s8 =	simm.s32 $0x1000;
	s19 =	smov.u32 s10  }
.LBB2_2:
0x7d: {  	[tilespmem:s20], [sflag:$0x1] =	stream.linear.gather [hbm4b:s12+s3], $0x80, $0x38;
	[tilespmem:$0x10200] =	vst v63  }
0x7e: {  	_ =	swait.ge [sflag:s31], $0x4000  }
0x7f: {  	[sflag:s31] =	ssyncset.done $0x0  }
0x80: {  	[sflag:s31] =	ssyncadd.s32 $0xFFFFC000  }
0x81: {  	_ =	swait.ge [sflag:s31], $0x4000  }
0x82: {  	[sflag:s31] =	ssyncset.done $0x0  }
0x83: {  	[sflag:s31] =	ssyncadd.s32 $0xFFFFC000  }
0x84: {  	_ =	swait.ge [sflag:s23], $0x80  }
0x85: {  	[sflag:s23] =	ssyncset.done $0x0  }
0x86: {  	[sflag:s23] =	ssyncadd.s32 $0xFFFFFF80  }
0x87: {  	_ =	swait.ge [sflag:s23], $0x80  }
0x88: {  	[sflag:s23] =	ssyncset.done $0x0  }
0x89: {  	[sflag:s23] =	ssyncadd.s32 $0xFFFFFF80  }
0x8a: {  	_ =	swait.ge [sflag:s0], $0x4000  }
0x8b: {  	[sflag:s0] =	ssyncset.done $0x0  }
0x8c: {  	[sflag:s0] =	ssyncadd.s32 $0xFFFFC000  }
0x8d: {  	_ =	swait.ge [sflag:s0], $0x4000  }
0x8e: {  	[sflag:s0] =	ssyncset.done $0x0  }
0x8f: {  	s13 =	smov.u32 s8;
	s15 =	rddreg [dreg:$0x4];
	[sflag:s0] =	ssyncadd.s32 $0xFFFFC000  }
0x90: {  	[tilespmem:s24], [sflag:$0x3] =	stream.indirect.gather [hbm4b:s4+s21], $0x80, s3, s21, $0xb8;
	[tilespmem:$0x10200] =	vst v63  }
0x91: {  	s14 =	rddreg [dreg:$0x5];
	s12 =	sadd.s32 s13, s15  }
0x92: {  	[tilespmem:s25], [sflag:$0x3] =	stream.indirect.gather [hbm4b:s5+s21], $0x80, s20, s21, $0xb8;
	[tilespmem:$0x10200] =	vst v63  }
0x93: {  	s13 =	sadd.s32 s13, s14;
	s15 =	sadd.s32 $0x800, s12  }
0x94: {  	[hbm4b:s15+s3] =	stream.linear.scatter [tilespmem:s29], [sflag:$0x6], $0x4000, $0x38;
	[tilespmem:$0x10200] =	vst v63  }
0x95: {  	s14 =	sadd.s32 $0x800, s13  }
0x96: {  	[hbm4b:s14+s3] =	stream.linear.scatter [tilespmem:s30], [sflag:$0x6], $0x4000, $0x38;
	[tilespmem:$0x10200] =	vst v63  }
0x97: {  	s19 =	sadd.s32 $0x20, s19  }
0x98: {  	[tilespmem:s21], [sflag:$0x2] =	stream.linear.gather [hbm4b:s19+s3], $0x80, $0x38;
	[tilespmem:$0x10200] =	vst v63  }
0x99: {  	s18 =	sadd.s32 $0x20, s18  }
0x9a: {  	[tilespmem:s22], [sflag:$0x2] =	stream.linear.gather [hbm4b:s18+s3], $0x80, $0x38;
	[tilespmem:$0x10200] =	vst v63  }
0x9b: {  	_ =	swait.ge [sflag:s26], $0x4000  }
0x9c: {  	[sflag:s26] =	ssyncset.done $0x0  }
0x9d: {  	[sflag:s26] =	ssyncadd.s32 $0xFFFFC000  }
0x9e: {  	_ =	swait.ge [sflag:s26], $0x4000  }
0x9f: {  	[sflag:s26] =	ssyncset.done $0x0  }
0xa0: {  	[sflag:s26] =	ssyncadd.s32 $0xFFFFC000  }
0xa1: {  	_ =	swait.ge [sflag:s28], $0x80  }
0xa2: {  	[sflag:s28] =	ssyncset.done $0x0  }
0xa3: {  	[sflag:s28] =	ssyncadd.s32 $0xFFFFFF80  }
0xa4: {  	_ =	swait.ge [sflag:s28], $0x80  }
0xa5: {  	[sflag:s28] =	ssyncset.done $0x0  }
0xa6: {  	[sflag:s28] =	ssyncadd.s32 $0xFFFFFF80  }
0xa7: {  	_ =	swait.ge [sflag:s2], $0x4000  }
0xa8: {  	[sflag:s2] =	ssyncset.done $0x0  }
0xa9: {  	[sflag:s2] =	ssyncadd.s32 $0xFFFFC000  }
0xaa: {  	_ =	swait.ge [sflag:s2], $0x4000  }
0xab: {  	[sflag:s2] =	ssyncset.done $0x0  }
0xac: {  	s11 =	sadd.s32 $0x2, s11;
	[sflag:s2] =	ssyncadd.s32 $0xFFFFC000  }
0xad: {  	[tilespmem:s29], [sflag:$0x4] =	stream.indirect.gather [hbm4b:s4+s21], $0x80, s21, s21, $0xb8;
	[tilespmem:$0x10200] =	vst v63  }
0xae: {  	p0 =	sne.s32 s8, $0x27000;
	s15 =	smin.u32 s11, $0x4D  }
0xaf: {  	[tilespmem:s30], [sflag:$0x4] =	stream.indirect.gather [hbm4b:s5+s21], $0x80, s22, s21, $0xb8;
	[tilespmem:$0x10200] =	vst v63  }
0xb0: {  	s12 =	sadd.s32 $0x1000, s12;
	s15 =	sshll.u32 s15, $0x7;
	s14 =	rddreg [dreg:$0x3]  }
0xb1: {  	[hbm4b:s12+s3] =	stream.linear.scatter [tilespmem:s24], [sflag:$0x5], $0x4000, $0x38;
	[tilespmem:$0x10200] =	vst v63  }
.Ltmp0:
0xb2: {  	s14 =	sadd.s32 s15, s14;
	(pc) =	sbr.rel @p0 .LBB2_2-.Ltmp0, $4  }
0xb3: {  	s13 =	sadd.s32 $0x1000, s13;
	s14 =	sshrl.u32 s14, $0x3  }
0xb4: {  	[hbm4b:s13+s3] =	stream.linear.scatter [tilespmem:s25], [sflag:$0x5], $0x4000, $0x38;
	[tilespmem:$0x10200] =	vst v63  }
0xb5: {  	s8 =	sadd.s32 $0x1000, s8;
	s15 =	sadd.s32 s1, s14;
	s12 =	sadd.s32 s6, s14  }
0xb6: {  	[tilespmem:s3], [sflag:$0x1] =	stream.linear.gather [hbm4b:s15+s3], $0x80, $0x38;
	[tilespmem:$0x10200] =	vst v63  }
0xb7: {  	[tilespmem:s20], [sflag:$0x1] =	stream.linear.gather [hbm4b:s12+s3], $0x80, $0x38;
	[tilespmem:$0x10200] =	vst v63  }
0xb8: {  	_ =	swait.ge [sflag:s31], $0x4000  }
0xb9: {  	[sflag:s31] =	ssyncset.done $0x0  }
0xba: {  	[sflag:s31] =	ssyncadd.s32 $0xFFFFC000  }
0xbb: {  	_ =	swait.ge [sflag:s31], $0x4000  }
0xbc: {  	[sflag:s31] =	ssyncset.done $0x0  }
0xbd: {  	[sflag:s31] =	ssyncadd.s32 $0xFFFFC000  }
0xbe: {  	_ =	swait.ge [sflag:s0], $0x4000  }
0xbf: {  	[sflag:s0] =	ssyncset.done $0x0  }
0xc0: {  	[sflag:s0] =	ssyncadd.s32 $0xFFFFC000  }
0xc1: {  	_ =	swait.ge [sflag:s0], $0x4000  }
0xc2: {  	[sflag:s0] =	ssyncset.done $0x0  }
0xc3: {  	s8 =	rddreg [dreg:$0xe];
	[sflag:s0] =	ssyncadd.s32 $0xFFFFC000  }
0xc4: {  	[hbm4b:s8+s3] =	stream.linear.scatter [tilespmem:s29], [sflag:$0x6], $0x4000, $0x38;
	[tilespmem:$0x10200] =	vst v63  }
0xc5: {  	_ = 	snop  }
0xc6: {  	[hbm4b:s16+s3] =	stream.linear.scatter [tilespmem:s30], [sflag:$0x6], $0x4000, $0x38;
	[tilespmem:$0x10200] =	vst v63  }
0xc7: {  	_ =	swait.ge [sflag:s2], $0x4000  }
0xc8: {  	[sflag:s2] =	ssyncset.done $0x0  }
0xc9: {  	[sflag:s2] =	ssyncadd.s32 $0xFFFFC000  }
0xca: {  	_ =	swait.ge [sflag:s2], $0x4000  }
0xcb: {  	[sflag:s2] =	ssyncset.done $0x0  }
0xcc: {  	s7 =	sadd.s32 $0x1, s7;
	[sflag:s2] =	ssyncadd.s32 $0xFFFFC000  }
0xcd: {  	p0 =	sne.s32 s7, s17;
	_ =	swait.ge [sflag:s23], $0x80  }
.Ltmp1:
0xce: {  	[sflag:s23] =	ssyncset.done $0x0;
	(pc) =	sbr.rel @p0 .LBB2_1-.Ltmp1, $4  }
0xcf: {  	[sflag:s23] =	ssyncadd.s32 $0xFFFFFF80  }
0xd0: {  	_ =	swait.ge [sflag:s23], $0x80  }
0xd1: {  	[sflag:s23] =	ssyncset.done $0x0  }
0xd2: {  	[sflag:s23] =	ssyncadd.s32 $0xFFFFFF80  }
0xd3: {  	_ =	sfence.sel $0x180000  }
0xd4: {  	[bflag:$0x0] =	sbarrier.arrive $0xFFFF  }
0xd5: {  	_ =	strace $0x9000004D  }
0xd6: {  	s0 =	stileid.u32;
	[bflag:$0x2] =	sbarrier.arrive $0xFFFF  }
0xd7: {  	p0 =	sne.s32 s0, $0x0;
	s0 =	rddreg [dreg:$0x2]  }
0xd8: {  	s0 =	sadd.s32 @!p0 $0x100000, s0  }
0xd9: {  	[sflag:s0] =	ssyncadd.tile.s32 @!p0 $0x1;
	_ =	shalt  }
.Lfunc_end2:
_tile_overlayer_lowered:
.L_overlay_start_2:
0xda: {  	(tag) =	ssettag $0x2  }
0xdb: {  	s0 =	rddreg [dreg:$0x0];
	s2 =	stileid.u32  }
0xdc: {  	s1 =	rddreg [dreg:$0x1];
	p0 =	sne.s32 s2, $0x0  }
0xdd: {  	s3 =	rddreg [dreg:$0x2];
	[bflag:$0x3] =	sbarrier.arrive $0xFFFF;
	s2 =	simm.s32 @!p0 $0x1C07  }
0xde: {  	[timem:s3], [sflag:s2] =	dma.local @!p0 [hbm:s0], s1  }
0xdf: {  	s0 =	simm.s32 @!p0 $0x7  }
0xe0: {  	_ =	swait.ge @!p0 [sflag:s0], s1  }
0xe1: {  	s1 =	ssub.s32 @!p0 $0x0, s1;
	[sflag:s0] =	ssyncset.done @!p0 $0x0  }
0xe2: {  	[sflag:s0] =	ssyncadd.s32 @!p0 s1  }
0xe3: {  	[bflag:$0x3] =	sbarrier.arrive $0xFFFF  }
0xe4: {  	_ =	shalt  }

// kernel: kernel.20.cloned.1.call-start
scs
__scs_entry_jumppad:
0x0: {  	(pc) =	sbr.rel $0x88, $3  }
0x1: {  	(tag) =	ssettag $0x0;
	lr =	simm.s32 $0x1  }
0x2: {  	[smem:$0x3F93] =	sst lr;
	_ =	strace $0xD0000000  }
0x3: {  	_ = 	snop  }
0x4: {  	_ = 	snop  }
0x5: {  	_ = 	snop  }
0x6: {  	_ = 	snop  }
0x7: {  	_ = 	snop  }
__scs_overlays_trampoline_lowered:
0x8: {  	[smem:$0x3FA2] =	sst s0  }
0x9: {  	[smem:$0x3FA3] =	sst s1  }
0xa: {  	[smem:$0x3FA4] =	sst s2  }
0xb: {  	[smem:$0x3FA5] =	sst s3  }
0xc: {  	[smem:$0x3FA6] =	sst s4  }
0xd: {  	[smem:$0x3FA7] =	sst s5  }
0xe: {  	[smem:$0x3FA8] =	sst s6  }
0xf: {  	[smem:$0x3FA9] =	sst s7  }
0x10: {  	[smem:$0x3FAA] =	sst s8  }
0x11: {  	[smem:$0x3FAB] =	sst s9;
	s0 =	simm.s32 @!p0 $0x0  }
0x12: {  	s1 =	sld [smem:$0x3F91];
	s0 =	simm.s32 @p0 $0x1  }
0x13: {  	[smem:$0x3FAC] =	sst s0;
	s0 =	simm.s32 @!p1 $0x0  }
0x14: {  	s2 =	sld [smem:$0x3F90];
	s0 =	simm.s32 @p1 $0x1  }
0x15: {  	[smem:$0x3FAD] =	sst s0;
	s0 =	simm.s32 @!p2 $0x0  }
0x16: {  	s3 =	sld [smem:$0x3FDB];
	s0 =	simm.s32 @p2 $0x1  }
0x17: {  	s4 =	simm.s32 $0x1BF5;
	[smem:$0x3FAF] =	sst s0  }
0x18: {  	s0 =	sld [smem:$0x3F92];
	_ =	swait.ge [sflag:s4], $0x0  }
0x19: {  	s7 =	sld [smem:$0x3F93]  }
0x1a: {  	s8 =	sadd.s32 $0xFFFFE003, lr  }
0x1b: {  	s9 =	sadd.s32 $0xFFFFFEF7, lr;
	s5 =	simm.s32 $0xFFFFFFFF;
	p2 =	slt.u32 s8, $0xFFFFF086  }
0x1c: {  	p1 =	slt.u32 s9, $0xF7A;
	s5 =	simm.s32 @!p2 $0x0  }
0x1d: {  	s5 =	simm.s32 @p1 $0x1;
	p0 =	seq.s32 s7, s2  }
0x1e: {  	s7 =	smul.u32 @!p0 $0xF7A, s2;
	p2 =	seq.s32 @!p0 s5, $0x0  }
0x1f: {  	s9 =	smul.u32 $0xF7A, s1;
	s8 =	simm.s32 @!p0 $0x1BF5;
	p2 =	por !p2, p0  }
0x20: {  	[sflag:s8] =	ssyncset.s32 @!p0 $0xFFFFF086;
	s6 =	sadd.s32 @!p0 s3, s7;
	s7 =	simm.s32 @!p0 $0x108  }
0x21: {  	s3 =	sadd.s32 s3, s9;
	s6 =	sadd.s32 @!p0 $0x88, s6;
	s7 =	simm.s32 @p2 $0x1082  }
0x22: {  	[simem:s7], [sflag:s8] =	dma.local @!p0 [hbm:s6], $0xF7A  }
0x23: {  	s9 =	sor.u32 $0xD0000000, s2;
	s6 =	simm.s32 $0x108;
	_ =	swait.ge @!p0 [sflag:s8], $0x0  }
0x24: {  	s3 =	sadd.s32 $0x88, s3;
	s6 =	simm.s32 @!p1 $0x1082;
	[sflag:s4] =	ssyncset.s32 $0xFFFFF086  }
0x25: {  	[simem:s6], [sflag:s4] =	dma.local [hbm:s3], $0xF7A  }
0x26: {  	[smem:$0x3F93] =	sst s1;
	(tag) =	ssettag s2;
	_ =	strace s9  }
0x27: {  	s1 =	sld [smem:$0x3FA3]  }
0x28: {  	s2 =	sld [smem:$0x3FA4]  }
0x29: {  	s4 =	sld [smem:$0x3FA6]  }
0x2a: {  	p0 =	seq.s32 s5, $0x0;
	s5 =	sld [smem:$0x3FA7]  }
0x2b: {  	s6 =	sld [smem:$0x3FA8]  }
0x2c: {  	s7 =	sld [smem:$0x3FA9]  }
0x2d: {  	s3 =	simm.s32 $0x108;
	s8 =	sld [smem:$0x3FAA]  }
0x2e: {  	s3 =	simm.s32 @!p0 $0x1082;
	s9 =	sld [smem:$0x3FAB]  }
0x2f: {  	lr =	sadd.s32 s0, s3;
	s0 =	sld [smem:$0x3FA2]  }
0x30: {  	s3 =	sld [smem:$0x3FA5]  }
0x31: {  	[smem:$0x3FAE] =	sst s10  }
0x32: {  	s10 =	sld [smem:$0x3FAC];
	_ =	sdelay $0x3  }
0x33: {  	p0 =	seq.s32 s10, $0x1;
	s10 =	sld [smem:$0x3FAE];
	_ =	sdelay $0x3  }
0x34: {  	[smem:$0x3FAE] =	sst s10  }
0x35: {  	s10 =	sld [smem:$0x3FAD];
	_ =	sdelay $0x3  }
0x36: {  	p1 =	seq.s32 s10, $0x1;
	s10 =	sld [smem:$0x3FAE];
	_ =	sdelay $0x3  }
0x37: {  	[smem:$0x3FAE] =	sst s10  }
0x38: {  	s10 =	sld [smem:$0x3FAF]  }
0x39: {  	_ = 	snop;
	(pc) =	sbr.ind lr, $3  }
0x3a: {  	_ = 	snop  }
0x3b: {  	_ = 	snop  }
0x3c: {  	p2 =	seq.s32 s10, $0x1;
	s10 =	sld [smem:$0x3FAE]  }
0x3d: {  	_ =	shalt  }
0x3e: {  	_ =	shalt  }
0x3f: {  	_ =	shalt  }
0x40: {  	_ =	shalt  }
0x41: {  	_ =	shalt  }
0x42: {  	_ =	shalt  }
0x43: {  	_ =	shalt  }
0x44: {  	_ =	shalt  }
0x45: {  	_ =	shalt  }
0x46: {  	_ =	shalt  }
0x47: {  	_ =	shalt  }
0x48: {  	_ =	shalt  }
0x49: {  	_ =	shalt  }
0x4a: {  	_ =	shalt  }
0x4b: {  	_ =	shalt  }
0x4c: {  	_ =	shalt  }
0x4d: {  	_ =	shalt  }
0x4e: {  	_ =	shalt  }
0x4f: {  	_ =	shalt  }
0x50: {  	_ =	shalt  }
0x51: {  	_ =	shalt  }
0x52: {  	_ =	shalt  }
0x53: {  	_ =	shalt  }
0x54: {  	_ =	shalt  }
0x55: {  	_ =	shalt  }
0x56: {  	_ =	shalt  }
0x57: {  	_ =	shalt  }
0x58: {  	_ =	shalt  }
0x59: {  	_ =	shalt  }
0x5a: {  	_ =	shalt  }
0x5b: {  	_ =	shalt  }
0x5c: {  	_ =	shalt  }
0x5d: {  	_ =	shalt  }
0x5e: {  	_ =	shalt  }
0x5f: {  	_ =	shalt  }
0x60: {  	_ =	shalt  }
0x61: {  	_ =	shalt  }
0x62: {  	_ =	shalt  }
0x63: {  	_ =	shalt  }
0x64: {  	_ =	shalt  }
0x65: {  	_ =	shalt  }
0x66: {  	_ =	shalt  }
0x67: {  	_ =	shalt  }
0x68: {  	_ =	shalt  }
0x69: {  	_ =	shalt  }
0x6a: {  	_ =	shalt  }
0x6b: {  	_ =	shalt  }
0x6c: {  	_ =	shalt  }
0x6d: {  	_ =	shalt  }
0x6e: {  	_ =	shalt  }
0x6f: {  	_ =	shalt  }
0x70: {  	_ =	shalt  }
0x71: {  	_ =	shalt  }
0x72: {  	_ =	shalt  }
0x73: {  	_ =	shalt  }
0x74: {  	_ =	shalt  }
0x75: {  	_ =	shalt  }
0x76: {  	_ =	shalt  }
0x77: {  	_ =	shalt  }
0x78: {  	_ =	shalt  }
0x79: {  	_ =	shalt  }
0x7a: {  	_ =	shalt  }
0x7b: {  	_ =	shalt  }
0x7c: {  	_ =	shalt  }
0x7d: {  	_ =	shalt  }
0x7e: {  	_ =	shalt  }
0x7f: {  	_ =	shalt  }
0x80: {  	_ =	shalt  }
0x81: {  	_ =	shalt  }
0x82: {  	_ =	shalt  }
0x83: {  	_ =	shalt  }
0x84: {  	_ =	shalt  }
0x85: {  	_ =	shalt  }
0x86: {  	_ =	shalt  }
0x87: {  	_ =	shalt  }
.Lfunc_end0:
.L_simem_size_0:
called_computation.3_lowered:
.L_overlay_start_0:
0x88: {  	s2 =	sld [smem:$0x3FD9]  }
0x89: {  	s3 =	sld [smem:$0x3FFE];
	_ =	sdelay $0x1  }
0x8a: {  	s1 =	srdreg.scid  }
0x8b: {  	s0 =	sand.u32 $0x1, s1  }
0x8c: {  	s17 =	sshll.u32 s0, $0xA;
	s2 =	sadd.s32 s3, s2  }
0x8d: {  	s2 =	sadd.s32 s2, s17  }
0x8e: {  	[smem:$0x3FBA] =	sst s2  }
0x8f: {  	_ = 	snop  }
0x90: {  	s2 =	sld [smem:$0x3FD0];
	(tm) =	ssettm $0x1  }
0x91: {  	s18 =	sld [smem:$0x3FFB];
	_ =	sdelay $0x3  }
0x92: {  	_ =	strace s18  }
0x93: {  	s3 =	sld [smem:$0x3FFC];
	_ =	sdelay $0x3  }
0x94: {  	_ =	strace s3  }
0x95: {  	s3 =	sld [smem:$0x3FFD];
	_ =	sdelay $0x3  }
0x96: {  	_ =	strace s3  }
0x97: {  	_ =	strace $0x8FFFFFFF  }
0x98: {  	s19 =	sld [smem:$0x3FDB];
	_ =	sdelay $0x1  }
0x99: {  	s4 =	simm.s32 $_scs_section_size  }
0x9a: {  	s5 =	simm.s32 $_size__tile_overlayer_lowered;
	s6 =	simm.s32 $_tile_overlayer_lowered  }
0x9b: {  	s22 =	simm.s32 $0x1BFF;
	s21 =	sshll.u32 s6, $0x1;
	s3 =	sadd.s32 s4, s19  }
0x9c: {  	s7 =	simm.s32 $0x0;
	s20 =	sshll.u32 s5, $0x1;
	s5 =	sadd.s32 s21, s3  }
0x9d: {  	[timem:s7], [sflag:s22] =	dma.local [hbm:s5], s20  }
0x9e: {  	_ =	swait.ge [sflag:s22], s20  }
0x9f: {  	s4 =	ssub.s32 $0x0, s20;
	[sflag:s22] =	ssyncset.done $0x0  }
0xa0: {  	[sflag:s22] =	ssyncadd.s32 s4;
	_ =	sdelay $0x1  }
0xa1: {  	s23 =	simm.s32 $0x1B8B  }
0xa2: {  	_ =	swait.ge [sflag:s23], $0x1  }
0xa3: {  	[sflag:s23] =	ssyncset.done $0x0  }
0xa4: {  	s25 =	simm.s32 $0x1B8E;
	s24 =	sld [smem:$0x3FFE];
	[sflag:s23] =	ssyncadd.s32 $0xFFFFFFFF  }
0xa5: {  	s26 =	simm.s32 $execute0_lowered;
	[smem:$0x3FD2] =	sst s25  }
0xa6: {  	s5 =	sshll.u32 s26, $0x1;
	_ =	strace $0x8000004F;
	[dreg:$0x1] =	wrdreg $0xFFFFFFFF  }
0xa7: {  	s28 =	simm.s32 $_size_execute0_lowered;
	s3 =	sadd.s32 s3, s5;
	[dreg:$0x0] =	wrdreg $0x0  }
0xa8: {  	s5 =	sshll.u32 s28, $0x1;
	[dreg:$0x2] =	wrdreg s3  }
0xa9: {  	[dreg:$0x3] =	wrdreg s5  }
0xaa: {  	[dreg:$0x4] =	wrdreg $0xC0  }
0xab: {  	_ =	task [dreg:s7], $0x5FFFF  }
0xac: {  	[dreg:$0x1] =	wrdreg $0xFFFFFFFF  }
0xad: {  	[dreg:$0x0] =	wrdreg $0x60  }
0xae: {  	[dreg:$0x2] =	wrdreg s24  }
0xaf: {  	[dreg:$0x3] =	wrdreg s2  }
0xb0: {  	[dreg:$0x4] =	wrdreg $0xAA000  }
0xb1: {  	[dreg:$0x5] =	wrdreg $0x9  }
0xb2: {  	_ =	task.clear_ibuf [dreg:s7], $0x6FFFF;
	_ =	strace $0x9000004F  }
0xb3: {  	s29 =	simm.s32 $0x9;
	_ =	strace $0x80000051  }
0xb4: {  	_ =	swait.ge [sflag:s29], $0x1  }
0xb5: {  	[sflag:s29] =	ssyncadd.s32 $0xFFFFFFFF  }
0xb6: {  	_ =	strace $0x90000051  }
0xb7: {  	_ =	sfence  }
0xb8: {  	s30 =	sld [smem:$0x0];
	_ =	sdelay $0x2  }
0xb9: {  	s31 =	sshll.u32 s1, $0xD;
	s1 =	sshrl.u32 s1, $0x2  }
0xba: {  	s3 =	sand.u32 $0x4000, s31;
	s1 =	sadd.s32 s1, s30  }
0xbb: {  	s0 =	sor.u32 s3, s0;
	s1 =	sshll.u32 s1, $0x11  }
0xbc: {  	s0 =	sor.u32 s1, s0  }
0xbd: {  	s0 =	sadd.s32 $0x8F2B, s0  }
0xbe: {  	[sflag:s0] =	ssyncadd.remote.s32 $0x1  }
0xbf: {  	_ =	sfence.sel $0xFFFF  }
0xc0: {  	[dreg:$0x0] =	wrdreg $0xFFFFFFFF;
	(pc) =	sbr.abs _section_cstart, $3  }
0xc1: {  	[dreg:$0x1] =	wrdreg $0xFFFFFFFF  }
0xc2: {  	_ =	task.clear_ibuf [dreg:s7], $0x2FFFF;
	_ =	strace $0x9FFFFFFF  }
0xc3: {  	(tm) =	ssettm $0x7FFFFFFF  }
tec
execute0_lowered:
.L_overlay_start_1:
0x0: {  	(tag) =	ssettag $0x1  }
0x1: {  	s0 =	rddreg [dreg:$0x0]  }
0x2: {  	s1 =	srdreg.scid;
	s2 =	rddreg [dreg:$0x1]  }
0x3: {  	s3 =	rddreg [dreg:$0x2];
	s21 =	stileid.u32  }
0x4: {  	s4 =	simm.s32 $0x0;
	s28 =	simm.s32 $0x8180;
	s29 =	simm.s32 $0x1  }
0x5: {  	s30 =	simm.s32 $0x8200;
	s31 =	simm.s32 $0x2;
	s11 =	smul.u32 $0x50000, s21  }
0x6: {  	s1 =	sand.u32 $0x1, s1;
	[smem:$0x7FF] =	sst s4;
	s26 =	smul.u32 $0x2800, s21  }
0x7: {  	s6 =	sshll.u32 s21, $0x7;
	s5 =	sshll.u32 s1, $0x4;
	s7 =	smul.u32 $0x28000, s1  }
0x8: {  	_ =	strace $0x80000050;
	s10 =	sand.u32 $0x380, s6;
	s1 =	ssub.s32 $0x2, s1  }
0x9: {  	s6 =	sadd.s32 $0x4E00, s0;
	s8 =	sor.u32 s21, s5;
	s18 =	sshrl.u32 s1, $0x1  }
0xa: {  	s17 =	sshrl.u32 s11, $0x2;
	s1 =	ssub.s32 s1, s18;
	s18 =	smul.u32 $0x2900, s8  }
0xb: {  	s21 =	simm.s32 $0x100;
	s5 =	sshrl.u32 s8, $0x3;
	s8 =	smul.u32 $0x29000, s8  }
0xc: {  	s20 =	sadd.s32 s7, s0;
	s9 =	smul.u32 $0x14000, s5;
	s5 =	sadd.s32 $0xA9F200, s0  }
0xd: {  	s25 =	sadd.s32 $0xF200, s20;
	s20 =	smax.u32 s1, $0x1;
	s1 =	simm.s32 $0x0  }
0xe: {  	s14 =	sshrl.u32 s18, $0x3;
	s13 =	sadd.s32 s5, s8;
	s24 =	sadd.s32 $0x100, s18  }
0xf: {  	s16 =	sor.u32 s10, s9;
	s12 =	sadd.s32 s6, s14;
	s14 =	sadd.s32 s2, s14  }
0x10: {  	[dreg:$0x4] =	wrdreg s24;
	s24 =	sadd.s32 s26, s25;
	s25 =	simm.s32 $0x80  }
0x11: {  	s26 =	simm.s32 $0x4100;
	s7 =	sshrl.u32 s16, $0x3;
	s16 =	sor.u32 $0x80, s18  }
0x12: {  	s18 =	sadd.s32 $0x180, s18;
	s0 =	sadd.s32 s7, s0;
	s7 =	sadd.s32 s17, s3  }
0x13: {  	s23 =	sshrl.u32 s16, $0x3;
	s16 =	sshll.u32 s16, $0x4;
	s9 =	sadd.s32 $0x4000, s7  }
0x14: {  	s19 =	sadd.s32 $0x8000, s7;
	s22 =	sadd.s32 $0xC000, s7;
	s11 =	sadd.s32 $0x10000, s7  }
0x15: {  	s15 =	sadd.s32 s6, s23;
	s16 =	sadd.s32 s5, s16;
	[dreg:$0x5] =	wrdreg s9  }
0x16: {  	s17 =	sadd.s32 s2, s23;
	s23 =	simm.s32 $0x8100;
	[dreg:$0x6] =	wrdreg s19  }
0x17: {  	v0 =	vimm.f32 $0.0e+00;
	[dreg:$0x7] =	wrdreg s22;
	s19 =	sadd.s32 $0x5F200, s0;
	s22 =	simm.s32 $0x3  }
.LBB2_1:
0x18: {  	s0 =	simm.s32 $0x0;
	s8 =	simm.s32 $0x200  }
.LBB2_2:
0x19: {  	p0 =	sne.s32 s8, $0xFE00;
	[tilespmem:s0+$0x170] =	vst v0  }
0x1a: {  	[tilespmem:s0+$0x100] =	vst v0  }
0x1b: {  	[tilespmem:s0+$0x110] =	vst v0  }
.Ltmp0:
0x1c: {  	[tilespmem:s0+$0x120] =	vst v0;
	(pc) =	sbr.rel @p0 .LBB2_2-.Ltmp0, $4  }
0x1d: {  	[tilespmem:s0+$0x130] =	vst v0  }
0x1e: {  	[tilespmem:s0+$0x140] =	vst v0  }
0x1f: {  	[tilespmem:s0+$0x150] =	vst v0  }
0x20: {  	[tilespmem:s0+$0x160] =	vst v0;
	s0 =	sshra.s32 s8, $0x2;
	s8 =	sadd.s32 $0x200, s8  }
0x21: {  	[tilespmem:s0+$0x170] =	vst v0  }
0x22: {  	[tilespmem:s0+$0x100] =	vst v0  }
0x23: {  	[tilespmem:s0+$0x110] =	vst v0  }
0x24: {  	[tilespmem:s0+$0x120] =	vst v0  }
0x25: {  	[tilespmem:s0+$0x130] =	vst v0  }
0x26: {  	[tilespmem:s0+$0x140] =	vst v0  }
0x27: {  	[tilespmem:s0+$0x150] =	vst v0  }
0x28: {  	[tilespmem:s0+$0x160] =	vst v0;
	s0 =	simm.s32 $0x40;
	s8 =	simm.s32 $0x0  }
.LBB2_4:
0x29: {  	p0 =	sne.s32 s0, $0x9FC0;
	[tilespmem:s8+$0x8200] =	vst v0;
	s8 =	smov.u32 s0;
	s0 =	sadd.s32 $0x40, s0  }
.Ltmp1:
0x2a: {  	(pc) =	sbr.rel @p0 .LBB2_4-.Ltmp1, $2  }
0x2b: {  	_ =	sdelay $0x2  }
0x2c: {  	s8 =	sshra.s32 s8, $0x2  }
0x2d: {  	[tilespmem:s8+$0x8200] =	vst v0  }
0x2e: {  	[spmem:s7] =	stream.linear.scatter [tilespmem:s21], [sflag:$0x3], $0x4000, $0x38;
	[tilespmem:$0x1EA00] =	vst v63  }
0x2f: {  	_ =	swait.ge [sflag:s22], $0x4000  }
0x30: {  	[sflag:s22] =	ssyncset.done $0x0  }
0x31: {  	s0 =	rddreg [dreg:$0x5];
	[sflag:s22] =	ssyncadd.s32 $0xFFFFC000  }
0x32: {  	[spmem:s0] =	stream.linear.scatter [tilespmem:s21], [sflag:$0x3], $0x4000, $0x38;
	[tilespmem:$0x1EA00] =	vst v63  }
0x33: {  	_ =	swait.ge [sflag:s22], $0x4000  }
0x34: {  	[sflag:s22] =	ssyncset.done $0x0  }
0x35: {  	s9 =	rddreg [dreg:$0x6];
	[sflag:s22] =	ssyncadd.s32 $0xFFFFC000  }
0x36: {  	[spmem:s9] =	stream.linear.scatter [tilespmem:s21], [sflag:$0x3], $0x4000, $0x38;
	[tilespmem:$0x1EA00] =	vst v63  }
0x37: {  	_ =	swait.ge [sflag:s22], $0x4000  }
0x38: {  	[sflag:s22] =	ssyncset.done $0x0  }
0x39: {  	s10 =	rddreg [dreg:$0x7];
	[sflag:s22] =	ssyncadd.s32 $0xFFFFC000  }
0x3a: {  	[spmem:s10] =	stream.linear.scatter [tilespmem:s21], [sflag:$0x3], $0x4000, $0x38;
	[tilespmem:$0x1EA00] =	vst v63  }
0x3b: {  	_ =	swait.ge [sflag:s22], $0x4000  }
0x3c: {  	[sflag:s22] =	ssyncset.done $0x0  }
0x3d: {  	[sflag:s22] =	ssyncadd.s32 $0xFFFFC000  }
0x3e: {  	[spmem:s11] =	stream.linear.scatter [tilespmem:s21], [sflag:$0x3], $0x4000, $0x38;
	[tilespmem:$0x1EA00] =	vst v63  }
0x3f: {  	_ =	swait.ge [sflag:s22], $0x4000  }
0x40: {  	[sflag:s22] =	ssyncset.done $0x0  }
0x41: {  	s0 =	simm.s32 $0x0;
	[sflag:s22] =	ssyncadd.s32 $0xFFFFC000  }
0x42: {  	[tilespmem:s0], [sflag:$0x1] =	stream.linear.gather [hbm4b:s12+s0], $0x80, $0x38;
	[tilespmem:$0x1EA00] =	vst v63  }
0x43: {  	_ = 	snop  }
0x44: {  	[tilespmem:s21], [sflag:$0x1] =	stream.linear.gather [hbm4b:s13+s0], $0x4000, $0x38;
	[tilespmem:$0x1EA00] =	vst v63  }
0x45: {  	_ = 	snop  }
0x46: {  	[tilespmem:s23], [sflag:$0x1] =	stream.linear.gather [hbm4b:s14+s0], $0x80, $0x38;
	[tilespmem:$0x1EA00] =	vst v63  }
0x47: {  	_ = 	snop  }
0x48: {  	[tilespmem:s25], [sflag:$0x2] =	stream.linear.gather [hbm4b:s15+s0], $0x80, $0x38;
	[tilespmem:$0x1EA00] =	vst v63  }
0x49: {  	_ = 	snop  }
0x4a: {  	[tilespmem:s26], [sflag:$0x2] =	stream.linear.gather [hbm4b:s16+s0], $0x4000, $0x38;
	[tilespmem:$0x1EA00] =	vst v63  }
0x4b: {  	_ = 	snop  }
0x4c: {  	[tilespmem:s28], [sflag:$0x2] =	stream.linear.gather [hbm4b:s17+s0], $0x80, $0x38;
	[tilespmem:$0x1EA00] =	vst v63  }
0x4d: {  	[bflag:$0x0] =	sbarrier.arrive $0xFFFF  }
.LBB2_6:
0x4e: {  	_ =	swait.ge [sflag:s29], $0x80  }
0x4f: {  	[sflag:s29] =	ssyncset.done $0x0  }
0x50: {  	[sflag:s29] =	ssyncadd.s32 $0xFFFFFF80  }
0x51: {  	_ =	swait.ge [sflag:s29], $0x4000  }
0x52: {  	[sflag:s29] =	ssyncset.done $0x0  }
0x53: {  	[sflag:s29] =	ssyncadd.s32 $0xFFFFC000  }
0x54: {  	_ =	swait.ge [sflag:s29], $0x80  }
0x55: {  	[sflag:s29] =	ssyncset.done $0x0  }
0x56: {  	[sflag:s29] =	ssyncadd.s32 $0xFFFFFF80  }
0x57: {  	v1 =	vld [tilespmem:$0x0];
	_ =	sdelay $0x2  }
0x58: {  	v2 =	vld [tilespmem:$0x8100];
	_ =	sdelay $0x4  }
0x59: {  	[tilespmem:v1+s30+$0x0] =	vst.idx.add.f32.msk $0xffff, v2  }
0x5a: {  	v1 =	vld [tilespmem:$0x10];
	_ =	sdelay $0x2  }
0x5b: {  	v2 =	vld [tilespmem:$0x8110];
	_ =	sdelay $0x4  }
0x5c: {  	[tilespmem:v1+s30+$0x0] =	vst.idx.add.f32.msk $0xffff, v2  }
0x5d: {  	v1 =	vld [tilespmem:$0x20];
	_ =	sdelay $0x2  }
0x5e: {  	v2 =	vld [tilespmem:$0x8120];
	_ =	sdelay $0x4  }
0x5f: {  	[tilespmem:v1+s30+$0x0] =	vst.idx.add.f32.msk $0xffff, v2  }
0x60: {  	v1 =	vld [tilespmem:$0x30];
	_ =	sdelay $0x2  }
0x61: {  	v2 =	vld [tilespmem:$0x8130];
	_ =	sdelay $0x4  }
0x62: {  	[tilespmem:v1+s30+$0x0] =	vst.idx.add.f32.msk $0xffff, v2  }
0x63: {  	v1 =	vld [tilespmem:$0x40];
	_ =	sdelay $0x2  }
0x64: {  	v2 =	vld [tilespmem:$0x8140];
	_ =	sdelay $0x4  }
0x65: {  	[tilespmem:v1+s30+$0x0] =	vst.idx.add.f32.msk $0xffff, v2  }
0x66: {  	v1 =	vld [tilespmem:$0x50];
	_ =	sdelay $0x2  }
0x67: {  	v2 =	vld [tilespmem:$0x8150];
	_ =	sdelay $0x4  }
0x68: {  	[tilespmem:v1+s30+$0x0] =	vst.idx.add.f32.msk $0xffff, v2  }
0x69: {  	v1 =	vld [tilespmem:$0x60];
	_ =	sdelay $0x2  }
0x6a: {  	v2 =	vld [tilespmem:$0x8160];
	_ =	sdelay $0x4  }
0x6b: {  	[tilespmem:v1+s30+$0x0] =	vst.idx.add.f32.msk $0xffff, v2  }
0x6c: {  	v1 =	vld [tilespmem:$0x70];
	_ =	sdelay $0x2  }
0x6d: {  	v2 =	vld [tilespmem:$0x8170];
	_ =	sdelay $0x4  }
0x6e: {  	[tilespmem:v1+s30+$0x0] =	vst.idx.add.f32.msk $0xffff, v2  }
0x6f: {  	[spmem:s3] =	stream.indirect.scatter.add.f32 [tilespmem:s21], [sflag:$0x3], $0x80, s4, s25, $0xb8;
	[tilespmem:$0x1EA00] =	vst v63  }
0x70: {  	s9 =	smin.u32 s0, $0x4F;
	_ =	swait.ge [sflag:s22], $0x4000  }
0x71: {  	s9 =	sshll.u32 s9, $0x7;
	s8 =	rddreg [dreg:$0x4]  }
0x72: {  	s8 =	sadd.s32 s9, s8  }
0x73: {  	[sflag:s22] =	ssyncset.done $0x0;
	s9 =	sshrl.u32 s8, $0x3  }
0x74: {  	[sflag:s22] =	ssyncadd.s32 $0xFFFFC000;
	s8 =	sshll.u32 s8, $0x4;
	s10 =	sadd.s32 s6, s9  }
0x75: {  	[tilespmem:s4], [sflag:$0x1] =	stream.linear.gather [hbm4b:s10+s4], $0x80, $0x38;
	[tilespmem:$0x1EA00] =	vst v63  }
0x76: {  	s8 =	sadd.s32 s5, s8  }
0x77: {  	[tilespmem:s21], [sflag:$0x1] =	stream.linear.gather [hbm4b:s8+s4], $0x4000, $0x38;
	[tilespmem:$0x1EA00] =	vst v63  }
0x78: {  	s10 =	sadd.s32 s2, s9  }
0x79: {  	[tilespmem:s23], [sflag:$0x1] =	stream.linear.gather [hbm4b:s10+s4], $0x80, $0x38;
	[tilespmem:$0x1EA00] =	vst v63  }
0x7a: {  	_ =	swait.ge [sflag:s31], $0x80  }
0x7b: {  	[sflag:s31] =	ssyncset.done $0x0  }
0x7c: {  	[sflag:s31] =	ssyncadd.s32 $0xFFFFFF80  }
0x7d: {  	_ =	swait.ge [sflag:s31], $0x4000  }
0x7e: {  	[sflag:s31] =	ssyncset.done $0x0  }
0x7f: {  	[sflag:s31] =	ssyncadd.s32 $0xFFFFC000  }
0x80: {  	_ =	swait.ge [sflag:s31], $0x80  }
0x81: {  	[sflag:s31] =	ssyncset.done $0x0  }
0x82: {  	[sflag:s31] =	ssyncadd.s32 $0xFFFFFF80  }
0x83: {  	v1 =	vld [tilespmem:$0x80];
	_ =	sdelay $0x2  }
0x84: {  	v2 =	vld [tilespmem:$0x8180];
	_ =	sdelay $0x4  }
0x85: {  	[tilespmem:v1+s30+$0x0] =	vst.idx.add.f32.msk $0xffff, v2  }
0x86: {  	v1 =	vld [tilespmem:$0x90];
	_ =	sdelay $0x2  }
0x87: {  	v2 =	vld [tilespmem:$0x8190];
	_ =	sdelay $0x4  }
0x88: {  	[tilespmem:v1+s30+$0x0] =	vst.idx.add.f32.msk $0xffff, v2  }
0x89: {  	v1 =	vld [tilespmem:$0xA0];
	_ =	sdelay $0x2  }
0x8a: {  	v2 =	vld [tilespmem:$0x81A0];
	_ =	sdelay $0x4  }
0x8b: {  	[tilespmem:v1+s30+$0x0] =	vst.idx.add.f32.msk $0xffff, v2  }
0x8c: {  	v1 =	vld [tilespmem:$0xB0];
	_ =	sdelay $0x2  }
0x8d: {  	v2 =	vld [tilespmem:$0x81B0];
	_ =	sdelay $0x4  }
0x8e: {  	[tilespmem:v1+s30+$0x0] =	vst.idx.add.f32.msk $0xffff, v2  }
0x8f: {  	v1 =	vld [tilespmem:$0xC0];
	_ =	sdelay $0x2  }
0x90: {  	v2 =	vld [tilespmem:$0x81C0];
	_ =	sdelay $0x4  }
0x91: {  	[tilespmem:v1+s30+$0x0] =	vst.idx.add.f32.msk $0xffff, v2  }
0x92: {  	v1 =	vld [tilespmem:$0xD0];
	_ =	sdelay $0x2  }
0x93: {  	v2 =	vld [tilespmem:$0x81D0];
	_ =	sdelay $0x4  }
0x94: {  	[tilespmem:v1+s30+$0x0] =	vst.idx.add.f32.msk $0xffff, v2  }
0x95: {  	v1 =	vld [tilespmem:$0xE0];
	_ =	sdelay $0x2  }
0x96: {  	v2 =	vld [tilespmem:$0x81E0];
	_ =	sdelay $0x4  }
0x97: {  	[tilespmem:v1+s30+$0x0] =	vst.idx.add.f32.msk $0xffff, v2  }
0x98: {  	v1 =	vld [tilespmem:$0xF0];
	_ =	sdelay $0x2  }
0x99: {  	v2 =	vld [tilespmem:$0x81F0];
	_ =	sdelay $0x3  }
0x9a: {  	s9 =	smin.u32 s0, $0x4E  }
0x9b: {  	s8 =	sshll.u32 s9, $0x7;
	[tilespmem:v1+s30+$0x0] =	vst.idx.add.f32.msk $0xffff, v2  }
0x9c: {  	[spmem:s3] =	stream.indirect.scatter.add.f32 [tilespmem:s26], [sflag:$0x3], $0x80, s25, s25, $0xb8;
	[tilespmem:$0x1EA00] =	vst v63  }
0x9d: {  	s8 =	sadd.s32 s8, s18;
	_ =	swait.ge [sflag:s22], $0x4000  }
0x9e: {  	s9 =	sshrl.u32 s8, $0x3;
	[sflag:s22] =	ssyncset.done $0x0  }
0x9f: {  	p0 =	sne.s32 s0, $0x50;
	s10 =	sadd.s32 s6, s9;
	[sflag:s22] =	ssyncadd.s32 $0xFFFFC000  }
0xa0: {  	[tilespmem:s25], [sflag:$0x2] =	stream.linear.gather [hbm4b:s10+s4], $0x80, $0x38;
	[tilespmem:$0x1EA00] =	vst v63  }
.Ltmp2:
0xa1: {  	s8 =	sshll.u32 s8, $0x4;
	(pc) =	sbr.rel @p0 .LBB2_6-.Ltmp2, $4  }
0xa2: {  	s8 =	sadd.s32 s5, s8  }
0xa3: {  	[tilespmem:s26], [sflag:$0x2] =	stream.linear.gather [hbm4b:s8+s4], $0x4000, $0x38;
	[tilespmem:$0x1EA00] =	vst v63  }
0xa4: {  	s0 =	sadd.s32 $0x2, s0;
	s10 =	sadd.s32 s2, s9  }
0xa5: {  	[tilespmem:s28], [sflag:$0x2] =	stream.linear.gather [hbm4b:s10+s4], $0x80, $0x38;
	[tilespmem:$0x1EA00] =	vst v63  }
0xa6: {  	_ =	swait.ge [sflag:s29], $0x80  }
0xa7: {  	[sflag:s29] =	ssyncset.done $0x0  }
0xa8: {  	[sflag:s29] =	ssyncadd.s32 $0xFFFFFF80  }
0xa9: {  	_ =	swait.ge [sflag:s29], $0x4000  }
0xaa: {  	[sflag:s29] =	ssyncset.done $0x0  }
0xab: {  	[sflag:s29] =	ssyncadd.s32 $0xFFFFC000  }
0xac: {  	_ =	swait.ge [sflag:s29], $0x80  }
0xad: {  	[sflag:s29] =	ssyncset.done $0x0  }
0xae: {  	[sflag:s29] =	ssyncadd.s32 $0xFFFFFF80  }
0xaf: {  	_ =	swait.ge [sflag:s31], $0x80  }
0xb0: {  	[sflag:s31] =	ssyncset.done $0x0  }
0xb1: {  	[sflag:s31] =	ssyncadd.s32 $0xFFFFFF80  }
0xb2: {  	_ =	swait.ge [sflag:s31], $0x4000  }
0xb3: {  	[sflag:s31] =	ssyncset.done $0x0  }
0xb4: {  	[sflag:s31] =	ssyncadd.s32 $0xFFFFC000  }
0xb5: {  	_ =	swait.ge [sflag:s31], $0x80  }
0xb6: {  	[sflag:s31] =	ssyncset.done $0x0  }
0xb7: {  	[sflag:s31] =	ssyncadd.s32 $0xFFFFFF80  }
0xb8: {  	s0 =	simm.s32 $0x400;
	s10 =	stileid.u32;
	[bflag:$0x0] =	sbarrier.arrive $0xFFFF  }
0xb9: {  	[hbm4b:s19+s25] =	stream.strided.scatter [tilespmem:s30], [sflag:$0x3], $0x2800, s0, s25, $0x38;
	[tilespmem:$0x1EA00] =	vst v63  }
0xba: {  	s8 =	sshrl.u32 s7, $0x3;
	s1 =	sadd.s32 $0x1, s1;
	_ =	swait.ge [sflag:s22], $0x2800  }
0xbb: {  	p0 =	sne.s32 s1, s20;
	s0 =	sshll.u32 s10, $0x6;
	[sflag:s22] =	ssyncset.done $0x0  }
.Ltmp3:
0xbc: {  	s0 =	sor.u32 $0x1C03, s0;
	[sflag:s22] =	ssyncadd.s32 $0xFFFFD800;
	(pc) =	sbr.rel @p0 .LBB2_1-.Ltmp3, $4  }
0xbd: {  	[hbm:s24], [sflag:s0] =	dma.local [spmem:s8], $0x2800  }
0xbe: {  	_ =	swait.ge [sflag:s22], $0x2800  }
0xbf: {  	[sflag:s22] =	ssyncset.done $0x0  }
0xc0: {  	[sflag:s22] =	ssyncadd.s32 $0xFFFFD800  }
0xc1: {  	_ =	sfence.sel $0x180000  }
0xc2: {  	[bflag:$0x0] =	sbarrier.arrive $0xFFFF  }
0xc3: {  	_ =	strace $0x90000050  }
0xc4: {  	s0 =	stileid.u32;
	[bflag:$0x2] =	sbarrier.arrive $0xFFFF  }
0xc5: {  	p0 =	sne.s32 s0, $0x0;
	s0 =	rddreg [dreg:$0x3]  }
0xc6: {  	s0 =	sadd.s32 @!p0 $0x100000, s0  }
0xc7: {  	[sflag:s0] =	ssyncadd.tile.s32 @!p0 $0x1;
	_ =	shalt  }
.Lfunc_end2:
_tile_overlayer_lowered:
.L_overlay_start_2:
0xc8: {  	(tag) =	ssettag $0x2  }
0xc9: {  	s0 =	rddreg [dreg:$0x0];
	s2 =	stileid.u32  }
0xca: {  	s1 =	rddreg [dreg:$0x1];
	p0 =	sne.s32 s2, $0x0  }
0xcb: {  	s3 =	rddreg [dreg:$0x2];
	[bflag:$0x3] =	sbarrier.arrive $0xFFFF;
	s2 =	simm.s32 @!p0 $0x1C03  }
0xcc: {  	[timem:s3], [sflag:s2] =	dma.local @!p0 [hbm:s0], s1  }
0xcd: {  	s0 =	simm.s32 @!p0 $0x3  }
0xce: {  	_ =	swait.ge @!p0 [sflag:s0], s1  }
0xcf: {  	s1 =	ssub.s32 @!p0 $0x0, s1;
	[sflag:s0] =	ssyncset.done @!p0 $0x0  }
0xd0: {  	[sflag:s0] =	ssyncadd.s32 @!p0 s1  }
0xd1: {  	[bflag:$0x3] =	sbarrier.arrive $0xFFFF  }
0xd2: {  	_ =	shalt  }

</sc_bundles>
